<compile_context>
chip_gen: v7x
topology: tpu7x:2x2x1
jax: 0.10.2.dev20260603
libtpu: 0.0.44.dev20260713+nightly
codegen_flags: <defaults>
</compile_context>

<pallas_src>
import functools

import jax
import jax.numpy as jnp
from jax import lax
from jax.experimental import pallas as pl
from jax.experimental.pallas import tpu as pltpu
from jax.experimental.pallas import tpu_sc as plsc

N = 10000
E = 320000
D = 128
NC = 2
NS = 16
NW = NC * NS
EPW = E // NW
CHUNK = 125
NCHUNK = EPW // CHUNK
NPHASE = 4
NHALF = NCHUNK // NPHASE
HROWS = 80
NPAD = 10240
TSTRIPE = NPAD // NS
LASTROWS = N - 15 * TSTRIPE

def _hist_body(dst_hbm, out_hbm, dvals, hist):
    cid = lax.axis_index("c")
    sid = lax.axis_index("s")
    tid = cid * NS + sid

    zeros16 = jnp.zeros((16,), jnp.float32)

    def zb(i, carry):
        hist[pl.ds(i * 16, 16)] = zeros16
        return carry
    lax.fori_loop(0, NPAD // 16, zb, 0)

    pltpu.sync_copy(dst_hbm.at[tid], dvals)

    ones16 = jnp.ones((16,), jnp.float32)

    def hb(i, carry):
        d = dvals[pl.ds(i * 16, 16)]
        plsc.addupdate_scatter(hist, [d], ones16)
        return carry
    lax.fori_loop(0, EPW // 16, hb, 0)

    pltpu.sync_copy(hist, out_hbm.at[tid])


@functools.cache
def _sc_calls():
    mesh = plsc.VectorSubcoreMesh(
        core_axis_name="c", subcore_axis_name="s", num_cores=NC, num_subcores=NS
    )
    params = pltpu.CompilerParams(needs_layout_passes=False)
    hist_call = pl.kernel(
        _hist_body,
        out_type=jax.ShapeDtypeStruct((NW, NPAD), jnp.float32),
        mesh=mesh,
        compiler_params=params,
        scratch_types=[
            pltpu.VMEM((EPW,), jnp.int32),
            pltpu.VMEM((NPAD,), jnp.float32),
        ],
    )
    scatter_call = pl.kernel(
        _scatter_body,
        out_type=jax.ShapeDtypeStruct((NC, N, D), jnp.float32),
        mesh=mesh,
        compiler_params=params,
        scratch_types=[
            pltpu.VMEM((NHALF, CHUNK), jnp.int32),
            pltpu.VMEM((NHALF, CHUNK), jnp.int32),
            pltpu.VMEM((CHUNK, D), jnp.float32),
            pltpu.VMEM((CHUNK, D), jnp.float32),
            pltpu.SemaphoreType.DMA,
            pltpu.SemaphoreType.DMA,
            pltpu.SemaphoreType.DMA,
            pltpu.SemaphoreType.DMA,
            pltpu.VMEM_SHARED((NPAD, D), jnp.float32),
        ],
    )
    return hist_call, scatter_call


def _scatter_body(xt_hbm, src_hbm, dst_hbm, out_hbm,
                  src_v, dst_v, rows0, rows1, gsem0, gsem1, ssem0, ssem1, h_sh):
    cid = lax.axis_index("c")
    sid = lax.axis_index("s")
    tid = cid * NS + sid

    @pl.when(sid < NS - 1)
    def _():
        pltpu.sync_copy(
            xt_hbm.at[pl.ds(sid * TSTRIPE, TSTRIPE)],
            h_sh.at[pl.ds(sid * TSTRIPE, TSTRIPE)],
        )

    @pl.when(sid == NS - 1)
    def _():
        pltpu.sync_copy(
            xt_hbm.at[pl.ds((NS - 1) * TSTRIPE, LASTROWS)],
            h_sh.at[pl.ds((NS - 1) * TSTRIPE, LASTROWS)],
        )

    plsc.subcore_barrier()

    def _gather(c, rows, sem):
        return pltpu.async_copy(xt_hbm.at[src_v.at[c]], rows, sem)

    def _gather_wait(c, rows, sem):
        pltpu.make_async_copy(xt_hbm.at[src_v.at[c]], rows, sem).wait()

    def _scatter(c, rows, sem):
        return pltpu.async_copy(rows, h_sh.at[dst_v.at[c]], sem, add=True)

    def _scatter_wait(c, rows, sem):
        pltpu.make_async_copy(rows, h_sh.at[dst_v.at[c]], sem).wait()

    def cb(i, carry):
        c = 2 * i
        _gather_wait(c, rows0, gsem0)
        _scatter(c, rows0, ssem0)

        @pl.when(c > 0)
        def _():
            _scatter_wait(c - 1, rows1, ssem1)

        _gather(c + 1, rows1, gsem1)
        _gather_wait(c + 1, rows1, gsem1)
        _scatter(c + 1, rows1, ssem1)
        _scatter_wait(c, rows0, ssem0)

        @pl.when(c + 2 < NHALF)
        def _():
            _gather(c + 2, rows0, gsem0)
        return carry

    for h in range(NPHASE):
        pltpu.sync_copy(src_hbm.at[tid, h], src_v)
        pltpu.sync_copy(dst_hbm.at[tid, h], dst_v)
        _gather(0, rows0, gsem0)
        lax.fori_loop(0, NHALF // 2, cb, 0)
        _scatter_wait(NHALF - 1, rows1, ssem1)

    plsc.subcore_barrier()

    @pl.when(sid < NS - 1)
    def _():
        pltpu.sync_copy(
            h_sh.at[pl.ds(sid * TSTRIPE, TSTRIPE)],
            out_hbm.at[cid, pl.ds(sid * TSTRIPE, TSTRIPE)],
        )

    @pl.when(sid == NS - 1)
    def _():
        pltpu.sync_copy(
            h_sh.at[pl.ds((NS - 1) * TSTRIPE, LASTROWS)],
            out_hbm.at[cid, pl.ds((NS - 1) * TSTRIPE, LASTROWS)],
        )


def _row_scale(p_ref):
    deg = jnp.sum(p_ref[...], axis=0) + 1.0
    return lax.rsqrt(deg)[:, None]


def _norm_body(x_ref, p_ref, xt_ref):
    xt_ref[...] = x_ref[...] * _row_scale(p_ref)


def _out_body(x_ref, parts_ref, p_ref, w_ref, b_ref, o_ref):
    dis = _row_scale(p_ref)
    x = x_ref[...]
    s = (parts_ref[0] + parts_ref[1] - x * dis) * dis
    h = lax.dot_general(
        s, w_ref[...], (((1,), (1,)), ((), ())),
        preferred_element_type=jnp.float32,
    ) + b_ref[...]
    o_ref[...] = x + jnp.maximum(h, 0.0)


_RB = 1024


def kernel(x, edge_index, W, b):
    src = edge_index[0].astype(jnp.int32)
    dst = edge_index[1].astype(jnp.int32)
    src3 = src.reshape(NW, NPHASE, NHALF, CHUNK)
    dst3 = dst.reshape(NW, NPHASE, NHALF, CHUNK)
    dst2 = dst.reshape(NW, EPW)

    hist_call, scatter_call = _sc_calls()
    ps = hist_call(dst2)

    grid = (N + _RB - 1) // _RB
    row_spec = pl.BlockSpec((_RB, D), lambda i: (i, 0))
    hist_spec = pl.BlockSpec((NW, _RB), lambda i: (0, i))

    xt = pl.pallas_call(
        _norm_body,
        grid=(grid,),
        in_specs=[row_spec, hist_spec],
        out_specs=row_spec,
        out_shape=jax.ShapeDtypeStruct((N, D), jnp.float32),
    )(x, ps)

    parts = scatter_call(xt, src3, dst3)

    out = pl.pallas_call(
        _out_body,
        grid=(grid,),
        in_specs=[
            row_spec,
            pl.BlockSpec((NC, _RB, D), lambda i: (0, i, 0)),
            hist_spec,
            pl.BlockSpec((D, D), lambda i: (0, 0)),
            pl.BlockSpec((1, D), lambda i: (0, 0)),
        ],
        out_specs=row_spec,
        out_shape=jax.ShapeDtypeStruct((N, D), jnp.float32),
    )(x, parts, ps, W, b.reshape(1, D))
    return out

# --- scband reference (transcript-rebuilt; emitter-appended) ---
"""Pipeline reference for scband-sgc-83330955477196 (READ-ONLY COPY).

The authoritative reference and input builder live on the scoring server;
editing this copy changes nothing except your own understanding.
"""

import jax, jax.numpy as jnp
import numpy as np

N_NODES = 10000
N_EDGES = 320000
D_FEAT = 128
D_OUT = 128

def setup_inputs(seed: int = 0) -> dict:
    key = jax.random.key(seed)
    k1, k2, k3, k4 = jax.random.split(key, 4)
    x = jax.random.normal(k1, (N_NODES, D_FEAT), dtype=jnp.float32)
    edge_index = jax.random.randint(k2, (2, N_EDGES), 0, N_NODES, dtype=jnp.int64)
    # SGConv linear layer params (torch Linear: weight [out, in], bias [out])
    bound = 1.0 / np.sqrt(D_FEAT)
    W = jax.random.uniform(k3, (D_OUT, D_FEAT), minval=-bound, maxval=bound, dtype=jnp.float32)
    b = jax.random.uniform(k4, (D_OUT,), minval=-bound, maxval=bound, dtype=jnp.float32)
    return {"x": x, "edge_index": edge_index, "W": W, "b": b}

def reference(x, edge_index, W, b):
    N = x.shape[0]
    src = edge_index[0]
    dst = edge_index[1]
    # gcn_norm with add_self_loops=True
    self_idx = jnp.arange(N, dtype=src.dtype)
    src_a = jnp.concatenate([src, self_idx])
    dst_a = jnp.concatenate([dst, self_idx])
    deg = jnp.zeros((N,), dtype=jnp.float32).at[dst_a].add(1.0)
    deg_inv_sqrt = jnp.where(deg > 0, 1.0 / jnp.sqrt(deg), 0.0)
    norm = deg_inv_sqrt[src_a] * deg_inv_sqrt[dst_a]
    # K=1 propagation: gather from src, scale, scatter-add at dst
    msg = x[src_a] * norm[:, None]
    h = jnp.zeros_like(x).at[dst_a].add(msg)
    # linear projection
    h = h @ W.T + b
    # residual + relu
    return x + jax.nn.relu(h)

if __name__ == "__main__":
    import jax
    _d = setup_inputs()
    print(jax.jit(kernel)(*tuple(_d.values())))

</pallas_src>

<mosaic_0001>
#map = affine_map<(d0, d1) -> (0, 0)>
module attributes {stable_mosaic.version = 14 : i64} {
  func.func @_hist_body(%arg0: i32, %arg1: i32, %arg2: memref<32x10000xi32, #tpu.memory_space<hbm>>, %arg3: memref<32x10240xf32, #tpu.memory_space<hbm>>, %arg4: memref<10000xi32, #tpu.memory_space<vmem>>, %arg5: memref<10240xf32, #tpu.memory_space<vmem>>) attributes {dimension_semantics = [#tpu.dimension_semantics<core_parallel>, #tpu.dimension_semantics<subcore_parallel>], iteration_bounds = array<i64: 2, 16>, scalar_prefetch = 0 : i64, scratch_operands = 2 : i64, tpu.core_type = #tpu.core_type<sc_vector_subcore>, window_params = [{transform_indices = #map}, {transform_indices = #map}]} {
    %mul3A = arith.constant 16 : i32
    %mul3A_0 = arith.muli %arg0, %mul3A : i32
    %add3A = arith.addi %mul3A_0, %arg1 : i32
    %broadcast_in_dim3A = arith.constant 0.000000e+00 : f32
    %broadcast_in_dim3A_1 = vector.broadcast %broadcast_in_dim3A : f32 to vector<16xf32>
    %scan3A = arith.constant 0 : i32
    %scan3A_2 = arith.constant 0 : i32
    %scan3A_3 = arith.constant 640 : i32
    %scan3A_4 = arith.addi %scan3A_2, %scan3A_3 : i32
    %scan3A_5 = arith.constant 1 : i32
    scf.for %scan3A_15 = %scan3A_2 to %scan3A_4 step %scan3A_5  : i32 {
      %mul3A_16 = arith.constant 16 : i32
      %mul3A_17 = arith.muli %scan3A_15, %mul3A_16 : i32
      %swap3A = arith.index_cast %mul3A_17 : i32 to index
      %swap3A_18 = tpu.vector_load %arg5[%swap3A] {strides = array<i32>} : memref<10240xf32, #tpu.memory_space<vmem>>, vector<16xf32>,
      tpu.vector_store %arg5[%swap3A], %broadcast_in_dim3A_1 {strides = array<i32>} : memref<10240xf32, #tpu.memory_space<vmem>>, vector<16xf32>,
    }
    %scan3A_6 = arith.constant 640 : i32
    "tpu.region"() ({
      %run_scoped3A = tpu.sem_alloc : memref<!tpu.dma_semaphore, #tpu.memory_space<semaphore_mem>>
      %dma_start3A = arith.constant 0 : i32
      %dma_start3A_15 = tpu.memref_slice %arg2[%add3A, %dma_start3A] : memref<32x10000xi32, #tpu.memory_space<hbm>> -> memref<1x10000xi32, #tpu.memory_space<hbm>>
      %dma_start3A_16 = tpu.memref_squeeze %dma_start3A_15 : memref<1x10000xi32, #tpu.memory_space<hbm>> -> memref<10000xi32, #tpu.memory_space<hbm>>
      %dma_start3A_17 = arith.constant 0 : i32
      %dma_start3A_18 = tpu.memref_slice %arg2[%add3A, %dma_start3A_17] : memref<32x10000xi32, #tpu.memory_space<hbm>> -> memref<1x10000xi32, #tpu.memory_space<hbm>>
      %dma_start3A_19 = tpu.memref_squeeze %dma_start3A_18 : memref<1x10000xi32, #tpu.memory_space<hbm>> -> memref<10000xi32, #tpu.memory_space<hbm>>
      tpu.enqueue_dma source(%dma_start3A_19 : memref<10000xi32, #tpu.memory_space<hbm>>) target(%arg4 : memref<10000xi32, #tpu.memory_space<vmem>>) target_semaphore(%run_scoped3A : memref<!tpu.dma_semaphore, #tpu.memory_space<semaphore_mem>>)
      %dma_wait3A = arith.constant 0 : i32
      %dma_wait3A_20 = tpu.memref_slice %arg2[%add3A, %dma_wait3A] : memref<32x10000xi32, #tpu.memory_space<hbm>> -> memref<1x10000xi32, #tpu.memory_space<hbm>>
      %dma_wait3A_21 = tpu.memref_squeeze %dma_wait3A_20 : memref<1x10000xi32, #tpu.memory_space<hbm>> -> memref<10000xi32, #tpu.memory_space<hbm>>
      %dma_wait3A_22 = arith.constant 0 : i32
      %dma_wait3A_23 = tpu.memref_slice %arg2[%add3A, %dma_wait3A_22] : memref<32x10000xi32, #tpu.memory_space<hbm>> -> memref<1x10000xi32, #tpu.memory_space<hbm>>
      %dma_wait3A_24 = tpu.memref_squeeze %dma_wait3A_23 : memref<1x10000xi32, #tpu.memory_space<hbm>> -> memref<10000xi32, #tpu.memory_space<hbm>>
      tpu.wait_dma2 semaphore(%run_scoped3A : memref<!tpu.dma_semaphore, #tpu.memory_space<semaphore_mem>>) src(%dma_wait3A_24 : memref<10000xi32, #tpu.memory_space<hbm>>) dst(%arg4 : memref<10000xi32, #tpu.memory_space<vmem>>)
      tpu.yield
    }) : () -> ()
    %broadcast_in_dim3A_7 = arith.constant 1.000000e+00 : f32
    %broadcast_in_dim3A_8 = vector.broadcast %broadcast_in_dim3A_7 : f32 to vector<16xf32>
    %scan3A_9 = arith.constant 0 : i32
    %scan3A_10 = arith.constant 0 : i32
    %scan3A_11 = arith.constant 625 : i32
    %scan3A_12 = arith.addi %scan3A_10, %scan3A_11 : i32
    %scan3A_13 = arith.constant 1 : i32
    scf.for %scan3A_15 = %scan3A_10 to %scan3A_12 step %scan3A_13  : i32 {
      %mul3A_16 = arith.constant 16 : i32
      %mul3A_17 = arith.muli %scan3A_15, %mul3A_16 : i32
      %get3A = arith.index_cast %mul3A_17 : i32 to index
      %get3A_18 = tpu.vector_load %arg4[%get3A] {strides = array<i32>} : memref<10000xi32, #tpu.memory_space<vmem>>, vector<16xi32>,
      tpu.vector_store_idx %arg5[%get3A_18], %broadcast_in_dim3A_8 {add = true} : memref<10240xf32, #tpu.memory_space<vmem>>[vector<16xi32>], vector<16xf32>,
    }
    %scan3A_14 = arith.constant 625 : i32
    "tpu.region"() ({
      %run_scoped3A = tpu.sem_alloc : memref<!tpu.dma_semaphore, #tpu.memory_space<semaphore_mem>>
      %dma_start3A = arith.constant 0 : i32
      %dma_start3A_15 = tpu.memref_slice %arg3[%add3A, %dma_start3A] : memref<32x10240xf32, #tpu.memory_space<hbm>> -> memref<1x10240xf32, #tpu.memory_space<hbm>>
      %dma_start3A_16 = tpu.memref_squeeze %dma_start3A_15 : memref<1x10240xf32, #tpu.memory_space<hbm>> -> memref<10240xf32, #tpu.memory_space<hbm>>
      %dma_start3A_17 = arith.constant 0 : i32
      %dma_start3A_18 = tpu.memref_slice %arg3[%add3A, %dma_start3A_17] : memref<32x10240xf32, #tpu.memory_space<hbm>> -> memref<1x10240xf32, #tpu.memory_space<hbm>>
      %dma_start3A_19 = tpu.memref_squeeze %dma_start3A_18 : memref<1x10240xf32, #tpu.memory_space<hbm>> -> memref<10240xf32, #tpu.memory_space<hbm>>
      tpu.enqueue_dma source(%arg5 : memref<10240xf32, #tpu.memory_space<vmem>>) target(%dma_start3A_19 : memref<10240xf32, #tpu.memory_space<hbm>>) target_semaphore(%run_scoped3A : memref<!tpu.dma_semaphore, #tpu.memory_space<semaphore_mem>>)
      %dma_wait3A = arith.constant 0 : i32
      %dma_wait3A_20 = tpu.memref_slice %arg3[%add3A, %dma_wait3A] : memref<32x10240xf32, #tpu.memory_space<hbm>> -> memref<1x10240xf32, #tpu.memory_space<hbm>>
      %dma_wait3A_21 = tpu.memref_squeeze %dma_wait3A_20 : memref<1x10240xf32, #tpu.memory_space<hbm>> -> memref<10240xf32, #tpu.memory_space<hbm>>
      %dma_wait3A_22 = arith.constant 0 : i32
      %dma_wait3A_23 = tpu.memref_slice %arg3[%add3A, %dma_wait3A_22] : memref<32x10240xf32, #tpu.memory_space<hbm>> -> memref<1x10240xf32, #tpu.memory_space<hbm>>
      %dma_wait3A_24 = tpu.memref_squeeze %dma_wait3A_23 : memref<1x10240xf32, #tpu.memory_space<hbm>> -> memref<10240xf32, #tpu.memory_space<hbm>>
      tpu.wait_dma2 semaphore(%run_scoped3A : memref<!tpu.dma_semaphore, #tpu.memory_space<semaphore_mem>>) src(%arg5 : memref<10240xf32, #tpu.memory_space<vmem>>) dst(%dma_wait3A_24 : memref<10240xf32, #tpu.memory_space<hbm>>)
      tpu.yield
    }) : () -> ()
    return
  }
}

#map = affine_map<(d0, d1) -> (0, 0)>
#map1 = affine_map<(d0, d1) -> (0, 0, 0, 0)>
#map2 = affine_map<(d0, d1) -> (0, 0, 0)>
module attributes {stable_mosaic.version = 14 : i64} {
  func.func @_scatter_body(%arg0: i32, %arg1: i32, %arg2: memref<10000x128xf32, #tpu.memory_space<hbm>>, %arg3: memref<32x4x20x125xi32, #tpu.memory_space<hbm>>, %arg4: memref<32x4x20x125xi32, #tpu.memory_space<hbm>>, %arg5: memref<2x10000x128xf32, #tpu.memory_space<hbm>>, %arg6: memref<20x125xi32, #tpu.memory_space<vmem>>, %arg7: memref<20x125xi32, #tpu.memory_space<vmem>>, %arg8: memref<125x128xf32, #tpu.memory_space<vmem>>, %arg9: memref<125x128xf32, #tpu.memory_space<vmem>>, %arg10: memref<!tpu.dma_semaphore, #tpu.memory_space<semaphore_mem>>, %arg11: memref<!tpu.dma_semaphore, #tpu.memory_space<semaphore_mem>>, %arg12: memref<!tpu.dma_semaphore, #tpu.memory_space<semaphore_mem>>, %arg13: memref<!tpu.dma_semaphore, #tpu.memory_space<semaphore_mem>>, %arg14: memref<10240x128xf32, #tpu.memory_space<vmem_shared>>) attributes {dimension_semantics = [#tpu.dimension_semantics<core_parallel>, #tpu.dimension_semantics<subcore_parallel>], iteration_bounds = array<i64: 2, 16>, scalar_prefetch = 0 : i64, scratch_operands = 9 : i64, tpu.core_type = #tpu.core_type<sc_vector_subcore>, window_params = [{transform_indices = #map}, {transform_indices = #map1}, {transform_indices = #map1}, {transform_indices = #map2}]} {
    %mul3A = arith.constant 16 : i32
    %mul3A_0 = arith.muli %arg0, %mul3A : i32
    %add3A = arith.addi %mul3A_0, %arg1 : i32
    %lt3A = arith.constant 15 : i32
    %lt3A_1 = arith.cmpi slt, %arg1, %lt3A : i32
    %convert_element_type3A = arith.extui %lt3A_1 : i1 to i32
    %cond3A = arith.constant 0 : i32
    %cond3A_2 = arith.cmpi ne, %convert_element_type3A, %cond3A : i32
    scf.if %cond3A_2 {
      %mul3A_102 = arith.constant 640 : i32
      %mul3A_103 = arith.muli %arg1, %mul3A_102 : i32
      %mul3A_104 = arith.constant 640 : i32
      %mul3A_105 = arith.muli %arg1, %mul3A_104 : i32
      "tpu.region"() ({
        %run_scoped3A_106 = tpu.sem_alloc : memref<!tpu.dma_semaphore, #tpu.memory_space<semaphore_mem>>
        %dma_start3A_107 = arith.constant 0 : i32
        %dma_start3A_108 = tpu.memref_slice %arg14[%mul3A_105, %dma_start3A_107] : memref<10240x128xf32, #tpu.memory_space<vmem_shared>> -> memref<640x128xf32, #tpu.memory_space<vmem_shared>>
        %dma_start3A_109 = arith.constant 0 : i32
        %dma_start3A_110 = tpu.memref_slice %arg2[%mul3A_103, %dma_start3A_109] : memref<10000x128xf32, #tpu.memory_space<hbm>> -> memref<640x128xf32, #tpu.memory_space<hbm>>
        tpu.enqueue_dma source(%dma_start3A_110 : memref<640x128xf32, #tpu.memory_space<hbm>>) target(%dma_start3A_108 : memref<640x128xf32, #tpu.memory_space<vmem_shared>>) target_semaphore(%run_scoped3A_106 : memref<!tpu.dma_semaphore, #tpu.memory_space<semaphore_mem>>)
        %dma_wait3A_111 = arith.constant 0 : i32
        %dma_wait3A_112 = tpu.memref_slice %arg14[%mul3A_105, %dma_wait3A_111] : memref<10240x128xf32, #tpu.memory_space<vmem_shared>> -> memref<640x128xf32, #tpu.memory_space<vmem_shared>>
        %dma_wait3A_113 = arith.constant 0 : i32
        %dma_wait3A_114 = tpu.memref_slice %arg2[%mul3A_103, %dma_wait3A_113] : memref<10000x128xf32, #tpu.memory_space<hbm>> -> memref<640x128xf32, #tpu.memory_space<hbm>>
        tpu.wait_dma2 semaphore(%run_scoped3A_106 : memref<!tpu.dma_semaphore, #tpu.memory_space<semaphore_mem>>) src(%dma_wait3A_114 : memref<640x128xf32, #tpu.memory_space<hbm>>) dst(%dma_wait3A_112 : memref<640x128xf32, #tpu.memory_space<vmem_shared>>)
        tpu.yield
      }) : () -> ()
    } else {
    }
    %eq3A = arith.constant 15 : i32
    %eq3A_3 = arith.cmpi eq, %arg1, %eq3A : i32
    %convert_element_type3A_4 = arith.extui %eq3A_3 : i1 to i32
    %cond3A_5 = arith.constant 0 : i32
    %cond3A_6 = arith.cmpi ne, %convert_element_type3A_4, %cond3A_5 : i32
    scf.if %cond3A_6 {
      "tpu.region"() ({
        %run_scoped3A_102 = tpu.sem_alloc : memref<!tpu.dma_semaphore, #tpu.memory_space<semaphore_mem>>
        %dma_start3A_103 = arith.constant 9600 : i32
        %dma_start3A_104 = arith.constant 0 : i32
        %dma_start3A_105 = tpu.memref_slice %arg14[%dma_start3A_103, %dma_start3A_104] : memref<10240x128xf32, #tpu.memory_space<vmem_shared>> -> memref<400x128xf32, #tpu.memory_space<vmem_shared>>
        %dma_start3A_106 = arith.constant 9600 : i32
        %dma_start3A_107 = arith.constant 0 : i32
        %dma_start3A_108 = tpu.memref_slice %arg2[%dma_start3A_106, %dma_start3A_107] : memref<10000x128xf32, #tpu.memory_space<hbm>> -> memref<400x128xf32, #tpu.memory_space<hbm>>
        tpu.enqueue_dma source(%dma_start3A_108 : memref<400x128xf32, #tpu.memory_space<hbm>>) target(%dma_start3A_105 : memref<400x128xf32, #tpu.memory_space<vmem_shared>>) target_semaphore(%run_scoped3A_102 : memref<!tpu.dma_semaphore, #tpu.memory_space<semaphore_mem>>)
        %dma_wait3A_109 = arith.constant 9600 : i32
        %dma_wait3A_110 = arith.constant 0 : i32
        %dma_wait3A_111 = tpu.memref_slice %arg14[%dma_wait3A_109, %dma_wait3A_110] : memref<10240x128xf32, #tpu.memory_space<vmem_shared>> -> memref<400x128xf32, #tpu.memory_space<vmem_shared>>
        %dma_wait3A_112 = arith.constant 9600 : i32
        %dma_wait3A_113 = arith.constant 0 : i32
        %dma_wait3A_114 = tpu.memref_slice %arg2[%dma_wait3A_112, %dma_wait3A_113] : memref<10000x128xf32, #tpu.memory_space<hbm>> -> memref<400x128xf32, #tpu.memory_space<hbm>>
        tpu.wait_dma2 semaphore(%run_scoped3A_102 : memref<!tpu.dma_semaphore, #tpu.memory_space<semaphore_mem>>) src(%dma_wait3A_114 : memref<400x128xf32, #tpu.memory_space<hbm>>) dst(%dma_wait3A_111 : memref<400x128xf32, #tpu.memory_space<vmem_shared>>)
        tpu.yield
      }) : () -> ()
    } else {
    }
    %barrier3A = arith.constant 0 : index
    tpu.barrier barrier_id(%barrier3A)
    %run_scoped3A = arith.constant 0 : i32
    "tpu.region"() ({
      %run_scoped3A_102 = tpu.sem_alloc : memref<!tpu.dma_semaphore, #tpu.memory_space<semaphore_mem>>
      %dma_start3A_103 = arith.constant 0 : i32
      %dma_start3A_104 = arith.constant 0 : i32
      %dma_start3A_105 = tpu.memref_slice %arg3[%add3A, %run_scoped3A, %dma_start3A_103, %dma_start3A_104] : memref<32x4x20x125xi32, #tpu.memory_space<hbm>> -> memref<1x1x20x125xi32, #tpu.memory_space<hbm>>
      %dma_start3A_106 = tpu.memref_squeeze %dma_start3A_105 : memref<1x1x20x125xi32, #tpu.memory_space<hbm>> -> memref<20x125xi32, #tpu.memory_space<hbm>>
      %dma_start3A_107 = arith.constant 0 : i32
      %dma_start3A_108 = arith.constant 0 : i32
      %dma_start3A_109 = tpu.memref_slice %arg3[%add3A, %run_scoped3A, %dma_start3A_107, %dma_start3A_108] : memref<32x4x20x125xi32, #tpu.memory_space<hbm>> -> memref<1x1x20x125xi32, #tpu.memory_space<hbm>>
      %dma_start3A_110 = tpu.memref_squeeze %dma_start3A_109 : memref<1x1x20x125xi32, #tpu.memory_space<hbm>> -> memref<20x125xi32, #tpu.memory_space<hbm>>
      tpu.enqueue_dma source(%dma_start3A_110 : memref<20x125xi32, #tpu.memory_space<hbm>>) target(%arg6 : memref<20x125xi32, #tpu.memory_space<vmem>>) target_semaphore(%run_scoped3A_102 : memref<!tpu.dma_semaphore, #tpu.memory_space<semaphore_mem>>)
      %dma_wait3A_111 = arith.constant 0 : i32
      %dma_wait3A_112 = arith.constant 0 : i32
      %dma_wait3A_113 = tpu.memref_slice %arg3[%add3A, %run_scoped3A, %dma_wait3A_111, %dma_wait3A_112] : memref<32x4x20x125xi32, #tpu.memory_space<hbm>> -> memref<1x1x20x125xi32, #tpu.memory_space<hbm>>
      %dma_wait3A_114 = tpu.memref_squeeze %dma_wait3A_113 : memref<1x1x20x125xi32, #tpu.memory_space<hbm>> -> memref<20x125xi32, #tpu.memory_space<hbm>>
      %dma_wait3A_115 = arith.constant 0 : i32
      %dma_wait3A_116 = arith.constant 0 : i32
      %dma_wait3A_117 = tpu.memref_slice %arg3[%add3A, %run_scoped3A, %dma_wait3A_115, %dma_wait3A_116] : memref<32x4x20x125xi32, #tpu.memory_space<hbm>> -> memref<1x1x20x125xi32, #tpu.memory_space<hbm>>
      %dma_wait3A_118 = tpu.memref_squeeze %dma_wait3A_117 : memref<1x1x20x125xi32, #tpu.memory_space<hbm>> -> memref<20x125xi32, #tpu.memory_space<hbm>>
      tpu.wait_dma2 semaphore(%run_scoped3A_102 : memref<!tpu.dma_semaphore, #tpu.memory_space<semaphore_mem>>) src(%dma_wait3A_118 : memref<20x125xi32, #tpu.memory_space<hbm>>) dst(%arg6 : memref<20x125xi32, #tpu.memory_space<vmem>>)
      tpu.yield
    }) : () -> ()
    %run_scoped3A_7 = arith.constant 0 : i32
    "tpu.region"() ({
      %run_scoped3A_102 = tpu.sem_alloc : memref<!tpu.dma_semaphore, #tpu.memory_space<semaphore_mem>>
      %dma_start3A_103 = arith.constant 0 : i32
      %dma_start3A_104 = arith.constant 0 : i32
      %dma_start3A_105 = tpu.memref_slice %arg4[%add3A, %run_scoped3A_7, %dma_start3A_103, %dma_start3A_104] : memref<32x4x20x125xi32, #tpu.memory_space<hbm>> -> memref<1x1x20x125xi32, #tpu.memory_space<hbm>>
      %dma_start3A_106 = tpu.memref_squeeze %dma_start3A_105 : memref<1x1x20x125xi32, #tpu.memory_space<hbm>> -> memref<20x125xi32, #tpu.memory_space<hbm>>
      %dma_start3A_107 = arith.constant 0 : i32
      %dma_start3A_108 = arith.constant 0 : i32
      %dma_start3A_109 = tpu.memref_slice %arg4[%add3A, %run_scoped3A_7, %dma_start3A_107, %dma_start3A_108] : memref<32x4x20x125xi32, #tpu.memory_space<hbm>> -> memref<1x1x20x125xi32, #tpu.memory_space<hbm>>
      %dma_start3A_110 = tpu.memref_squeeze %dma_start3A_109 : memref<1x1x20x125xi32, #tpu.memory_space<hbm>> -> memref<20x125xi32, #tpu.memory_space<hbm>>
      tpu.enqueue_dma source(%dma_start3A_110 : memref<20x125xi32, #tpu.memory_space<hbm>>) target(%arg7 : memref<20x125xi32, #tpu.memory_space<vmem>>) target_semaphore(%run_scoped3A_102 : memref<!tpu.dma_semaphore, #tpu.memory_space<semaphore_mem>>)
      %dma_wait3A_111 = arith.constant 0 : i32
      %dma_wait3A_112 = arith.constant 0 : i32
      %dma_wait3A_113 = tpu.memref_slice %arg4[%add3A, %run_scoped3A_7, %dma_wait3A_111, %dma_wait3A_112] : memref<32x4x20x125xi32, #tpu.memory_space<hbm>> -> memref<1x1x20x125xi32, #tpu.memory_space<hbm>>
      %dma_wait3A_114 = tpu.memref_squeeze %dma_wait3A_113 : memref<1x1x20x125xi32, #tpu.memory_space<hbm>> -> memref<20x125xi32, #tpu.memory_space<hbm>>
      %dma_wait3A_115 = arith.constant 0 : i32
      %dma_wait3A_116 = arith.constant 0 : i32
      %dma_wait3A_117 = tpu.memref_slice %arg4[%add3A, %run_scoped3A_7, %dma_wait3A_115, %dma_wait3A_116] : memref<32x4x20x125xi32, #tpu.memory_space<hbm>> -> memref<1x1x20x125xi32, #tpu.memory_space<hbm>>
      %dma_wait3A_118 = tpu.memref_squeeze %dma_wait3A_117 : memref<1x1x20x125xi32, #tpu.memory_space<hbm>> -> memref<20x125xi32, #tpu.memory_space<hbm>>
      tpu.wait_dma2 semaphore(%run_scoped3A_102 : memref<!tpu.dma_semaphore, #tpu.memory_space<semaphore_mem>>) src(%dma_wait3A_118 : memref<20x125xi32, #tpu.memory_space<hbm>>) dst(%arg7 : memref<20x125xi32, #tpu.memory_space<vmem>>)
      tpu.yield
    }) : () -> ()
    %dma_start3A = arith.constant 0 : i32
    %dma_start3A_8 = arith.constant 0 : i32
    %dma_start3A_9 = tpu.memref_slice %arg6[%dma_start3A, %dma_start3A_8] : memref<20x125xi32, #tpu.memory_space<vmem>> -> memref<1x125xi32, #tpu.memory_space<vmem>>
    %dma_start3A_10 = tpu.memref_squeeze %dma_start3A_9 : memref<1x125xi32, #tpu.memory_space<vmem>> -> memref<125xi32, #tpu.memory_space<vmem>>
    %dma_start3A_11 = arith.constant 0 : i32
    %dma_start3A_12 = arith.constant 0 : i32
    %dma_start3A_13 = tpu.memref_slice %arg2[%dma_start3A_11, %dma_start3A_12] : memref<10000x128xf32, #tpu.memory_space<hbm>> -> memref<10000x128xf32, #tpu.memory_space<hbm>>
    tpu.enqueue_indirect_dma source(%dma_start3A_13 : memref<10000x128xf32, #tpu.memory_space<hbm>>) target(%arg8 : memref<125x128xf32, #tpu.memory_space<vmem>>) offsets(%dma_start3A_10 : memref<125xi32, #tpu.memory_space<vmem>>) semaphore(%arg10 : memref<!tpu.dma_semaphore, #tpu.memory_space<semaphore_mem>>)
    %scan3A = arith.constant 0 : i32
    %scan3A_14 = arith.constant 0 : i32
    %scan3A_15 = arith.constant 10 : i32
    %scan3A_16 = arith.addi %scan3A_14, %scan3A_15 : i32
    %scan3A_17 = arith.constant 1 : i32
    scf.for %scan3A_102 = %scan3A_14 to %scan3A_16 step %scan3A_17  : i32 {
      %mul3A_103 = arith.constant 2 : i32
      %mul3A_104 = arith.muli %mul3A_103, %scan3A_102 : i32
      %dma_wait3A_105 = arith.constant 0 : i32
      %dma_wait3A_106 = tpu.memref_slice %arg6[%mul3A_104, %dma_wait3A_105] : memref<20x125xi32, #tpu.memory_space<vmem>> -> memref<1x125xi32, #tpu.memory_space<vmem>>
      %dma_wait3A_107 = tpu.memref_squeeze %dma_wait3A_106 : memref<1x125xi32, #tpu.memory_space<vmem>> -> memref<125xi32, #tpu.memory_space<vmem>>
      %dma_wait3A_108 = arith.constant 0 : i32
      %dma_wait3A_109 = arith.constant 0 : i32
      %dma_wait3A_110 = tpu.memref_slice %arg2[%dma_wait3A_108, %dma_wait3A_109] : memref<10000x128xf32, #tpu.memory_space<hbm>> -> memref<10000x128xf32, #tpu.memory_space<hbm>>
      tpu.wait_indirect_dma semaphore(%arg10 : memref<!tpu.dma_semaphore, #tpu.memory_space<semaphore_mem>>) src(%dma_wait3A_110 : memref<10000x128xf32, #tpu.memory_space<hbm>>) dst(%arg8 : memref<125x128xf32, #tpu.memory_space<vmem>>)
      %dma_start3A_111 = arith.constant 0 : i32
      %dma_start3A_112 = tpu.memref_slice %arg7[%mul3A_104, %dma_start3A_111] : memref<20x125xi32, #tpu.memory_space<vmem>> -> memref<1x125xi32, #tpu.memory_space<vmem>>
      %dma_start3A_113 = tpu.memref_squeeze %dma_start3A_112 : memref<1x125xi32, #tpu.memory_space<vmem>> -> memref<125xi32, #tpu.memory_space<vmem>>
      %dma_start3A_114 = arith.constant 0 : i32
      %dma_start3A_115 = arith.constant 0 : i32
      %dma_start3A_116 = tpu.memref_slice %arg14[%dma_start3A_114, %dma_start3A_115] : memref<10240x128xf32, #tpu.memory_space<vmem_shared>> -> memref<10240x128xf32, #tpu.memory_space<vmem_shared>>
      tpu.enqueue_indirect_dma source(%arg8 : memref<125x128xf32, #tpu.memory_space<vmem>>) target(%dma_start3A_116 : memref<10240x128xf32, #tpu.memory_space<vmem_shared>>) offsets(%dma_start3A_113 : memref<125xi32, #tpu.memory_space<vmem>>) semaphore(%arg12 : memref<!tpu.dma_semaphore, #tpu.memory_space<semaphore_mem>>) {add = true}
      %gt3A = arith.constant 0 : i32
      %gt3A_117 = arith.cmpi sgt, %mul3A_104, %gt3A : i32
      %convert_element_type3A_118 = arith.extui %gt3A_117 : i1 to i32
      %cond3A_119 = arith.constant 0 : i32
      %cond3A_120 = arith.cmpi ne, %convert_element_type3A_118, %cond3A_119 : i32
      scf.if %cond3A_120 {
        %sub3A = arith.constant 1 : i32
        %sub3A_158 = arith.subi %mul3A_104, %sub3A : i32
        %dma_wait3A_159 = arith.constant 0 : i32
        %dma_wait3A_160 = tpu.memref_slice %arg7[%sub3A_158, %dma_wait3A_159] : memref<20x125xi32, #tpu.memory_space<vmem>> -> memref<1x125xi32, #tpu.memory_space<vmem>>
        %dma_wait3A_161 = tpu.memref_squeeze %dma_wait3A_160 : memref<1x125xi32, #tpu.memory_space<vmem>> -> memref<125xi32, #tpu.memory_space<vmem>>
        %dma_wait3A_162 = arith.constant 0 : i32
        %dma_wait3A_163 = arith.constant 0 : i32
        %dma_wait3A_164 = tpu.memref_slice %arg14[%dma_wait3A_162, %dma_wait3A_163] : memref<10240x128xf32, #tpu.memory_space<vmem_shared>> -> memref<10240x128xf32, #tpu.memory_space<vmem_shared>>
        tpu.wait_indirect_dma semaphore(%arg13 : memref<!tpu.dma_semaphore, #tpu.memory_space<semaphore_mem>>) src(%arg9 : memref<125x128xf32, #tpu.memory_space<vmem>>) dst(%dma_wait3A_164 : memref<10240x128xf32, #tpu.memory_space<vmem_shared>>)
      } else {
      }
      %add3A_121 = arith.constant 1 : i32
      %add3A_122 = arith.addi %mul3A_104, %add3A_121 : i32
      %dma_start3A_123 = arith.constant 0 : i32
      %dma_start3A_124 = tpu.memref_slice %arg6[%add3A_122, %dma_start3A_123] : memref<20x125xi32, #tpu.memory_space<vmem>> -> memref<1x125xi32, #tpu.memory_space<vmem>>
      %dma_start3A_125 = tpu.memref_squeeze %dma_start3A_124 : memref<1x125xi32, #tpu.memory_space<vmem>> -> memref<125xi32, #tpu.memory_space<vmem>>
      %dma_start3A_126 = arith.constant 0 : i32
      %dma_start3A_127 = arith.constant 0 : i32
      %dma_start3A_128 = tpu.memref_slice %arg2[%dma_start3A_126, %dma_start3A_127] : memref<10000x128xf32, #tpu.memory_space<hbm>> -> memref<10000x128xf32, #tpu.memory_space<hbm>>
      tpu.enqueue_indirect_dma source(%dma_start3A_128 : memref<10000x128xf32, #tpu.memory_space<hbm>>) target(%arg9 : memref<125x128xf32, #tpu.memory_space<vmem>>) offsets(%dma_start3A_125 : memref<125xi32, #tpu.memory_space<vmem>>) semaphore(%arg11 : memref<!tpu.dma_semaphore, #tpu.memory_space<semaphore_mem>>)
      %add3A_129 = arith.constant 1 : i32
      %add3A_130 = arith.addi %mul3A_104, %add3A_129 : i32
      %dma_wait3A_131 = arith.constant 0 : i32
      %dma_wait3A_132 = tpu.memref_slice %arg6[%add3A_130, %dma_wait3A_131] : memref<20x125xi32, #tpu.memory_space<vmem>> -> memref<1x125xi32, #tpu.memory_space<vmem>>
      %dma_wait3A_133 = tpu.memref_squeeze %dma_wait3A_132 : memref<1x125xi32, #tpu.memory_space<vmem>> -> memref<125xi32, #tpu.memory_space<vmem>>
      %dma_wait3A_134 = arith.constant 0 : i32
      %dma_wait3A_135 = arith.constant 0 : i32
      %dma_wait3A_136 = tpu.memref_slice %arg2[%dma_wait3A_134, %dma_wait3A_135] : memref<10000x128xf32, #tpu.memory_space<hbm>> -> memref<10000x128xf32, #tpu.memory_space<hbm>>
      tpu.wait_indirect_dma semaphore(%arg11 : memref<!tpu.dma_semaphore, #tpu.memory_space<semaphore_mem>>) src(%dma_wait3A_136 : memref<10000x128xf32, #tpu.memory_space<hbm>>) dst(%arg9 : memref<125x128xf32, #tpu.memory_space<vmem>>)
      %add3A_137 = arith.constant 1 : i32
      %add3A_138 = arith.addi %mul3A_104, %add3A_137 : i32
      %dma_start3A_139 = arith.constant 0 : i32
      %dma_start3A_140 = tpu.memref_slice %arg7[%add3A_138, %dma_start3A_139] : memref<20x125xi32, #tpu.memory_space<vmem>> -> memref<1x125xi32, #tpu.memory_space<vmem>>
      %dma_start3A_141 = tpu.memref_squeeze %dma_start3A_140 : memref<1x125xi32, #tpu.memory_space<vmem>> -> memref<125xi32, #tpu.memory_space<vmem>>
      %dma_start3A_142 = arith.constant 0 : i32
      %dma_start3A_143 = arith.constant 0 : i32
      %dma_start3A_144 = tpu.memref_slice %arg14[%dma_start3A_142, %dma_start3A_143] : memref<10240x128xf32, #tpu.memory_space<vmem_shared>> -> memref<10240x128xf32, #tpu.memory_space<vmem_shared>>
      tpu.enqueue_indirect_dma source(%arg9 : memref<125x128xf32, #tpu.memory_space<vmem>>) target(%dma_start3A_144 : memref<10240x128xf32, #tpu.memory_space<vmem_shared>>) offsets(%dma_start3A_141 : memref<125xi32, #tpu.memory_space<vmem>>) semaphore(%arg13 : memref<!tpu.dma_semaphore, #tpu.memory_space<semaphore_mem>>) {add = true}
      %dma_wait3A_145 = arith.constant 0 : i32
      %dma_wait3A_146 = tpu.memref_slice %arg7[%mul3A_104, %dma_wait3A_145] : memref<20x125xi32, #tpu.memory_space<vmem>> -> memref<1x125xi32, #tpu.memory_space<vmem>>
      %dma_wait3A_147 = tpu.memref_squeeze %dma_wait3A_146 : memref<1x125xi32, #tpu.memory_space<vmem>> -> memref<125xi32, #tpu.memory_space<vmem>>
      %dma_wait3A_148 = arith.constant 0 : i32
      %dma_wait3A_149 = arith.constant 0 : i32
      %dma_wait3A_150 = tpu.memref_slice %arg14[%dma_wait3A_148, %dma_wait3A_149] : memref<10240x128xf32, #tpu.memory_space<vmem_shared>> -> memref<10240x128xf32, #tpu.memory_space<vmem_shared>>
      tpu.wait_indirect_dma semaphore(%arg12 : memref<!tpu.dma_semaphore, #tpu.memory_space<semaphore_mem>>) src(%arg8 : memref<125x128xf32, #tpu.memory_space<vmem>>) dst(%dma_wait3A_150 : memref<10240x128xf32, #tpu.memory_space<vmem_shared>>)
      %add3A_151 = arith.constant 2 : i32
      %add3A_152 = arith.addi %mul3A_104, %add3A_151 : i32
      %lt3A_153 = arith.constant 20 : i32
      %lt3A_154 = arith.cmpi slt, %add3A_152, %lt3A_153 : i32
      %convert_element_type3A_155 = arith.extui %lt3A_154 : i1 to i32
      %cond3A_156 = arith.constant 0 : i32
      %cond3A_157 = arith.cmpi ne, %convert_element_type3A_155, %cond3A_156 : i32
      scf.if %cond3A_157 {
        %add3A_158 = arith.constant 2 : i32
        %add3A_159 = arith.addi %mul3A_104, %add3A_158 : i32
        %dma_start3A_160 = arith.constant 0 : i32
        %dma_start3A_161 = tpu.memref_slice %arg6[%add3A_159, %dma_start3A_160] : memref<20x125xi32, #tpu.memory_space<vmem>> -> memref<1x125xi32, #tpu.memory_space<vmem>>
        %dma_start3A_162 = tpu.memref_squeeze %dma_start3A_161 : memref<1x125xi32, #tpu.memory_space<vmem>> -> memref<125xi32, #tpu.memory_space<vmem>>
        %dma_start3A_163 = arith.constant 0 : i32
        %dma_start3A_164 = arith.constant 0 : i32
        %dma_start3A_165 = tpu.memref_slice %arg2[%dma_start3A_163, %dma_start3A_164] : memref<10000x128xf32, #tpu.memory_space<hbm>> -> memref<10000x128xf32, #tpu.memory_space<hbm>>
        tpu.enqueue_indirect_dma source(%dma_start3A_165 : memref<10000x128xf32, #tpu.memory_space<hbm>>) target(%arg8 : memref<125x128xf32, #tpu.memory_space<vmem>>) offsets(%dma_start3A_162 : memref<125xi32, #tpu.memory_space<vmem>>) semaphore(%arg10 : memref<!tpu.dma_semaphore, #tpu.memory_space<semaphore_mem>>)
      } else {
      }
    }
    %scan3A_18 = arith.constant 10 : i32
    %dma_wait3A = arith.constant 19 : i32
    %dma_wait3A_19 = arith.constant 0 : i32
    %dma_wait3A_20 = tpu.memref_slice %arg7[%dma_wait3A, %dma_wait3A_19] : memref<20x125xi32, #tpu.memory_space<vmem>> -> memref<1x125xi32, #tpu.memory_space<vmem>>
    %dma_wait3A_21 = tpu.memref_squeeze %dma_wait3A_20 : memref<1x125xi32, #tpu.memory_space<vmem>> -> memref<125xi32, #tpu.memory_space<vmem>>
    %dma_wait3A_22 = arith.constant 0 : i32
    %dma_wait3A_23 = arith.constant 0 : i32
    %dma_wait3A_24 = tpu.memref_slice %arg14[%dma_wait3A_22, %dma_wait3A_23] : memref<10240x128xf32, #tpu.memory_space<vmem_shared>> -> memref<10240x128xf32, #tpu.memory_space<vmem_shared>>
    tpu.wait_indirect_dma semaphore(%arg13 : memref<!tpu.dma_semaphore, #tpu.memory_space<semaphore_mem>>) src(%arg9 : memref<125x128xf32, #tpu.memory_space<vmem>>) dst(%dma_wait3A_24 : memref<10240x128xf32, #tpu.memory_space<vmem_shared>>)
    %run_scoped3A_25 = arith.constant 1 : i32
    "tpu.region"() ({
      %run_scoped3A_102 = tpu.sem_alloc : memref<!tpu.dma_semaphore, #tpu.memory_space<semaphore_mem>>
      %dma_start3A_103 = arith.constant 0 : i32
      %dma_start3A_104 = arith.constant 0 : i32
      %dma_start3A_105 = tpu.memref_slice %arg3[%add3A, %run_scoped3A_25, %dma_start3A_103, %dma_start3A_104] : memref<32x4x20x125xi32, #tpu.memory_space<hbm>> -> memref<1x1x20x125xi32, #tpu.memory_space<hbm>>
      %dma_start3A_106 = tpu.memref_squeeze %dma_start3A_105 : memref<1x1x20x125xi32, #tpu.memory_space<hbm>> -> memref<20x125xi32, #tpu.memory_space<hbm>>
      %dma_start3A_107 = arith.constant 0 : i32
      %dma_start3A_108 = arith.constant 0 : i32
      %dma_start3A_109 = tpu.memref_slice %arg3[%add3A, %run_scoped3A_25, %dma_start3A_107, %dma_start3A_108] : memref<32x4x20x125xi32, #tpu.memory_space<hbm>> -> memref<1x1x20x125xi32, #tpu.memory_space<hbm>>
      %dma_start3A_110 = tpu.memref_squeeze %dma_start3A_109 : memref<1x1x20x125xi32, #tpu.memory_space<hbm>> -> memref<20x125xi32, #tpu.memory_space<hbm>>
      tpu.enqueue_dma source(%dma_start3A_110 : memref<20x125xi32, #tpu.memory_space<hbm>>) target(%arg6 : memref<20x125xi32, #tpu.memory_space<vmem>>) target_semaphore(%run_scoped3A_102 : memref<!tpu.dma_semaphore, #tpu.memory_space<semaphore_mem>>)
      %dma_wait3A_111 = arith.constant 0 : i32
      %dma_wait3A_112 = arith.constant 0 : i32
      %dma_wait3A_113 = tpu.memref_slice %arg3[%add3A, %run_scoped3A_25, %dma_wait3A_111, %dma_wait3A_112] : memref<32x4x20x125xi32, #tpu.memory_space<hbm>> -> memref<1x1x20x125xi32, #tpu.memory_space<hbm>>
      %dma_wait3A_114 = tpu.memref_squeeze %dma_wait3A_113 : memref<1x1x20x125xi32, #tpu.memory_space<hbm>> -> memref<20x125xi32, #tpu.memory_space<hbm>>
      %dma_wait3A_115 = arith.constant 0 : i32
      %dma_wait3A_116 = arith.constant 0 : i32
      %dma_wait3A_117 = tpu.memref_slice %arg3[%add3A, %run_scoped3A_25, %dma_wait3A_115, %dma_wait3A_116] : memref<32x4x20x125xi32, #tpu.memory_space<hbm>> -> memref<1x1x20x125xi32, #tpu.memory_space<hbm>>
      %dma_wait3A_118 = tpu.memref_squeeze %dma_wait3A_117 : memref<1x1x20x125xi32, #tpu.memory_space<hbm>> -> memref<20x125xi32, #tpu.memory_space<hbm>>
      tpu.wait_dma2 semaphore(%run_scoped3A_102 : memref<!tpu.dma_semaphore, #tpu.memory_space<semaphore_mem>>) src(%dma_wait3A_118 : memref<20x125xi32, #tpu.memory_space<hbm>>) dst(%arg6 : memref<20x125xi32, #tpu.memory_space<vmem>>)
      tpu.yield
    }) : () -> ()
    %run_scoped3A_26 = arith.constant 1 : i32
    "tpu.region"() ({
      %run_scoped3A_102 = tpu.sem_alloc : memref<!tpu.dma_semaphore, #tpu.memory_space<semaphore_mem>>
      %dma_start3A_103 = arith.constant 0 : i32
      %dma_start3A_104 = arith.constant 0 : i32
      %dma_start3A_105 = tpu.memref_slice %arg4[%add3A, %run_scoped3A_26, %dma_start3A_103, %dma_start3A_104] : memref<32x4x20x125xi32, #tpu.memory_space<hbm>> -> memref<1x1x20x125xi32, #tpu.memory_space<hbm>>
      %dma_start3A_106 = tpu.memref_squeeze %dma_start3A_105 : memref<1x1x20x125xi32, #tpu.memory_space<hbm>> -> memref<20x125xi32, #tpu.memory_space<hbm>>
      %dma_start3A_107 = arith.constant 0 : i32
      %dma_start3A_108 = arith.constant 0 : i32
      %dma_start3A_109 = tpu.memref_slice %arg4[%add3A, %run_scoped3A_26, %dma_start3A_107, %dma_start3A_108] : memref<32x4x20x125xi32, #tpu.memory_space<hbm>> -> memref<1x1x20x125xi32, #tpu.memory_space<hbm>>
      %dma_start3A_110 = tpu.memref_squeeze %dma_start3A_109 : memref<1x1x20x125xi32, #tpu.memory_space<hbm>> -> memref<20x125xi32, #tpu.memory_space<hbm>>
      tpu.enqueue_dma source(%dma_start3A_110 : memref<20x125xi32, #tpu.memory_space<hbm>>) target(%arg7 : memref<20x125xi32, #tpu.memory_space<vmem>>) target_semaphore(%run_scoped3A_102 : memref<!tpu.dma_semaphore, #tpu.memory_space<semaphore_mem>>)
      %dma_wait3A_111 = arith.constant 0 : i32
      %dma_wait3A_112 = arith.constant 0 : i32
      %dma_wait3A_113 = tpu.memref_slice %arg4[%add3A, %run_scoped3A_26, %dma_wait3A_111, %dma_wait3A_112] : memref<32x4x20x125xi32, #tpu.memory_space<hbm>> -> memref<1x1x20x125xi32, #tpu.memory_space<hbm>>
      %dma_wait3A_114 = tpu.memref_squeeze %dma_wait3A_113 : memref<1x1x20x125xi32, #tpu.memory_space<hbm>> -> memref<20x125xi32, #tpu.memory_space<hbm>>
      %dma_wait3A_115 = arith.constant 0 : i32
      %dma_wait3A_116 = arith.constant 0 : i32
      %dma_wait3A_117 = tpu.memref_slice %arg4[%add3A, %run_scoped3A_26, %dma_wait3A_115, %dma_wait3A_116] : memref<32x4x20x125xi32, #tpu.memory_space<hbm>> -> memref<1x1x20x125xi32, #tpu.memory_space<hbm>>
      %dma_wait3A_118 = tpu.memref_squeeze %dma_wait3A_117 : memref<1x1x20x125xi32, #tpu.memory_space<hbm>> -> memref<20x125xi32, #tpu.memory_space<hbm>>
      tpu.wait_dma2 semaphore(%run_scoped3A_102 : memref<!tpu.dma_semaphore, #tpu.memory_space<semaphore_mem>>) src(%dma_wait3A_118 : memref<20x125xi32, #tpu.memory_space<hbm>>) dst(%arg7 : memref<20x125xi32, #tpu.memory_space<vmem>>)
      tpu.yield
    }) : () -> ()
    %dma_start3A_27 = arith.constant 0 : i32
    %dma_start3A_28 = arith.constant 0 : i32
    %dma_start3A_29 = tpu.memref_slice %arg6[%dma_start3A_27, %dma_start3A_28] : memref<20x125xi32, #tpu.memory_space<vmem>> -> memref<1x125xi32, #tpu.memory_space<vmem>>
    %dma_start3A_30 = tpu.memref_squeeze %dma_start3A_29 : memref<1x125xi32, #tpu.memory_space<vmem>> -> memref<125xi32, #tpu.memory_space<vmem>>
    %dma_start3A_31 = arith.constant 0 : i32
    %dma_start3A_32 = arith.constant 0 : i32
    %dma_start3A_33 = tpu.memref_slice %arg2[%dma_start3A_31, %dma_start3A_32] : memref<10000x128xf32, #tpu.memory_space<hbm>> -> memref<10000x128xf32, #tpu.memory_space<hbm>>
    tpu.enqueue_indirect_dma source(%dma_start3A_33 : memref<10000x128xf32, #tpu.memory_space<hbm>>) target(%arg8 : memref<125x128xf32, #tpu.memory_space<vmem>>) offsets(%dma_start3A_30 : memref<125xi32, #tpu.memory_space<vmem>>) semaphore(%arg10 : memref<!tpu.dma_semaphore, #tpu.memory_space<semaphore_mem>>)
    %scan3A_34 = arith.constant 0 : i32
    %scan3A_35 = arith.constant 0 : i32
    %scan3A_36 = arith.constant 10 : i32
    %scan3A_37 = arith.addi %scan3A_35, %scan3A_36 : i32
    %scan3A_38 = arith.constant 1 : i32
    scf.for %scan3A_102 = %scan3A_35 to %scan3A_37 step %scan3A_38  : i32 {
      %mul3A_103 = arith.constant 2 : i32
      %mul3A_104 = arith.muli %mul3A_103, %scan3A_102 : i32
      %dma_wait3A_105 = arith.constant 0 : i32
      %dma_wait3A_106 = tpu.memref_slice %arg6[%mul3A_104, %dma_wait3A_105] : memref<20x125xi32, #tpu.memory_space<vmem>> -> memref<1x125xi32, #tpu.memory_space<vmem>>
      %dma_wait3A_107 = tpu.memref_squeeze %dma_wait3A_106 : memref<1x125xi32, #tpu.memory_space<vmem>> -> memref<125xi32, #tpu.memory_space<vmem>>
      %dma_wait3A_108 = arith.constant 0 : i32
      %dma_wait3A_109 = arith.constant 0 : i32
      %dma_wait3A_110 = tpu.memref_slice %arg2[%dma_wait3A_108, %dma_wait3A_109] : memref<10000x128xf32, #tpu.memory_space<hbm>> -> memref<10000x128xf32, #tpu.memory_space<hbm>>
      tpu.wait_indirect_dma semaphore(%arg10 : memref<!tpu.dma_semaphore, #tpu.memory_space<semaphore_mem>>) src(%dma_wait3A_110 : memref<10000x128xf32, #tpu.memory_space<hbm>>) dst(%arg8 : memref<125x128xf32, #tpu.memory_space<vmem>>)
      %dma_start3A_111 = arith.constant 0 : i32
      %dma_start3A_112 = tpu.memref_slice %arg7[%mul3A_104, %dma_start3A_111] : memref<20x125xi32, #tpu.memory_space<vmem>> -> memref<1x125xi32, #tpu.memory_space<vmem>>
      %dma_start3A_113 = tpu.memref_squeeze %dma_start3A_112 : memref<1x125xi32, #tpu.memory_space<vmem>> -> memref<125xi32, #tpu.memory_space<vmem>>
      %dma_start3A_114 = arith.constant 0 : i32
      %dma_start3A_115 = arith.constant 0 : i32
      %dma_start3A_116 = tpu.memref_slice %arg14[%dma_start3A_114, %dma_start3A_115] : memref<10240x128xf32, #tpu.memory_space<vmem_shared>> -> memref<10240x128xf32, #tpu.memory_space<vmem_shared>>
      tpu.enqueue_indirect_dma source(%arg8 : memref<125x128xf32, #tpu.memory_space<vmem>>) target(%dma_start3A_116 : memref<10240x128xf32, #tpu.memory_space<vmem_shared>>) offsets(%dma_start3A_113 : memref<125xi32, #tpu.memory_space<vmem>>) semaphore(%arg12 : memref<!tpu.dma_semaphore, #tpu.memory_space<semaphore_mem>>) {add = true}
      %gt3A = arith.constant 0 : i32
      %gt3A_117 = arith.cmpi sgt, %mul3A_104, %gt3A : i32
      %convert_element_type3A_118 = arith.extui %gt3A_117 : i1 to i32
      %cond3A_119 = arith.constant 0 : i32
      %cond3A_120 = arith.cmpi ne, %convert_element_type3A_118, %cond3A_119 : i32
      scf.if %cond3A_120 {
        %sub3A = arith.constant 1 : i32
        %sub3A_158 = arith.subi %mul3A_104, %sub3A : i32
        %dma_wait3A_159 = arith.constant 0 : i32
        %dma_wait3A_160 = tpu.memref_slice %arg7[%sub3A_158, %dma_wait3A_159] : memref<20x125xi32, #tpu.memory_space<vmem>> -> memref<1x125xi32, #tpu.memory_space<vmem>>
        %dma_wait3A_161 = tpu.memref_squeeze %dma_wait3A_160 : memref<1x125xi32, #tpu.memory_space<vmem>> -> memref<125xi32, #tpu.memory_space<vmem>>
        %dma_wait3A_162 = arith.constant 0 : i32
        %dma_wait3A_163 = arith.constant 0 : i32
        %dma_wait3A_164 = tpu.memref_slice %arg14[%dma_wait3A_162, %dma_wait3A_163] : memref<10240x128xf32, #tpu.memory_space<vmem_shared>> -> memref<10240x128xf32, #tpu.memory_space<vmem_shared>>
        tpu.wait_indirect_dma semaphore(%arg13 : memref<!tpu.dma_semaphore, #tpu.memory_space<semaphore_mem>>) src(%arg9 : memref<125x128xf32, #tpu.memory_space<vmem>>) dst(%dma_wait3A_164 : memref<10240x128xf32, #tpu.memory_space<vmem_shared>>)
      } else {
      }
      %add3A_121 = arith.constant 1 : i32
      %add3A_122 = arith.addi %mul3A_104, %add3A_121 : i32
      %dma_start3A_123 = arith.constant 0 : i32
      %dma_start3A_124 = tpu.memref_slice %arg6[%add3A_122, %dma_start3A_123] : memref<20x125xi32, #tpu.memory_space<vmem>> -> memref<1x125xi32, #tpu.memory_space<vmem>>
      %dma_start3A_125 = tpu.memref_squeeze %dma_start3A_124 : memref<1x125xi32, #tpu.memory_space<vmem>> -> memref<125xi32, #tpu.memory_space<vmem>>
      %dma_start3A_126 = arith.constant 0 : i32
      %dma_start3A_127 = arith.constant 0 : i32
      %dma_start3A_128 = tpu.memref_slice %arg2[%dma_start3A_126, %dma_start3A_127] : memref<10000x128xf32, #tpu.memory_space<hbm>> -> memref<10000x128xf32, #tpu.memory_space<hbm>>
      tpu.enqueue_indirect_dma source(%dma_start3A_128 : memref<10000x128xf32, #tpu.memory_space<hbm>>) target(%arg9 : memref<125x128xf32, #tpu.memory_space<vmem>>) offsets(%dma_start3A_125 : memref<125xi32, #tpu.memory_space<vmem>>) semaphore(%arg11 : memref<!tpu.dma_semaphore, #tpu.memory_space<semaphore_mem>>)
      %add3A_129 = arith.constant 1 : i32
      %add3A_130 = arith.addi %mul3A_104, %add3A_129 : i32
      %dma_wait3A_131 = arith.constant 0 : i32
      %dma_wait3A_132 = tpu.memref_slice %arg6[%add3A_130, %dma_wait3A_131] : memref<20x125xi32, #tpu.memory_space<vmem>> -> memref<1x125xi32, #tpu.memory_space<vmem>>
      %dma_wait3A_133 = tpu.memref_squeeze %dma_wait3A_132 : memref<1x125xi32, #tpu.memory_space<vmem>> -> memref<125xi32, #tpu.memory_space<vmem>>
      %dma_wait3A_134 = arith.constant 0 : i32
      %dma_wait3A_135 = arith.constant 0 : i32
      %dma_wait3A_136 = tpu.memref_slice %arg2[%dma_wait3A_134, %dma_wait3A_135] : memref<10000x128xf32, #tpu.memory_space<hbm>> -> memref<10000x128xf32, #tpu.memory_space<hbm>>
      tpu.wait_indirect_dma semaphore(%arg11 : memref<!tpu.dma_semaphore, #tpu.memory_space<semaphore_mem>>) src(%dma_wait3A_136 : memref<10000x128xf32, #tpu.memory_space<hbm>>) dst(%arg9 : memref<125x128xf32, #tpu.memory_space<vmem>>)
      %add3A_137 = arith.constant 1 : i32
      %add3A_138 = arith.addi %mul3A_104, %add3A_137 : i32
      %dma_start3A_139 = arith.constant 0 : i32
      %dma_start3A_140 = tpu.memref_slice %arg7[%add3A_138, %dma_start3A_139] : memref<20x125xi32, #tpu.memory_space<vmem>> -> memref<1x125xi32, #tpu.memory_space<vmem>>
      %dma_start3A_141 = tpu.memref_squeeze %dma_start3A_140 : memref<1x125xi32, #tpu.memory_space<vmem>> -> memref<125xi32, #tpu.memory_space<vmem>>
      %dma_start3A_142 = arith.constant 0 : i32
      %dma_start3A_143 = arith.constant 0 : i32
      %dma_start3A_144 = tpu.memref_slice %arg14[%dma_start3A_142, %dma_start3A_143] : memref<10240x128xf32, #tpu.memory_space<vmem_shared>> -> memref<10240x128xf32, #tpu.memory_space<vmem_shared>>
      tpu.enqueue_indirect_dma source(%arg9 : memref<125x128xf32, #tpu.memory_space<vmem>>) target(%dma_start3A_144 : memref<10240x128xf32, #tpu.memory_space<vmem_shared>>) offsets(%dma_start3A_141 : memref<125xi32, #tpu.memory_space<vmem>>) semaphore(%arg13 : memref<!tpu.dma_semaphore, #tpu.memory_space<semaphore_mem>>) {add = true}
      %dma_wait3A_145 = arith.constant 0 : i32
      %dma_wait3A_146 = tpu.memref_slice %arg7[%mul3A_104, %dma_wait3A_145] : memref<20x125xi32, #tpu.memory_space<vmem>> -> memref<1x125xi32, #tpu.memory_space<vmem>>
      %dma_wait3A_147 = tpu.memref_squeeze %dma_wait3A_146 : memref<1x125xi32, #tpu.memory_space<vmem>> -> memref<125xi32, #tpu.memory_space<vmem>>
      %dma_wait3A_148 = arith.constant 0 : i32
      %dma_wait3A_149 = arith.constant 0 : i32
      %dma_wait3A_150 = tpu.memref_slice %arg14[%dma_wait3A_148, %dma_wait3A_149] : memref<10240x128xf32, #tpu.memory_space<vmem_shared>> -> memref<10240x128xf32, #tpu.memory_space<vmem_shared>>
      tpu.wait_indirect_dma semaphore(%arg12 : memref<!tpu.dma_semaphore, #tpu.memory_space<semaphore_mem>>) src(%arg8 : memref<125x128xf32, #tpu.memory_space<vmem>>) dst(%dma_wait3A_150 : memref<10240x128xf32, #tpu.memory_space<vmem_shared>>)
      %add3A_151 = arith.constant 2 : i32
      %add3A_152 = arith.addi %mul3A_104, %add3A_151 : i32
      %lt3A_153 = arith.constant 20 : i32
      %lt3A_154 = arith.cmpi slt, %add3A_152, %lt3A_153 : i32
      %convert_element_type3A_155 = arith.extui %lt3A_154 : i1 to i32
      %cond3A_156 = arith.constant 0 : i32
      %cond3A_157 = arith.cmpi ne, %convert_element_type3A_155, %cond3A_156 : i32
      scf.if %cond3A_157 {
        %add3A_158 = arith.constant 2 : i32
        %add3A_159 = arith.addi %mul3A_104, %add3A_158 : i32
        %dma_start3A_160 = arith.constant 0 : i32
        %dma_start3A_161 = tpu.memref_slice %arg6[%add3A_159, %dma_start3A_160] : memref<20x125xi32, #tpu.memory_space<vmem>> -> memref<1x125xi32, #tpu.memory_space<vmem>>
        %dma_start3A_162 = tpu.memref_squeeze %dma_start3A_161 : memref<1x125xi32, #tpu.memory_space<vmem>> -> memref<125xi32, #tpu.memory_space<vmem>>
        %dma_start3A_163 = arith.constant 0 : i32
        %dma_start3A_164 = arith.constant 0 : i32
        %dma_start3A_165 = tpu.memref_slice %arg2[%dma_start3A_163, %dma_start3A_164] : memref<10000x128xf32, #tpu.memory_space<hbm>> -> memref<10000x128xf32, #tpu.memory_space<hbm>>
        tpu.enqueue_indirect_dma source(%dma_start3A_165 : memref<10000x128xf32, #tpu.memory_space<hbm>>) target(%arg8 : memref<125x128xf32, #tpu.memory_space<vmem>>) offsets(%dma_start3A_162 : memref<125xi32, #tpu.memory_space<vmem>>) semaphore(%arg10 : memref<!tpu.dma_semaphore, #tpu.memory_space<semaphore_mem>>)
      } else {
      }
    }
    %scan3A_39 = arith.constant 10 : i32
    %dma_wait3A_40 = arith.constant 19 : i32
    %dma_wait3A_41 = arith.constant 0 : i32
    %dma_wait3A_42 = tpu.memref_slice %arg7[%dma_wait3A_40, %dma_wait3A_41] : memref<20x125xi32, #tpu.memory_space<vmem>> -> memref<1x125xi32, #tpu.memory_space<vmem>>
    %dma_wait3A_43 = tpu.memref_squeeze %dma_wait3A_42 : memref<1x125xi32, #tpu.memory_space<vmem>> -> memref<125xi32, #tpu.memory_space<vmem>>
    %dma_wait3A_44 = arith.constant 0 : i32
    %dma_wait3A_45 = arith.constant 0 : i32
    %dma_wait3A_46 = tpu.memref_slice %arg14[%dma_wait3A_44, %dma_wait3A_45] : memref<10240x128xf32, #tpu.memory_space<vmem_shared>> -> memref<10240x128xf32, #tpu.memory_space<vmem_shared>>
    tpu.wait_indirect_dma semaphore(%arg13 : memref<!tpu.dma_semaphore, #tpu.memory_space<semaphore_mem>>) src(%arg9 : memref<125x128xf32, #tpu.memory_space<vmem>>) dst(%dma_wait3A_46 : memref<10240x128xf32, #tpu.memory_space<vmem_shared>>)
    %run_scoped3A_47 = arith.constant 2 : i32
    "tpu.region"() ({
      %run_scoped3A_102 = tpu.sem_alloc : memref<!tpu.dma_semaphore, #tpu.memory_space<semaphore_mem>>
      %dma_start3A_103 = arith.constant 0 : i32
      %dma_start3A_104 = arith.constant 0 : i32
      %dma_start3A_105 = tpu.memref_slice %arg3[%add3A, %run_scoped3A_47, %dma_start3A_103, %dma_start3A_104] : memref<32x4x20x125xi32, #tpu.memory_space<hbm>> -> memref<1x1x20x125xi32, #tpu.memory_space<hbm>>
      %dma_start3A_106 = tpu.memref_squeeze %dma_start3A_105 : memref<1x1x20x125xi32, #tpu.memory_space<hbm>> -> memref<20x125xi32, #tpu.memory_space<hbm>>
      %dma_start3A_107 = arith.constant 0 : i32
      %dma_start3A_108 = arith.constant 0 : i32
      %dma_start3A_109 = tpu.memref_slice %arg3[%add3A, %run_scoped3A_47, %dma_start3A_107, %dma_start3A_108] : memref<32x4x20x125xi32, #tpu.memory_space<hbm>> -> memref<1x1x20x125xi32, #tpu.memory_space<hbm>>
      %dma_start3A_110 = tpu.memref_squeeze %dma_start3A_109 : memref<1x1x20x125xi32, #tpu.memory_space<hbm>> -> memref<20x125xi32, #tpu.memory_space<hbm>>
      tpu.enqueue_dma source(%dma_start3A_110 : memref<20x125xi32, #tpu.memory_space<hbm>>) target(%arg6 : memref<20x125xi32, #tpu.memory_space<vmem>>) target_semaphore(%run_scoped3A_102 : memref<!tpu.dma_semaphore, #tpu.memory_space<semaphore_mem>>)
      %dma_wait3A_111 = arith.constant 0 : i32
      %dma_wait3A_112 = arith.constant 0 : i32
      %dma_wait3A_113 = tpu.memref_slice %arg3[%add3A, %run_scoped3A_47, %dma_wait3A_111, %dma_wait3A_112] : memref<32x4x20x125xi32, #tpu.memory_space<hbm>> -> memref<1x1x20x125xi32, #tpu.memory_space<hbm>>
      %dma_wait3A_114 = tpu.memref_squeeze %dma_wait3A_113 : memref<1x1x20x125xi32, #tpu.memory_space<hbm>> -> memref<20x125xi32, #tpu.memory_space<hbm>>
      %dma_wait3A_115 = arith.constant 0 : i32
      %dma_wait3A_116 = arith.constant 0 : i32
      %dma_wait3A_117 = tpu.memref_slice %arg3[%add3A, %run_scoped3A_47, %dma_wait3A_115, %dma_wait3A_116] : memref<32x4x20x125xi32, #tpu.memory_space<hbm>> -> memref<1x1x20x125xi32, #tpu.memory_space<hbm>>
      %dma_wait3A_118 = tpu.memref_squeeze %dma_wait3A_117 : memref<1x1x20x125xi32, #tpu.memory_space<hbm>> -> memref<20x125xi32, #tpu.memory_space<hbm>>
      tpu.wait_dma2 semaphore(%run_scoped3A_102 : memref<!tpu.dma_semaphore, #tpu.memory_space<semaphore_mem>>) src(%dma_wait3A_118 : memref<20x125xi32, #tpu.memory_space<hbm>>) dst(%arg6 : memref<20x125xi32, #tpu.memory_space<vmem>>)
      tpu.yield
    }) : () -> ()
    %run_scoped3A_48 = arith.constant 2 : i32
    "tpu.region"() ({
      %run_scoped3A_102 = tpu.sem_alloc : memref<!tpu.dma_semaphore, #tpu.memory_space<semaphore_mem>>
      %dma_start3A_103 = arith.constant 0 : i32
      %dma_start3A_104 = arith.constant 0 : i32
      %dma_start3A_105 = tpu.memref_slice %arg4[%add3A, %run_scoped3A_48, %dma_start3A_103, %dma_start3A_104] : memref<32x4x20x125xi32, #tpu.memory_space<hbm>> -> memref<1x1x20x125xi32, #tpu.memory_space<hbm>>
      %dma_start3A_106 = tpu.memref_squeeze %dma_start3A_105 : memref<1x1x20x125xi32, #tpu.memory_space<hbm>> -> memref<20x125xi32, #tpu.memory_space<hbm>>
      %dma_start3A_107 = arith.constant 0 : i32
      %dma_start3A_108 = arith.constant 0 : i32
      %dma_start3A_109 = tpu.memref_slice %arg4[%add3A, %run_scoped3A_48, %dma_start3A_107, %dma_start3A_108] : memref<32x4x20x125xi32, #tpu.memory_space<hbm>> -> memref<1x1x20x125xi32, #tpu.memory_space<hbm>>
      %dma_start3A_110 = tpu.memref_squeeze %dma_start3A_109 : memref<1x1x20x125xi32, #tpu.memory_space<hbm>> -> memref<20x125xi32, #tpu.memory_space<hbm>>
      tpu.enqueue_dma source(%dma_start3A_110 : memref<20x125xi32, #tpu.memory_space<hbm>>) target(%arg7 : memref<20x125xi32, #tpu.memory_space<vmem>>) target_semaphore(%run_scoped3A_102 : memref<!tpu.dma_semaphore, #tpu.memory_space<semaphore_mem>>)
      %dma_wait3A_111 = arith.constant 0 : i32
      %dma_wait3A_112 = arith.constant 0 : i32
      %dma_wait3A_113 = tpu.memref_slice %arg4[%add3A, %run_scoped3A_48, %dma_wait3A_111, %dma_wait3A_112] : memref<32x4x20x125xi32, #tpu.memory_space<hbm>> -> memref<1x1x20x125xi32, #tpu.memory_space<hbm>>
      %dma_wait3A_114 = tpu.memref_squeeze %dma_wait3A_113 : memref<1x1x20x125xi32, #tpu.memory_space<hbm>> -> memref<20x125xi32, #tpu.memory_space<hbm>>
      %dma_wait3A_115 = arith.constant 0 : i32
      %dma_wait3A_116 = arith.constant 0 : i32
      %dma_wait3A_117 = tpu.memref_slice %arg4[%add3A, %run_scoped3A_48, %dma_wait3A_115, %dma_wait3A_116] : memref<32x4x20x125xi32, #tpu.memory_space<hbm>> -> memref<1x1x20x125xi32, #tpu.memory_space<hbm>>
      %dma_wait3A_118 = tpu.memref_squeeze %dma_wait3A_117 : memref<1x1x20x125xi32, #tpu.memory_space<hbm>> -> memref<20x125xi32, #tpu.memory_space<hbm>>
      tpu.wait_dma2 semaphore(%run_scoped3A_102 : memref<!tpu.dma_semaphore, #tpu.memory_space<semaphore_mem>>) src(%dma_wait3A_118 : memref<20x125xi32, #tpu.memory_space<hbm>>) dst(%arg7 : memref<20x125xi32, #tpu.memory_space<vmem>>)
      tpu.yield
    }) : () -> ()
    %dma_start3A_49 = arith.constant 0 : i32
    %dma_start3A_50 = arith.constant 0 : i32
    %dma_start3A_51 = tpu.memref_slice %arg6[%dma_start3A_49, %dma_start3A_50] : memref<20x125xi32, #tpu.memory_space<vmem>> -> memref<1x125xi32, #tpu.memory_space<vmem>>
    %dma_start3A_52 = tpu.memref_squeeze %dma_start3A_51 : memref<1x125xi32, #tpu.memory_space<vmem>> -> memref<125xi32, #tpu.memory_space<vmem>>
    %dma_start3A_53 = arith.constant 0 : i32
    %dma_start3A_54 = arith.constant 0 : i32
    %dma_start3A_55 = tpu.memref_slice %arg2[%dma_start3A_53, %dma_start3A_54] : memref<10000x128xf32, #tpu.memory_space<hbm>> -> memref<10000x128xf32, #tpu.memory_space<hbm>>
    tpu.enqueue_indirect_dma source(%dma_start3A_55 : memref<10000x128xf32, #tpu.memory_space<hbm>>) target(%arg8 : memref<125x128xf32, #tpu.memory_space<vmem>>) offsets(%dma_start3A_52 : memref<125xi32, #tpu.memory_space<vmem>>) semaphore(%arg10 : memref<!tpu.dma_semaphore, #tpu.memory_space<semaphore_mem>>)
    %scan3A_56 = arith.constant 0 : i32
    %scan3A_57 = arith.constant 0 : i32
    %scan3A_58 = arith.constant 10 : i32
    %scan3A_59 = arith.addi %scan3A_57, %scan3A_58 : i32
    %scan3A_60 = arith.constant 1 : i32
    scf.for %scan3A_102 = %scan3A_57 to %scan3A_59 step %scan3A_60  : i32 {
      %mul3A_103 = arith.constant 2 : i32
      %mul3A_104 = arith.muli %mul3A_103, %scan3A_102 : i32
      %dma_wait3A_105 = arith.constant 0 : i32
      %dma_wait3A_106 = tpu.memref_slice %arg6[%mul3A_104, %dma_wait3A_105] : memref<20x125xi32, #tpu.memory_space<vmem>> -> memref<1x125xi32, #tpu.memory_space<vmem>>
      %dma_wait3A_107 = tpu.memref_squeeze %dma_wait3A_106 : memref<1x125xi32, #tpu.memory_space<vmem>> -> memref<125xi32, #tpu.memory_space<vmem>>
      %dma_wait3A_108 = arith.constant 0 : i32
      %dma_wait3A_109 = arith.constant 0 : i32
      %dma_wait3A_110 = tpu.memref_slice %arg2[%dma_wait3A_108, %dma_wait3A_109] : memref<10000x128xf32, #tpu.memory_space<hbm>> -> memref<10000x128xf32, #tpu.memory_space<hbm>>
      tpu.wait_indirect_dma semaphore(%arg10 : memref<!tpu.dma_semaphore, #tpu.memory_space<semaphore_mem>>) src(%dma_wait3A_110 : memref<10000x128xf32, #tpu.memory_space<hbm>>) dst(%arg8 : memref<125x128xf32, #tpu.memory_space<vmem>>)
      %dma_start3A_111 = arith.constant 0 : i32
      %dma_start3A_112 = tpu.memref_slice %arg7[%mul3A_104, %dma_start3A_111] : memref<20x125xi32, #tpu.memory_space<vmem>> -> memref<1x125xi32, #tpu.memory_space<vmem>>
      %dma_start3A_113 = tpu.memref_squeeze %dma_start3A_112 : memref<1x125xi32, #tpu.memory_space<vmem>> -> memref<125xi32, #tpu.memory_space<vmem>>
      %dma_start3A_114 = arith.constant 0 : i32
      %dma_start3A_115 = arith.constant 0 : i32
      %dma_start3A_116 = tpu.memref_slice %arg14[%dma_start3A_114, %dma_start3A_115] : memref<10240x128xf32, #tpu.memory_space<vmem_shared>> -> memref<10240x128xf32, #tpu.memory_space<vmem_shared>>
      tpu.enqueue_indirect_dma source(%arg8 : memref<125x128xf32, #tpu.memory_space<vmem>>) target(%dma_start3A_116 : memref<10240x128xf32, #tpu.memory_space<vmem_shared>>) offsets(%dma_start3A_113 : memref<125xi32, #tpu.memory_space<vmem>>) semaphore(%arg12 : memref<!tpu.dma_semaphore, #tpu.memory_space<semaphore_mem>>) {add = true}
      %gt3A = arith.constant 0 : i32
      %gt3A_117 = arith.cmpi sgt, %mul3A_104, %gt3A : i32
      %convert_element_type3A_118 = arith.extui %gt3A_117 : i1 to i32
      %cond3A_119 = arith.constant 0 : i32
      %cond3A_120 = arith.cmpi ne, %convert_element_type3A_118, %cond3A_119 : i32
      scf.if %cond3A_120 {
        %sub3A = arith.constant 1 : i32
        %sub3A_158 = arith.subi %mul3A_104, %sub3A : i32
        %dma_wait3A_159 = arith.constant 0 : i32
        %dma_wait3A_160 = tpu.memref_slice %arg7[%sub3A_158, %dma_wait3A_159] : memref<20x125xi32, #tpu.memory_space<vmem>> -> memref<1x125xi32, #tpu.memory_space<vmem>>
        %dma_wait3A_161 = tpu.memref_squeeze %dma_wait3A_160 : memref<1x125xi32, #tpu.memory_space<vmem>> -> memref<125xi32, #tpu.memory_space<vmem>>
        %dma_wait3A_162 = arith.constant 0 : i32
        %dma_wait3A_163 = arith.constant 0 : i32
        %dma_wait3A_164 = tpu.memref_slice %arg14[%dma_wait3A_162, %dma_wait3A_163] : memref<10240x128xf32, #tpu.memory_space<vmem_shared>> -> memref<10240x128xf32, #tpu.memory_space<vmem_shared>>
        tpu.wait_indirect_dma semaphore(%arg13 : memref<!tpu.dma_semaphore, #tpu.memory_space<semaphore_mem>>) src(%arg9 : memref<125x128xf32, #tpu.memory_space<vmem>>) dst(%dma_wait3A_164 : memref<10240x128xf32, #tpu.memory_space<vmem_shared>>)
      } else {
      }
      %add3A_121 = arith.constant 1 : i32
      %add3A_122 = arith.addi %mul3A_104, %add3A_121 : i32
      %dma_start3A_123 = arith.constant 0 : i32
      %dma_start3A_124 = tpu.memref_slice %arg6[%add3A_122, %dma_start3A_123] : memref<20x125xi32, #tpu.memory_space<vmem>> -> memref<1x125xi32, #tpu.memory_space<vmem>>
      %dma_start3A_125 = tpu.memref_squeeze %dma_start3A_124 : memref<1x125xi32, #tpu.memory_space<vmem>> -> memref<125xi32, #tpu.memory_space<vmem>>
      %dma_start3A_126 = arith.constant 0 : i32
      %dma_start3A_127 = arith.constant 0 : i32
      %dma_start3A_128 = tpu.memref_slice %arg2[%dma_start3A_126, %dma_start3A_127] : memref<10000x128xf32, #tpu.memory_space<hbm>> -> memref<10000x128xf32, #tpu.memory_space<hbm>>
      tpu.enqueue_indirect_dma source(%dma_start3A_128 : memref<10000x128xf32, #tpu.memory_space<hbm>>) target(%arg9 : memref<125x128xf32, #tpu.memory_space<vmem>>) offsets(%dma_start3A_125 : memref<125xi32, #tpu.memory_space<vmem>>) semaphore(%arg11 : memref<!tpu.dma_semaphore, #tpu.memory_space<semaphore_mem>>)
      %add3A_129 = arith.constant 1 : i32
      %add3A_130 = arith.addi %mul3A_104, %add3A_129 : i32
      %dma_wait3A_131 = arith.constant 0 : i32
      %dma_wait3A_132 = tpu.memref_slice %arg6[%add3A_130, %dma_wait3A_131] : memref<20x125xi32, #tpu.memory_space<vmem>> -> memref<1x125xi32, #tpu.memory_space<vmem>>
      %dma_wait3A_133 = tpu.memref_squeeze %dma_wait3A_132 : memref<1x125xi32, #tpu.memory_space<vmem>> -> memref<125xi32, #tpu.memory_space<vmem>>
      %dma_wait3A_134 = arith.constant 0 : i32
      %dma_wait3A_135 = arith.constant 0 : i32
      %dma_wait3A_136 = tpu.memref_slice %arg2[%dma_wait3A_134, %dma_wait3A_135] : memref<10000x128xf32, #tpu.memory_space<hbm>> -> memref<10000x128xf32, #tpu.memory_space<hbm>>
      tpu.wait_indirect_dma semaphore(%arg11 : memref<!tpu.dma_semaphore, #tpu.memory_space<semaphore_mem>>) src(%dma_wait3A_136 : memref<10000x128xf32, #tpu.memory_space<hbm>>) dst(%arg9 : memref<125x128xf32, #tpu.memory_space<vmem>>)
      %add3A_137 = arith.constant 1 : i32
      %add3A_138 = arith.addi %mul3A_104, %add3A_137 : i32
      %dma_start3A_139 = arith.constant 0 : i32
      %dma_start3A_140 = tpu.memref_slice %arg7[%add3A_138, %dma_start3A_139] : memref<20x125xi32, #tpu.memory_space<vmem>> -> memref<1x125xi32, #tpu.memory_space<vmem>>
      %dma_start3A_141 = tpu.memref_squeeze %dma_start3A_140 : memref<1x125xi32, #tpu.memory_space<vmem>> -> memref<125xi32, #tpu.memory_space<vmem>>
      %dma_start3A_142 = arith.constant 0 : i32
      %dma_start3A_143 = arith.constant 0 : i32
      %dma_start3A_144 = tpu.memref_slice %arg14[%dma_start3A_142, %dma_start3A_143] : memref<10240x128xf32, #tpu.memory_space<vmem_shared>> -> memref<10240x128xf32, #tpu.memory_space<vmem_shared>>
      tpu.enqueue_indirect_dma source(%arg9 : memref<125x128xf32, #tpu.memory_space<vmem>>) target(%dma_start3A_144 : memref<10240x128xf32, #tpu.memory_space<vmem_shared>>) offsets(%dma_start3A_141 : memref<125xi32, #tpu.memory_space<vmem>>) semaphore(%arg13 : memref<!tpu.dma_semaphore, #tpu.memory_space<semaphore_mem>>) {add = true}
      %dma_wait3A_145 = arith.constant 0 : i32
      %dma_wait3A_146 = tpu.memref_slice %arg7[%mul3A_104, %dma_wait3A_145] : memref<20x125xi32, #tpu.memory_space<vmem>> -> memref<1x125xi32, #tpu.memory_space<vmem>>
      %dma_wait3A_147 = tpu.memref_squeeze %dma_wait3A_146 : memref<1x125xi32, #tpu.memory_space<vmem>> -> memref<125xi32, #tpu.memory_space<vmem>>
      %dma_wait3A_148 = arith.constant 0 : i32
      %dma_wait3A_149 = arith.constant 0 : i32
      %dma_wait3A_150 = tpu.memref_slice %arg14[%dma_wait3A_148, %dma_wait3A_149] : memref<10240x128xf32, #tpu.memory_space<vmem_shared>> -> memref<10240x128xf32, #tpu.memory_space<vmem_shared>>
      tpu.wait_indirect_dma semaphore(%arg12 : memref<!tpu.dma_semaphore, #tpu.memory_space<semaphore_mem>>) src(%arg8 : memref<125x128xf32, #tpu.memory_space<vmem>>) dst(%dma_wait3A_150 : memref<10240x128xf32, #tpu.memory_space<vmem_shared>>)
      %add3A_151 = arith.constant 2 : i32
      %add3A_152 = arith.addi %mul3A_104, %add3A_151 : i32
      %lt3A_153 = arith.constant 20 : i32
      %lt3A_154 = arith.cmpi slt, %add3A_152, %lt3A_153 : i32
      %convert_element_type3A_155 = arith.extui %lt3A_154 : i1 to i32
      %cond3A_156 = arith.constant 0 : i32
      %cond3A_157 = arith.cmpi ne, %convert_element_type3A_155, %cond3A_156 : i32
      scf.if %cond3A_157 {
        %add3A_158 = arith.constant 2 : i32
        %add3A_159 = arith.addi %mul3A_104, %add3A_158 : i32
        %dma_start3A_160 = arith.constant 0 : i32
        %dma_start3A_161 = tpu.memref_slice %arg6[%add3A_159, %dma_start3A_160] : memref<20x125xi32, #tpu.memory_space<vmem>> -> memref<1x125xi32, #tpu.memory_space<vmem>>
        %dma_start3A_162 = tpu.memref_squeeze %dma_start3A_161 : memref<1x125xi32, #tpu.memory_space<vmem>> -> memref<125xi32, #tpu.memory_space<vmem>>
        %dma_start3A_163 = arith.constant 0 : i32
        %dma_start3A_164 = arith.constant 0 : i32
        %dma_start3A_165 = tpu.memref_slice %arg2[%dma_start3A_163, %dma_start3A_164] : memref<10000x128xf32, #tpu.memory_space<hbm>> -> memref<10000x128xf32, #tpu.memory_space<hbm>>
        tpu.enqueue_indirect_dma source(%dma_start3A_165 : memref<10000x128xf32, #tpu.memory_space<hbm>>) target(%arg8 : memref<125x128xf32, #tpu.memory_space<vmem>>) offsets(%dma_start3A_162 : memref<125xi32, #tpu.memory_space<vmem>>) semaphore(%arg10 : memref<!tpu.dma_semaphore, #tpu.memory_space<semaphore_mem>>)
      } else {
      }
    }
    %scan3A_61 = arith.constant 10 : i32
    %dma_wait3A_62 = arith.constant 19 : i32
    %dma_wait3A_63 = arith.constant 0 : i32
    %dma_wait3A_64 = tpu.memref_slice %arg7[%dma_wait3A_62, %dma_wait3A_63] : memref<20x125xi32, #tpu.memory_space<vmem>> -> memref<1x125xi32, #tpu.memory_space<vmem>>
    %dma_wait3A_65 = tpu.memref_squeeze %dma_wait3A_64 : memref<1x125xi32, #tpu.memory_space<vmem>> -> memref<125xi32, #tpu.memory_space<vmem>>
    %dma_wait3A_66 = arith.constant 0 : i32
    %dma_wait3A_67 = arith.constant 0 : i32
    %dma_wait3A_68 = tpu.memref_slice %arg14[%dma_wait3A_66, %dma_wait3A_67] : memref<10240x128xf32, #tpu.memory_space<vmem_shared>> -> memref<10240x128xf32, #tpu.memory_space<vmem_shared>>
    tpu.wait_indirect_dma semaphore(%arg13 : memref<!tpu.dma_semaphore, #tpu.memory_space<semaphore_mem>>) src(%arg9 : memref<125x128xf32, #tpu.memory_space<vmem>>) dst(%dma_wait3A_68 : memref<10240x128xf32, #tpu.memory_space<vmem_shared>>)
    %run_scoped3A_69 = arith.constant 3 : i32
    "tpu.region"() ({
      %run_scoped3A_102 = tpu.sem_alloc : memref<!tpu.dma_semaphore, #tpu.memory_space<semaphore_mem>>
      %dma_start3A_103 = arith.constant 0 : i32
      %dma_start3A_104 = arith.constant 0 : i32
      %dma_start3A_105 = tpu.memref_slice %arg3[%add3A, %run_scoped3A_69, %dma_start3A_103, %dma_start3A_104] : memref<32x4x20x125xi32, #tpu.memory_space<hbm>> -> memref<1x1x20x125xi32, #tpu.memory_space<hbm>>
      %dma_start3A_106 = tpu.memref_squeeze %dma_start3A_105 : memref<1x1x20x125xi32, #tpu.memory_space<hbm>> -> memref<20x125xi32, #tpu.memory_space<hbm>>
      %dma_start3A_107 = arith.constant 0 : i32
      %dma_start3A_108 = arith.constant 0 : i32
      %dma_start3A_109 = tpu.memref_slice %arg3[%add3A, %run_scoped3A_69, %dma_start3A_107, %dma_start3A_108] : memref<32x4x20x125xi32, #tpu.memory_space<hbm>> -> memref<1x1x20x125xi32, #tpu.memory_space<hbm>>
      %dma_start3A_110 = tpu.memref_squeeze %dma_start3A_109 : memref<1x1x20x125xi32, #tpu.memory_space<hbm>> -> memref<20x125xi32, #tpu.memory_space<hbm>>
      tpu.enqueue_dma source(%dma_start3A_110 : memref<20x125xi32, #tpu.memory_space<hbm>>) target(%arg6 : memref<20x125xi32, #tpu.memory_space<vmem>>) target_semaphore(%run_scoped3A_102 : memref<!tpu.dma_semaphore, #tpu.memory_space<semaphore_mem>>)
      %dma_wait3A_111 = arith.constant 0 : i32
      %dma_wait3A_112 = arith.constant 0 : i32
      %dma_wait3A_113 = tpu.memref_slice %arg3[%add3A, %run_scoped3A_69, %dma_wait3A_111, %dma_wait3A_112] : memref<32x4x20x125xi32, #tpu.memory_space<hbm>> -> memref<1x1x20x125xi32, #tpu.memory_space<hbm>>
      %dma_wait3A_114 = tpu.memref_squeeze %dma_wait3A_113 : memref<1x1x20x125xi32, #tpu.memory_space<hbm>> -> memref<20x125xi32, #tpu.memory_space<hbm>>
      %dma_wait3A_115 = arith.constant 0 : i32
      %dma_wait3A_116 = arith.constant 0 : i32
      %dma_wait3A_117 = tpu.memref_slice %arg3[%add3A, %run_scoped3A_69, %dma_wait3A_115, %dma_wait3A_116] : memref<32x4x20x125xi32, #tpu.memory_space<hbm>> -> memref<1x1x20x125xi32, #tpu.memory_space<hbm>>
      %dma_wait3A_118 = tpu.memref_squeeze %dma_wait3A_117 : memref<1x1x20x125xi32, #tpu.memory_space<hbm>> -> memref<20x125xi32, #tpu.memory_space<hbm>>
      tpu.wait_dma2 semaphore(%run_scoped3A_102 : memref<!tpu.dma_semaphore, #tpu.memory_space<semaphore_mem>>) src(%dma_wait3A_118 : memref<20x125xi32, #tpu.memory_space<hbm>>) dst(%arg6 : memref<20x125xi32, #tpu.memory_space<vmem>>)
      tpu.yield
    }) : () -> ()
    %run_scoped3A_70 = arith.constant 3 : i32
    "tpu.region"() ({
      %run_scoped3A_102 = tpu.sem_alloc : memref<!tpu.dma_semaphore, #tpu.memory_space<semaphore_mem>>
      %dma_start3A_103 = arith.constant 0 : i32
      %dma_start3A_104 = arith.constant 0 : i32
      %dma_start3A_105 = tpu.memref_slice %arg4[%add3A, %run_scoped3A_70, %dma_start3A_103, %dma_start3A_104] : memref<32x4x20x125xi32, #tpu.memory_space<hbm>> -> memref<1x1x20x125xi32, #tpu.memory_space<hbm>>
      %dma_start3A_106 = tpu.memref_squeeze %dma_start3A_105 : memref<1x1x20x125xi32, #tpu.memory_space<hbm>> -> memref<20x125xi32, #tpu.memory_space<hbm>>
      %dma_start3A_107 = arith.constant 0 : i32
      %dma_start3A_108 = arith.constant 0 : i32
      %dma_start3A_109 = tpu.memref_slice %arg4[%add3A, %run_scoped3A_70, %dma_start3A_107, %dma_start3A_108] : memref<32x4x20x125xi32, #tpu.memory_space<hbm>> -> memref<1x1x20x125xi32, #tpu.memory_space<hbm>>
      %dma_start3A_110 = tpu.memref_squeeze %dma_start3A_109 : memref<1x1x20x125xi32, #tpu.memory_space<hbm>> -> memref<20x125xi32, #tpu.memory_space<hbm>>
      tpu.enqueue_dma source(%dma_start3A_110 : memref<20x125xi32, #tpu.memory_space<hbm>>) target(%arg7 : memref<20x125xi32, #tpu.memory_space<vmem>>) target_semaphore(%run_scoped3A_102 : memref<!tpu.dma_semaphore, #tpu.memory_space<semaphore_mem>>)
      %dma_wait3A_111 = arith.constant 0 : i32
      %dma_wait3A_112 = arith.constant 0 : i32
      %dma_wait3A_113 = tpu.memref_slice %arg4[%add3A, %run_scoped3A_70, %dma_wait3A_111, %dma_wait3A_112] : memref<32x4x20x125xi32, #tpu.memory_space<hbm>> -> memref<1x1x20x125xi32, #tpu.memory_space<hbm>>
      %dma_wait3A_114 = tpu.memref_squeeze %dma_wait3A_113 : memref<1x1x20x125xi32, #tpu.memory_space<hbm>> -> memref<20x125xi32, #tpu.memory_space<hbm>>
      %dma_wait3A_115 = arith.constant 0 : i32
      %dma_wait3A_116 = arith.constant 0 : i32
      %dma_wait3A_117 = tpu.memref_slice %arg4[%add3A, %run_scoped3A_70, %dma_wait3A_115, %dma_wait3A_116] : memref<32x4x20x125xi32, #tpu.memory_space<hbm>> -> memref<1x1x20x125xi32, #tpu.memory_space<hbm>>
      %dma_wait3A_118 = tpu.memref_squeeze %dma_wait3A_117 : memref<1x1x20x125xi32, #tpu.memory_space<hbm>> -> memref<20x125xi32, #tpu.memory_space<hbm>>
      tpu.wait_dma2 semaphore(%run_scoped3A_102 : memref<!tpu.dma_semaphore, #tpu.memory_space<semaphore_mem>>) src(%dma_wait3A_118 : memref<20x125xi32, #tpu.memory_space<hbm>>) dst(%arg7 : memref<20x125xi32, #tpu.memory_space<vmem>>)
      tpu.yield
    }) : () -> ()
    %dma_start3A_71 = arith.constant 0 : i32
    %dma_start3A_72 = arith.constant 0 : i32
    %dma_start3A_73 = tpu.memref_slice %arg6[%dma_start3A_71, %dma_start3A_72] : memref<20x125xi32, #tpu.memory_space<vmem>> -> memref<1x125xi32, #tpu.memory_space<vmem>>
    %dma_start3A_74 = tpu.memref_squeeze %dma_start3A_73 : memref<1x125xi32, #tpu.memory_space<vmem>> -> memref<125xi32, #tpu.memory_space<vmem>>
    %dma_start3A_75 = arith.constant 0 : i32
    %dma_start3A_76 = arith.constant 0 : i32
    %dma_start3A_77 = tpu.memref_slice %arg2[%dma_start3A_75, %dma_start3A_76] : memref<10000x128xf32, #tpu.memory_space<hbm>> -> memref<10000x128xf32, #tpu.memory_space<hbm>>
    tpu.enqueue_indirect_dma source(%dma_start3A_77 : memref<10000x128xf32, #tpu.memory_space<hbm>>) target(%arg8 : memref<125x128xf32, #tpu.memory_space<vmem>>) offsets(%dma_start3A_74 : memref<125xi32, #tpu.memory_space<vmem>>) semaphore(%arg10 : memref<!tpu.dma_semaphore, #tpu.memory_space<semaphore_mem>>)
    %scan3A_78 = arith.constant 0 : i32
    %scan3A_79 = arith.constant 0 : i32
    %scan3A_80 = arith.constant 10 : i32
    %scan3A_81 = arith.addi %scan3A_79, %scan3A_80 : i32
    %scan3A_82 = arith.constant 1 : i32
    scf.for %scan3A_102 = %scan3A_79 to %scan3A_81 step %scan3A_82  : i32 {
      %mul3A_103 = arith.constant 2 : i32
      %mul3A_104 = arith.muli %mul3A_103, %scan3A_102 : i32
      %dma_wait3A_105 = arith.constant 0 : i32
      %dma_wait3A_106 = tpu.memref_slice %arg6[%mul3A_104, %dma_wait3A_105] : memref<20x125xi32, #tpu.memory_space<vmem>> -> memref<1x125xi32, #tpu.memory_space<vmem>>
      %dma_wait3A_107 = tpu.memref_squeeze %dma_wait3A_106 : memref<1x125xi32, #tpu.memory_space<vmem>> -> memref<125xi32, #tpu.memory_space<vmem>>
      %dma_wait3A_108 = arith.constant 0 : i32
      %dma_wait3A_109 = arith.constant 0 : i32
      %dma_wait3A_110 = tpu.memref_slice %arg2[%dma_wait3A_108, %dma_wait3A_109] : memref<10000x128xf32, #tpu.memory_space<hbm>> -> memref<10000x128xf32, #tpu.memory_space<hbm>>
      tpu.wait_indirect_dma semaphore(%arg10 : memref<!tpu.dma_semaphore, #tpu.memory_space<semaphore_mem>>) src(%dma_wait3A_110 : memref<10000x128xf32, #tpu.memory_space<hbm>>) dst(%arg8 : memref<125x128xf32, #tpu.memory_space<vmem>>)
      %dma_start3A_111 = arith.constant 0 : i32
      %dma_start3A_112 = tpu.memref_slice %arg7[%mul3A_104, %dma_start3A_111] : memref<20x125xi32, #tpu.memory_space<vmem>> -> memref<1x125xi32, #tpu.memory_space<vmem>>
      %dma_start3A_113 = tpu.memref_squeeze %dma_start3A_112 : memref<1x125xi32, #tpu.memory_space<vmem>> -> memref<125xi32, #tpu.memory_space<vmem>>
      %dma_start3A_114 = arith.constant 0 : i32
      %dma_start3A_115 = arith.constant 0 : i32
      %dma_start3A_116 = tpu.memref_slice %arg14[%dma_start3A_114, %dma_start3A_115] : memref<10240x128xf32, #tpu.memory_space<vmem_shared>> -> memref<10240x128xf32, #tpu.memory_space<vmem_shared>>
      tpu.enqueue_indirect_dma source(%arg8 : memref<125x128xf32, #tpu.memory_space<vmem>>) target(%dma_start3A_116 : memref<10240x128xf32, #tpu.memory_space<vmem_shared>>) offsets(%dma_start3A_113 : memref<125xi32, #tpu.memory_space<vmem>>) semaphore(%arg12 : memref<!tpu.dma_semaphore, #tpu.memory_space<semaphore_mem>>) {add = true}
      %gt3A = arith.constant 0 : i32
      %gt3A_117 = arith.cmpi sgt, %mul3A_104, %gt3A : i32
      %convert_element_type3A_118 = arith.extui %gt3A_117 : i1 to i32
      %cond3A_119 = arith.constant 0 : i32
      %cond3A_120 = arith.cmpi ne, %convert_element_type3A_118, %cond3A_119 : i32
      scf.if %cond3A_120 {
        %sub3A = arith.constant 1 : i32
        %sub3A_158 = arith.subi %mul3A_104, %sub3A : i32
        %dma_wait3A_159 = arith.constant 0 : i32
        %dma_wait3A_160 = tpu.memref_slice %arg7[%sub3A_158, %dma_wait3A_159] : memref<20x125xi32, #tpu.memory_space<vmem>> -> memref<1x125xi32, #tpu.memory_space<vmem>>
        %dma_wait3A_161 = tpu.memref_squeeze %dma_wait3A_160 : memref<1x125xi32, #tpu.memory_space<vmem>> -> memref<125xi32, #tpu.memory_space<vmem>>
        %dma_wait3A_162 = arith.constant 0 : i32
        %dma_wait3A_163 = arith.constant 0 : i32
        %dma_wait3A_164 = tpu.memref_slice %arg14[%dma_wait3A_162, %dma_wait3A_163] : memref<10240x128xf32, #tpu.memory_space<vmem_shared>> -> memref<10240x128xf32, #tpu.memory_space<vmem_shared>>
        tpu.wait_indirect_dma semaphore(%arg13 : memref<!tpu.dma_semaphore, #tpu.memory_space<semaphore_mem>>) src(%arg9 : memref<125x128xf32, #tpu.memory_space<vmem>>) dst(%dma_wait3A_164 : memref<10240x128xf32, #tpu.memory_space<vmem_shared>>)
      } else {
      }
      %add3A_121 = arith.constant 1 : i32
      %add3A_122 = arith.addi %mul3A_104, %add3A_121 : i32
      %dma_start3A_123 = arith.constant 0 : i32
      %dma_start3A_124 = tpu.memref_slice %arg6[%add3A_122, %dma_start3A_123] : memref<20x125xi32, #tpu.memory_space<vmem>> -> memref<1x125xi32, #tpu.memory_space<vmem>>
      %dma_start3A_125 = tpu.memref_squeeze %dma_start3A_124 : memref<1x125xi32, #tpu.memory_space<vmem>> -> memref<125xi32, #tpu.memory_space<vmem>>
      %dma_start3A_126 = arith.constant 0 : i32
      %dma_start3A_127 = arith.constant 0 : i32
      %dma_start3A_128 = tpu.memref_slice %arg2[%dma_start3A_126, %dma_start3A_127] : memref<10000x128xf32, #tpu.memory_space<hbm>> -> memref<10000x128xf32, #tpu.memory_space<hbm>>
      tpu.enqueue_indirect_dma source(%dma_start3A_128 : memref<10000x128xf32, #tpu.memory_space<hbm>>) target(%arg9 : memref<125x128xf32, #tpu.memory_space<vmem>>) offsets(%dma_start3A_125 : memref<125xi32, #tpu.memory_space<vmem>>) semaphore(%arg11 : memref<!tpu.dma_semaphore, #tpu.memory_space<semaphore_mem>>)
      %add3A_129 = arith.constant 1 : i32
      %add3A_130 = arith.addi %mul3A_104, %add3A_129 : i32
      %dma_wait3A_131 = arith.constant 0 : i32
      %dma_wait3A_132 = tpu.memref_slice %arg6[%add3A_130, %dma_wait3A_131] : memref<20x125xi32, #tpu.memory_space<vmem>> -> memref<1x125xi32, #tpu.memory_space<vmem>>
      %dma_wait3A_133 = tpu.memref_squeeze %dma_wait3A_132 : memref<1x125xi32, #tpu.memory_space<vmem>> -> memref<125xi32, #tpu.memory_space<vmem>>
      %dma_wait3A_134 = arith.constant 0 : i32
      %dma_wait3A_135 = arith.constant 0 : i32
      %dma_wait3A_136 = tpu.memref_slice %arg2[%dma_wait3A_134, %dma_wait3A_135] : memref<10000x128xf32, #tpu.memory_space<hbm>> -> memref<10000x128xf32, #tpu.memory_space<hbm>>
      tpu.wait_indirect_dma semaphore(%arg11 : memref<!tpu.dma_semaphore, #tpu.memory_space<semaphore_mem>>) src(%dma_wait3A_136 : memref<10000x128xf32, #tpu.memory_space<hbm>>) dst(%arg9 : memref<125x128xf32, #tpu.memory_space<vmem>>)
      %add3A_137 = arith.constant 1 : i32
      %add3A_138 = arith.addi %mul3A_104, %add3A_137 : i32
      %dma_start3A_139 = arith.constant 0 : i32
      %dma_start3A_140 = tpu.memref_slice %arg7[%add3A_138, %dma_start3A_139] : memref<20x125xi32, #tpu.memory_space<vmem>> -> memref<1x125xi32, #tpu.memory_space<vmem>>
      %dma_start3A_141 = tpu.memref_squeeze %dma_start3A_140 : memref<1x125xi32, #tpu.memory_space<vmem>> -> memref<125xi32, #tpu.memory_space<vmem>>
      %dma_start3A_142 = arith.constant 0 : i32
      %dma_start3A_143 = arith.constant 0 : i32
      %dma_start3A_144 = tpu.memref_slice %arg14[%dma_start3A_142, %dma_start3A_143] : memref<10240x128xf32, #tpu.memory_space<vmem_shared>> -> memref<10240x128xf32, #tpu.memory_space<vmem_shared>>
      tpu.enqueue_indirect_dma source(%arg9 : memref<125x128xf32, #tpu.memory_space<vmem>>) target(%dma_start3A_144 : memref<10240x128xf32, #tpu.memory_space<vmem_shared>>) offsets(%dma_start3A_141 : memref<125xi32, #tpu.memory_space<vmem>>) semaphore(%arg13 : memref<!tpu.dma_semaphore, #tpu.memory_space<semaphore_mem>>) {add = true}
      %dma_wait3A_145 = arith.constant 0 : i32
      %dma_wait3A_146 = tpu.memref_slice %arg7[%mul3A_104, %dma_wait3A_145] : memref<20x125xi32, #tpu.memory_space<vmem>> -> memref<1x125xi32, #tpu.memory_space<vmem>>
      %dma_wait3A_147 = tpu.memref_squeeze %dma_wait3A_146 : memref<1x125xi32, #tpu.memory_space<vmem>> -> memref<125xi32, #tpu.memory_space<vmem>>
      %dma_wait3A_148 = arith.constant 0 : i32
      %dma_wait3A_149 = arith.constant 0 : i32
      %dma_wait3A_150 = tpu.memref_slice %arg14[%dma_wait3A_148, %dma_wait3A_149] : memref<10240x128xf32, #tpu.memory_space<vmem_shared>> -> memref<10240x128xf32, #tpu.memory_space<vmem_shared>>
      tpu.wait_indirect_dma semaphore(%arg12 : memref<!tpu.dma_semaphore, #tpu.memory_space<semaphore_mem>>) src(%arg8 : memref<125x128xf32, #tpu.memory_space<vmem>>) dst(%dma_wait3A_150 : memref<10240x128xf32, #tpu.memory_space<vmem_shared>>)
      %add3A_151 = arith.constant 2 : i32
      %add3A_152 = arith.addi %mul3A_104, %add3A_151 : i32
      %lt3A_153 = arith.constant 20 : i32
      %lt3A_154 = arith.cmpi slt, %add3A_152, %lt3A_153 : i32
      %convert_element_type3A_155 = arith.extui %lt3A_154 : i1 to i32
      %cond3A_156 = arith.constant 0 : i32
      %cond3A_157 = arith.cmpi ne, %convert_element_type3A_155, %cond3A_156 : i32
      scf.if %cond3A_157 {
        %add3A_158 = arith.constant 2 : i32
        %add3A_159 = arith.addi %mul3A_104, %add3A_158 : i32
        %dma_start3A_160 = arith.constant 0 : i32
        %dma_start3A_161 = tpu.memref_slice %arg6[%add3A_159, %dma_start3A_160] : memref<20x125xi32, #tpu.memory_space<vmem>> -> memref<1x125xi32, #tpu.memory_space<vmem>>
        %dma_start3A_162 = tpu.memref_squeeze %dma_start3A_161 : memref<1x125xi32, #tpu.memory_space<vmem>> -> memref<125xi32, #tpu.memory_space<vmem>>
        %dma_start3A_163 = arith.constant 0 : i32
        %dma_start3A_164 = arith.constant 0 : i32
        %dma_start3A_165 = tpu.memref_slice %arg2[%dma_start3A_163, %dma_start3A_164] : memref<10000x128xf32, #tpu.memory_space<hbm>> -> memref<10000x128xf32, #tpu.memory_space<hbm>>
        tpu.enqueue_indirect_dma source(%dma_start3A_165 : memref<10000x128xf32, #tpu.memory_space<hbm>>) target(%arg8 : memref<125x128xf32, #tpu.memory_space<vmem>>) offsets(%dma_start3A_162 : memref<125xi32, #tpu.memory_space<vmem>>) semaphore(%arg10 : memref<!tpu.dma_semaphore, #tpu.memory_space<semaphore_mem>>)
      } else {
      }
    }
    %scan3A_83 = arith.constant 10 : i32
    %dma_wait3A_84 = arith.constant 19 : i32
    %dma_wait3A_85 = arith.constant 0 : i32
    %dma_wait3A_86 = tpu.memref_slice %arg7[%dma_wait3A_84, %dma_wait3A_85] : memref<20x125xi32, #tpu.memory_space<vmem>> -> memref<1x125xi32, #tpu.memory_space<vmem>>
    %dma_wait3A_87 = tpu.memref_squeeze %dma_wait3A_86 : memref<1x125xi32, #tpu.memory_space<vmem>> -> memref<125xi32, #tpu.memory_space<vmem>>
    %dma_wait3A_88 = arith.constant 0 : i32
    %dma_wait3A_89 = arith.constant 0 : i32
    %dma_wait3A_90 = tpu.memref_slice %arg14[%dma_wait3A_88, %dma_wait3A_89] : memref<10240x128xf32, #tpu.memory_space<vmem_shared>> -> memref<10240x128xf32, #tpu.memory_space<vmem_shared>>
    tpu.wait_indirect_dma semaphore(%arg13 : memref<!tpu.dma_semaphore, #tpu.memory_space<semaphore_mem>>) src(%arg9 : memref<125x128xf32, #tpu.memory_space<vmem>>) dst(%dma_wait3A_90 : memref<10240x128xf32, #tpu.memory_space<vmem_shared>>)
    %barrier3A_91 = arith.constant 0 : index
    tpu.barrier barrier_id(%barrier3A_91)
    %lt3A_92 = arith.constant 15 : i32
    %lt3A_93 = arith.cmpi slt, %arg1, %lt3A_92 : i32
    %convert_element_type3A_94 = arith.extui %lt3A_93 : i1 to i32
    %cond3A_95 = arith.constant 0 : i32
    %cond3A_96 = arith.cmpi ne, %convert_element_type3A_94, %cond3A_95 : i32
    scf.if %cond3A_96 {
      %mul3A_102 = arith.constant 640 : i32
      %mul3A_103 = arith.muli %arg1, %mul3A_102 : i32
      %mul3A_104 = arith.constant 640 : i32
      %mul3A_105 = arith.muli %arg1, %mul3A_104 : i32
      "tpu.region"() ({
        %run_scoped3A_106 = tpu.sem_alloc : memref<!tpu.dma_semaphore, #tpu.memory_space<semaphore_mem>>
        %dma_start3A_107 = arith.constant 0 : i32
        %dma_start3A_108 = tpu.memref_slice %arg5[%arg0, %mul3A_105, %dma_start3A_107] : memref<2x10000x128xf32, #tpu.memory_space<hbm>> -> memref<1x640x128xf32, #tpu.memory_space<hbm>>
        %dma_start3A_109 = tpu.memref_squeeze %dma_start3A_108 : memref<1x640x128xf32, #tpu.memory_space<hbm>> -> memref<640x128xf32, #tpu.memory_space<hbm>>
        %dma_start3A_110 = arith.constant 0 : i32
        %dma_start3A_111 = tpu.memref_slice %arg14[%mul3A_103, %dma_start3A_110] : memref<10240x128xf32, #tpu.memory_space<vmem_shared>> -> memref<640x128xf32, #tpu.memory_space<vmem_shared>>
        tpu.enqueue_dma source(%dma_start3A_111 : memref<640x128xf32, #tpu.memory_space<vmem_shared>>) target(%dma_start3A_109 : memref<640x128xf32, #tpu.memory_space<hbm>>) target_semaphore(%run_scoped3A_106 : memref<!tpu.dma_semaphore, #tpu.memory_space<semaphore_mem>>)
        %dma_wait3A_112 = arith.constant 0 : i32
        %dma_wait3A_113 = tpu.memref_slice %arg5[%arg0, %mul3A_105, %dma_wait3A_112] : memref<2x10000x128xf32, #tpu.memory_space<hbm>> -> memref<1x640x128xf32, #tpu.memory_space<hbm>>
        %dma_wait3A_114 = tpu.memref_squeeze %dma_wait3A_113 : memref<1x640x128xf32, #tpu.memory_space<hbm>> -> memref<640x128xf32, #tpu.memory_space<hbm>>
        %dma_wait3A_115 = arith.constant 0 : i32
        %dma_wait3A_116 = tpu.memref_slice %arg14[%mul3A_103, %dma_wait3A_115] : memref<10240x128xf32, #tpu.memory_space<vmem_shared>> -> memref<640x128xf32, #tpu.memory_space<vmem_shared>>
        tpu.wait_dma2 semaphore(%run_scoped3A_106 : memref<!tpu.dma_semaphore, #tpu.memory_space<semaphore_mem>>) src(%dma_wait3A_116 : memref<640x128xf32, #tpu.memory_space<vmem_shared>>) dst(%dma_wait3A_114 : memref<640x128xf32, #tpu.memory_space<hbm>>)
        tpu.yield
      }) : () -> ()
    } else {
    }
    %eq3A_97 = arith.constant 15 : i32
    %eq3A_98 = arith.cmpi eq, %arg1, %eq3A_97 : i32
    %convert_element_type3A_99 = arith.extui %eq3A_98 : i1 to i32
    %cond3A_100 = arith.constant 0 : i32
    %cond3A_101 = arith.cmpi ne, %convert_element_type3A_99, %cond3A_100 : i32
    scf.if %cond3A_101 {
      "tpu.region"() ({
        %run_scoped3A_102 = tpu.sem_alloc : memref<!tpu.dma_semaphore, #tpu.memory_space<semaphore_mem>>
        %dma_start3A_103 = arith.constant 9600 : i32
        %dma_start3A_104 = arith.constant 0 : i32
        %dma_start3A_105 = tpu.memref_slice %arg5[%arg0, %dma_start3A_103, %dma_start3A_104] : memref<2x10000x128xf32, #tpu.memory_space<hbm>> -> memref<1x400x128xf32, #tpu.memory_space<hbm>>
        %dma_start3A_106 = tpu.memref_squeeze %dma_start3A_105 : memref<1x400x128xf32, #tpu.memory_space<hbm>> -> memref<400x128xf32, #tpu.memory_space<hbm>>
        %dma_start3A_107 = arith.constant 9600 : i32
        %dma_start3A_108 = arith.constant 0 : i32
        %dma_start3A_109 = tpu.memref_slice %arg14[%dma_start3A_107, %dma_start3A_108] : memref<10240x128xf32, #tpu.memory_space<vmem_shared>> -> memref<400x128xf32, #tpu.memory_space<vmem_shared>>
        tpu.enqueue_dma source(%dma_start3A_109 : memref<400x128xf32, #tpu.memory_space<vmem_shared>>) target(%dma_start3A_106 : memref<400x128xf32, #tpu.memory_space<hbm>>) target_semaphore(%run_scoped3A_102 : memref<!tpu.dma_semaphore, #tpu.memory_space<semaphore_mem>>)
        %dma_wait3A_110 = arith.constant 9600 : i32
        %dma_wait3A_111 = arith.constant 0 : i32
        %dma_wait3A_112 = tpu.memref_slice %arg5[%arg0, %dma_wait3A_110, %dma_wait3A_111] : memref<2x10000x128xf32, #tpu.memory_space<hbm>> -> memref<1x400x128xf32, #tpu.memory_space<hbm>>
        %dma_wait3A_113 = tpu.memref_squeeze %dma_wait3A_112 : memref<1x400x128xf32, #tpu.memory_space<hbm>> -> memref<400x128xf32, #tpu.memory_space<hbm>>
        %dma_wait3A_114 = arith.constant 9600 : i32
        %dma_wait3A_115 = arith.constant 0 : i32
        %dma_wait3A_116 = tpu.memref_slice %arg14[%dma_wait3A_114, %dma_wait3A_115] : memref<10240x128xf32, #tpu.memory_space<vmem_shared>> -> memref<400x128xf32, #tpu.memory_space<vmem_shared>>
        tpu.wait_dma2 semaphore(%run_scoped3A_102 : memref<!tpu.dma_semaphore, #tpu.memory_space<semaphore_mem>>) src(%dma_wait3A_116 : memref<400x128xf32, #tpu.memory_space<vmem_shared>>) dst(%dma_wait3A_113 : memref<400x128xf32, #tpu.memory_space<hbm>>)
        tpu.yield
      }) : () -> ()
    } else {
    }
    return
  }
}

module attributes {stable_mosaic.version = 14 : i64} {
  func.func @_norm_body(%arg0: i32, %arg1: memref<1024x128xf32, #tpu.memory_space<vmem>>, %arg2: memref<32x1024xf32, #tpu.memory_space<vmem>>, %arg3: memref<1024x128xf32, #tpu.memory_space<vmem>>) attributes {dimension_semantics = [#tpu.dimension_semantics<arbitrary>], iteration_bounds = array<i64: 10>, scalar_prefetch = 0 : i64, scratch_operands = 0 : i64, tpu.core_type = #tpu.core_type<tc>, window_params = [{transform_indices = @transform_0, window_bounds = array<i64: 1024, 128>}, {transform_indices = @transform_1, window_bounds = array<i64: 32, 1024>}, {transform_indices = @transform_2, window_bounds = array<i64: 1024, 128>}]} {
    %get3A = arith.constant 0 : index
    %get3A_0 = arith.constant 0 : index
    %get3A_1 = vector.load %arg1[%get3A, %get3A_0] : memref<1024x128xf32, #tpu.memory_space<vmem>>, vector<1024x128xf32>
    %get3A_2 = arith.constant 0 : index
    %get3A_3 = arith.constant 0 : index
    %get3A_4 = vector.load %arg2[%get3A_2, %get3A_3] : memref<32x1024xf32, #tpu.memory_space<vmem>>, vector<32x1024xf32>
    %reduce_sum3A = arith.constant dense<0.000000e+00> : vector<1024xf32>
    %reduce_sum3A_5 = vector.multi_reduction <add>, %get3A_4, %reduce_sum3A [0] : vector<32x1024xf32> to vector<1024xf32>
    %add3A = arith.constant 1.000000e+00 : f32
    %add3A_6 = vector.broadcast %add3A : f32 to vector<1024xf32>
    %add3A_7 = arith.addf %reduce_sum3A_5, %add3A_6 : vector<1024xf32>
    %rsqrt3A = math.rsqrt %add3A_7 : vector<1024xf32>
    %broadcast_in_dim3A = vector.shape_cast %rsqrt3A : vector<1024xf32> to vector<1024x1xf32>
    %mul3A = vector.broadcast %broadcast_in_dim3A : vector<1024x1xf32> to vector<1024x128xf32>
    %mul3A_8 = arith.mulf %get3A_1, %mul3A : vector<1024x128xf32>
    %swap3A = arith.constant 0 : index
    %swap3A_9 = arith.constant 0 : index
    %swap3A_10 = vector.load %arg3[%swap3A, %swap3A_9] : memref<1024x128xf32, #tpu.memory_space<vmem>>, vector<1024x128xf32>
    tpu.vector_store %arg3[%swap3A, %swap3A_9], %mul3A_8 {strides = array<i32>} : memref<1024x128xf32, #tpu.memory_space<vmem>>, vector<1024x128xf32>,
    return
  }
  func.func @transform_0(%arg0: i32) -> (i32, i32) {
    %c0_i32 = arith.constant 0 : i32
    %c0_i32_0 = arith.constant 0 : i32
    return %arg0, %c0_i32 : i32, i32
  }
  func.func @transform_1(%arg0: i32) -> (i32, i32) {
    %c0_i32 = arith.constant 0 : i32
    %c0_i32_0 = arith.constant 0 : i32
    return %c0_i32, %arg0 : i32, i32
  }
  func.func @transform_2(%arg0: i32) -> (i32, i32) {
    %c0_i32 = arith.constant 0 : i32
    %c0_i32_0 = arith.constant 0 : i32
    return %arg0, %c0_i32 : i32, i32
  }
}

module attributes {stable_mosaic.version = 14 : i64} {
  func.func @_out_body(%arg0: i32, %arg1: memref<1024x128xf32, #tpu.memory_space<vmem>>, %arg2: memref<2x1024x128xf32, #tpu.memory_space<vmem>>, %arg3: memref<32x1024xf32, #tpu.memory_space<vmem>>, %arg4: memref<128x128xf32, #tpu.memory_space<vmem>>, %arg5: memref<1x128xf32, #tpu.memory_space<vmem>>, %arg6: memref<1024x128xf32, #tpu.memory_space<vmem>>) attributes {dimension_semantics = [#tpu.dimension_semantics<arbitrary>], iteration_bounds = array<i64: 10>, scalar_prefetch = 0 : i64, scratch_operands = 0 : i64, tpu.core_type = #tpu.core_type<tc>, window_params = [{transform_indices = @transform_0, window_bounds = array<i64: 1024, 128>}, {transform_indices = @transform_1, window_bounds = array<i64: 2, 1024, 128>}, {transform_indices = @transform_2, window_bounds = array<i64: 32, 1024>}, {pipeline_mode = #tpu.pipeline_mode<synchronous>, transform_indices = @transform_3, window_bounds = array<i64: 128, 128>}, {pipeline_mode = #tpu.pipeline_mode<synchronous>, transform_indices = @transform_4, window_bounds = array<i64: 1, 128>}, {transform_indices = @transform_5, window_bounds = array<i64: 1024, 128>}]} {
    %get3A = arith.constant 0 : index
    %get3A_0 = arith.constant 0 : index
    %get3A_1 = vector.load %arg3[%get3A, %get3A_0] : memref<32x1024xf32, #tpu.memory_space<vmem>>, vector<32x1024xf32>
    %reduce_sum3A = arith.constant dense<0.000000e+00> : vector<1024xf32>
    %reduce_sum3A_2 = vector.multi_reduction <add>, %get3A_1, %reduce_sum3A [0] : vector<32x1024xf32> to vector<1024xf32>
    %add3A = arith.constant 1.000000e+00 : f32
    %add3A_3 = vector.broadcast %add3A : f32 to vector<1024xf32>
    %add3A_4 = arith.addf %reduce_sum3A_2, %add3A_3 : vector<1024xf32>
    %rsqrt3A = math.rsqrt %add3A_4 : vector<1024xf32>
    %broadcast_in_dim3A = vector.shape_cast %rsqrt3A : vector<1024xf32> to vector<1024x1xf32>
    %get3A_5 = arith.constant 0 : index
    %get3A_6 = arith.constant 0 : index
    %get3A_7 = vector.load %arg1[%get3A_5, %get3A_6] : memref<1024x128xf32, #tpu.memory_space<vmem>>, vector<1024x128xf32>
    %get3A_8 = arith.constant 0 : index
    %get3A_9 = arith.constant 0 : index
    %get3A_10 = arith.constant 0 : index
    %get3A_11 = vector.load %arg2[%get3A_8, %get3A_9, %get3A_10] : memref<2x1024x128xf32, #tpu.memory_space<vmem>>, vector<1x1024x128xf32>
    %get3A_12 = vector.shape_cast %get3A_11 : vector<1x1024x128xf32> to vector<1024x128xf32>
    %get3A_13 = arith.constant 1 : index
    %get3A_14 = arith.constant 0 : index
    %get3A_15 = arith.constant 0 : index
    %get3A_16 = vector.load %arg2[%get3A_13, %get3A_14, %get3A_15] : memref<2x1024x128xf32, #tpu.memory_space<vmem>>, vector<1x1024x128xf32>
    %get3A_17 = vector.shape_cast %get3A_16 : vector<1x1024x128xf32> to vector<1024x128xf32>
    %add3A_18 = arith.addf %get3A_12, %get3A_17 : vector<1024x128xf32>
    %mul3A = vector.broadcast %broadcast_in_dim3A : vector<1024x1xf32> to vector<1024x128xf32>
    %mul3A_19 = arith.mulf %get3A_7, %mul3A : vector<1024x128xf32>
    %sub3A = arith.subf %add3A_18, %mul3A_19 : vector<1024x128xf32>
    %mul3A_20 = vector.broadcast %broadcast_in_dim3A : vector<1024x1xf32> to vector<1024x128xf32>
    %mul3A_21 = arith.mulf %sub3A, %mul3A_20 : vector<1024x128xf32>
    %get3A_22 = arith.constant 0 : index
    %get3A_23 = arith.constant 0 : index
    %get3A_24 = vector.load %arg4[%get3A_22, %get3A_23] : memref<128x128xf32, #tpu.memory_space<vmem>>, vector<128x128xf32>
    %dot_general3A = arith.constant dense<0.000000e+00> : vector<1024x128xf32>
    %dot_general3A_25 = tpu.matmul %mul3A_21, %get3A_24, %dot_general3A {dimension_numbers = #tpu.dot_dimension_numbers<[1], [1], [0], [0], [0, 0, 1, 0], [], []>, transpose_lhs_hint = false} : vector<1024x128xf32>, vector<128x128xf32>, vector<1024x128xf32> -> vector<1024x128xf32>
    %get3A_26 = arith.constant 0 : index
    %get3A_27 = arith.constant 0 : index
    %get3A_28 = vector.load %arg5[%get3A_26, %get3A_27] : memref<1x128xf32, #tpu.memory_space<vmem>>, vector<1x128xf32>
    %add3A_29 = vector.broadcast %get3A_28 : vector<1x128xf32> to vector<1024x128xf32>
    %add3A_30 = arith.addf %dot_general3A_25, %add3A_29 : vector<1024x128xf32>
    %max3A = arith.constant 0.000000e+00 : f32
    %max3A_31 = vector.broadcast %max3A : f32 to vector<1024x128xf32>
    %max3A_32 = arith.maximumf %add3A_30, %max3A_31 : vector<1024x128xf32>
    %add3A_33 = arith.addf %get3A_7, %max3A_32 : vector<1024x128xf32>
    %swap3A = arith.constant 0 : index
    %swap3A_34 = arith.constant 0 : index
    %swap3A_35 = vector.load %arg6[%swap3A, %swap3A_34] : memref<1024x128xf32, #tpu.memory_space<vmem>>, vector<1024x128xf32>
    tpu.vector_store %arg6[%swap3A, %swap3A_34], %add3A_33 {strides = array<i32>} : memref<1024x128xf32, #tpu.memory_space<vmem>>, vector<1024x128xf32>,
    return
  }
  func.func @transform_0(%arg0: i32) -> (i32, i32) {
    %c0_i32 = arith.constant 0 : i32
    %c0_i32_0 = arith.constant 0 : i32
    return %arg0, %c0_i32 : i32, i32
  }
  func.func @transform_1(%arg0: i32) -> (i32, i32, i32) {
    %c0_i32 = arith.constant 0 : i32
    %c0_i32_0 = arith.constant 0 : i32
    %c0_i32_1 = arith.constant 0 : i32
    return %c0_i32, %arg0, %c0_i32_0 : i32, i32, i32
  }
  func.func @transform_2(%arg0: i32) -> (i32, i32) {
    %c0_i32 = arith.constant 0 : i32
    %c0_i32_0 = arith.constant 0 : i32
    return %c0_i32, %arg0 : i32, i32
  }
  func.func @transform_3(%arg0: i32) -> (i32, i32) {
    %c0_i32 = arith.constant 0 : i32
    %c0_i32_0 = arith.constant 0 : i32
    %c0_i32_1 = arith.constant 0 : i32
    return %c0_i32, %c0_i32_0 : i32, i32
  }
  func.func @transform_4(%arg0: i32) -> (i32, i32) {
    %c0_i32 = arith.constant 0 : i32
    %c0_i32_0 = arith.constant 0 : i32
    %c0_i32_1 = arith.constant 0 : i32
    return %c0_i32, %c0_i32_0 : i32, i32
  }
  func.func @transform_5(%arg0: i32) -> (i32, i32) {
    %c0_i32 = arith.constant 0 : i32
    %c0_i32_0 = arith.constant 0 : i32
    return %arg0, %c0_i32 : i32, i32
  }
}

</mosaic_0001>

<sc_bundles>
// kernel: kernel.6.cloned.1.call-start
scs
__scs_entry_jumppad:
0x0: {  	(pc) =	sbr.rel $0x88, $3  }
0x1: {  	(tag) =	ssettag $0x0;
	lr =	simm.s32 $0x1  }
0x2: {  	[smem:$0x3F9D] =	sst lr;
	_ =	strace $0xD0000000  }
0x3: {  	_ = 	snop  }
0x4: {  	_ = 	snop  }
0x5: {  	_ = 	snop  }
0x6: {  	_ = 	snop  }
0x7: {  	_ = 	snop  }
__scs_overlays_trampoline_lowered:
0x8: {  	[smem:$0x3FAC] =	sst s0  }
0x9: {  	[smem:$0x3FAD] =	sst s1  }
0xa: {  	[smem:$0x3FAE] =	sst s2  }
0xb: {  	[smem:$0x3FAF] =	sst s3  }
0xc: {  	[smem:$0x3FB0] =	sst s4  }
0xd: {  	[smem:$0x3FB1] =	sst s5  }
0xe: {  	[smem:$0x3FB2] =	sst s6  }
0xf: {  	[smem:$0x3FB3] =	sst s7  }
0x10: {  	[smem:$0x3FB4] =	sst s8  }
0x11: {  	[smem:$0x3FB5] =	sst s9;
	s0 =	simm.s32 @!p0 $0x0  }
0x12: {  	s1 =	sld [smem:$0x3F9B];
	s0 =	simm.s32 @p0 $0x1  }
0x13: {  	[smem:$0x3FB6] =	sst s0;
	s0 =	simm.s32 @!p1 $0x0  }
0x14: {  	s2 =	sld [smem:$0x3F9A];
	s0 =	simm.s32 @p1 $0x1  }
0x15: {  	[smem:$0x3FB7] =	sst s0;
	s0 =	simm.s32 @!p2 $0x0  }
0x16: {  	s3 =	sld [smem:$0x3FDB];
	s0 =	simm.s32 @p2 $0x1  }
0x17: {  	s4 =	simm.s32 $0x1BF5;
	[smem:$0x3FB9] =	sst s0  }
0x18: {  	s0 =	sld [smem:$0x3F9C];
	_ =	swait.ge [sflag:s4], $0x0  }
0x19: {  	s7 =	sld [smem:$0x3F9D]  }
0x1a: {  	s8 =	sadd.s32 $0xFFFFE003, lr  }
0x1b: {  	s9 =	sadd.s32 $0xFFFFFEF7, lr;
	s5 =	simm.s32 $0xFFFFFFFF;
	p2 =	slt.u32 s8, $0xFFFFF086  }
0x1c: {  	p1 =	slt.u32 s9, $0xF7A;
	s5 =	simm.s32 @!p2 $0x0  }
0x1d: {  	s5 =	simm.s32 @p1 $0x1;
	p0 =	seq.s32 s7, s2  }
0x1e: {  	s7 =	smul.u32 @!p0 $0xF7A, s2;
	p2 =	seq.s32 @!p0 s5, $0x0  }
0x1f: {  	s9 =	smul.u32 $0xF7A, s1;
	s8 =	simm.s32 @!p0 $0x1BF5;
	p2 =	por !p2, p0  }
0x20: {  	[sflag:s8] =	ssyncset.s32 @!p0 $0xFFFFF086;
	s6 =	sadd.s32 @!p0 s3, s7;
	s7 =	simm.s32 @!p0 $0x108  }
0x21: {  	s3 =	sadd.s32 s3, s9;
	s6 =	sadd.s32 @!p0 $0x88, s6;
	s7 =	simm.s32 @p2 $0x1082  }
0x22: {  	[simem:s7], [sflag:s8] =	dma.local @!p0 [hbm:s6], $0xF7A  }
0x23: {  	s9 =	sor.u32 $0xD0000000, s2;
	s6 =	simm.s32 $0x108;
	_ =	swait.ge @!p0 [sflag:s8], $0x0  }
0x24: {  	s3 =	sadd.s32 $0x88, s3;
	s6 =	simm.s32 @!p1 $0x1082;
	[sflag:s4] =	ssyncset.s32 $0xFFFFF086  }
0x25: {  	[simem:s6], [sflag:s4] =	dma.local [hbm:s3], $0xF7A  }
0x26: {  	[smem:$0x3F9D] =	sst s1;
	(tag) =	ssettag s2;
	_ =	strace s9  }
0x27: {  	s1 =	sld [smem:$0x3FAD]  }
0x28: {  	s2 =	sld [smem:$0x3FAE]  }
0x29: {  	s4 =	sld [smem:$0x3FB0]  }
0x2a: {  	p0 =	seq.s32 s5, $0x0;
	s5 =	sld [smem:$0x3FB1]  }
0x2b: {  	s6 =	sld [smem:$0x3FB2]  }
0x2c: {  	s7 =	sld [smem:$0x3FB3]  }
0x2d: {  	s3 =	simm.s32 $0x108;
	s8 =	sld [smem:$0x3FB4]  }
0x2e: {  	s3 =	simm.s32 @!p0 $0x1082;
	s9 =	sld [smem:$0x3FB5]  }
0x2f: {  	lr =	sadd.s32 s0, s3;
	s0 =	sld [smem:$0x3FAC]  }
0x30: {  	s3 =	sld [smem:$0x3FAF]  }
0x31: {  	[smem:$0x3FB8] =	sst s10  }
0x32: {  	s10 =	sld [smem:$0x3FB6];
	_ =	sdelay $0x3  }
0x33: {  	p0 =	seq.s32 s10, $0x1;
	s10 =	sld [smem:$0x3FB8];
	_ =	sdelay $0x3  }
0x34: {  	[smem:$0x3FB8] =	sst s10  }
0x35: {  	s10 =	sld [smem:$0x3FB7];
	_ =	sdelay $0x3  }
0x36: {  	p1 =	seq.s32 s10, $0x1;
	s10 =	sld [smem:$0x3FB8];
	_ =	sdelay $0x3  }
0x37: {  	[smem:$0x3FB8] =	sst s10  }
0x38: {  	s10 =	sld [smem:$0x3FB9]  }
0x39: {  	_ = 	snop;
	(pc) =	sbr.ind lr, $3  }
0x3a: {  	_ = 	snop  }
0x3b: {  	_ = 	snop  }
0x3c: {  	p2 =	seq.s32 s10, $0x1;
	s10 =	sld [smem:$0x3FB8]  }
0x3d: {  	_ =	shalt  }
0x3e: {  	_ =	shalt  }
0x3f: {  	_ =	shalt  }
0x40: {  	_ =	shalt  }
0x41: {  	_ =	shalt  }
0x42: {  	_ =	shalt  }
0x43: {  	_ =	shalt  }
0x44: {  	_ =	shalt  }
0x45: {  	_ =	shalt  }
0x46: {  	_ =	shalt  }
0x47: {  	_ =	shalt  }
0x48: {  	_ =	shalt  }
0x49: {  	_ =	shalt  }
0x4a: {  	_ =	shalt  }
0x4b: {  	_ =	shalt  }
0x4c: {  	_ =	shalt  }
0x4d: {  	_ =	shalt  }
0x4e: {  	_ =	shalt  }
0x4f: {  	_ =	shalt  }
0x50: {  	_ =	shalt  }
0x51: {  	_ =	shalt  }
0x52: {  	_ =	shalt  }
0x53: {  	_ =	shalt  }
0x54: {  	_ =	shalt  }
0x55: {  	_ =	shalt  }
0x56: {  	_ =	shalt  }
0x57: {  	_ =	shalt  }
0x58: {  	_ =	shalt  }
0x59: {  	_ =	shalt  }
0x5a: {  	_ =	shalt  }
0x5b: {  	_ =	shalt  }
0x5c: {  	_ =	shalt  }
0x5d: {  	_ =	shalt  }
0x5e: {  	_ =	shalt  }
0x5f: {  	_ =	shalt  }
0x60: {  	_ =	shalt  }
0x61: {  	_ =	shalt  }
0x62: {  	_ =	shalt  }
0x63: {  	_ =	shalt  }
0x64: {  	_ =	shalt  }
0x65: {  	_ =	shalt  }
0x66: {  	_ =	shalt  }
0x67: {  	_ =	shalt  }
0x68: {  	_ =	shalt  }
0x69: {  	_ =	shalt  }
0x6a: {  	_ =	shalt  }
0x6b: {  	_ =	shalt  }
0x6c: {  	_ =	shalt  }
0x6d: {  	_ =	shalt  }
0x6e: {  	_ =	shalt  }
0x6f: {  	_ =	shalt  }
0x70: {  	_ =	shalt  }
0x71: {  	_ =	shalt  }
0x72: {  	_ =	shalt  }
0x73: {  	_ =	shalt  }
0x74: {  	_ =	shalt  }
0x75: {  	_ =	shalt  }
0x76: {  	_ =	shalt  }
0x77: {  	_ =	shalt  }
0x78: {  	_ =	shalt  }
0x79: {  	_ =	shalt  }
0x7a: {  	_ =	shalt  }
0x7b: {  	_ =	shalt  }
0x7c: {  	_ =	shalt  }
0x7d: {  	_ =	shalt  }
0x7e: {  	_ =	shalt  }
0x7f: {  	_ =	shalt  }
0x80: {  	_ =	shalt  }
0x81: {  	_ =	shalt  }
0x82: {  	_ =	shalt  }
0x83: {  	_ =	shalt  }
0x84: {  	_ =	shalt  }
0x85: {  	_ =	shalt  }
0x86: {  	_ =	shalt  }
0x87: {  	_ =	shalt  }
.Lfunc_end0:
.L_simem_size_0:
called_computation_lowered:
.L_overlay_start_0:
0x88: {  	s2 =	sld [smem:$0x3FD9]  }
0x89: {  	s3 =	sld [smem:$0x3FFE];
	_ =	sdelay $0x1  }
0x8a: {  	s1 =	srdreg.scid  }
0x8b: {  	s0 =	sand.u32 $0x1, s1  }
0x8c: {  	s17 =	sshll.u32 s0, $0xA;
	s2 =	sadd.s32 s3, s2  }
0x8d: {  	s2 =	sadd.s32 s2, s17  }
0x8e: {  	[smem:$0x3FC4] =	sst s2  }
0x8f: {  	_ = 	snop  }
0x90: {  	s2 =	sld [smem:$0x3FD0];
	(tm) =	ssettm $0x1  }
0x91: {  	s18 =	sld [smem:$0x3FFB];
	_ =	sdelay $0x3  }
0x92: {  	_ =	strace s18  }
0x93: {  	s3 =	sld [smem:$0x3FFC];
	_ =	sdelay $0x3  }
0x94: {  	_ =	strace s3  }
0x95: {  	s3 =	sld [smem:$0x3FFD];
	_ =	sdelay $0x3  }
0x96: {  	_ =	strace s3  }
0x97: {  	_ =	strace $0x8FFFFFFF  }
0x98: {  	s19 =	sld [smem:$0x3FDB];
	_ =	sdelay $0x1  }
0x99: {  	s4 =	simm.s32 $_scs_section_size  }
0x9a: {  	s5 =	simm.s32 $_size__tile_overlayer_lowered;
	s6 =	simm.s32 $_tile_overlayer_lowered  }
0x9b: {  	s22 =	simm.s32 $0x1BFF;
	s21 =	sshll.u32 s6, $0x1;
	s3 =	sadd.s32 s4, s19  }
0x9c: {  	s7 =	simm.s32 $0x0;
	s20 =	sshll.u32 s5, $0x1;
	s5 =	sadd.s32 s21, s3  }
0x9d: {  	[timem:s7], [sflag:s22] =	dma.local [hbm:s5], s20  }
0x9e: {  	_ =	swait.ge [sflag:s22], s20  }
0x9f: {  	s4 =	ssub.s32 $0x0, s20;
	[sflag:s22] =	ssyncset.done $0x0  }
0xa0: {  	[sflag:s22] =	ssyncadd.s32 s4;
	_ =	sdelay $0x1  }
0xa1: {  	s23 =	simm.s32 $0x1B8B  }
0xa2: {  	_ =	swait.ge [sflag:s23], $0x1  }
0xa3: {  	[sflag:s23] =	ssyncset.done $0x0  }
0xa4: {  	s25 =	simm.s32 $0x1B8E;
	s24 =	sld [smem:$0x3FFE];
	[sflag:s23] =	ssyncadd.s32 $0xFFFFFFFF  }
0xa5: {  	s26 =	simm.s32 $execute0_lowered;
	[smem:$0x3FD2] =	sst s25  }
0xa6: {  	s5 =	sshll.u32 s26, $0x1;
	_ =	strace $0x80000046;
	[dreg:$0x1] =	wrdreg $0xFFFFFFFF  }
0xa7: {  	s28 =	simm.s32 $_size_execute0_lowered;
	s3 =	sadd.s32 s3, s5;
	[dreg:$0x0] =	wrdreg $0x0  }
0xa8: {  	s5 =	sshll.u32 s28, $0x1;
	[dreg:$0x2] =	wrdreg s3  }
0xa9: {  	[dreg:$0x3] =	wrdreg s5  }
0xaa: {  	[dreg:$0x4] =	wrdreg $0xC0  }
0xab: {  	_ =	task [dreg:s7], $0x5FFFF  }
0xac: {  	[dreg:$0x1] =	wrdreg $0xFFFFFFFF  }
0xad: {  	[dreg:$0x0] =	wrdreg $0x60  }
0xae: {  	[dreg:$0x2] =	wrdreg s24  }
0xaf: {  	[dreg:$0x3] =	wrdreg s2  }
0xb0: {  	[dreg:$0x4] =	wrdreg $0x9  }
0xb1: {  	_ =	task.clear_ibuf [dreg:s7], $0x5FFFF;
	_ =	strace $0x90000046  }
0xb2: {  	s29 =	simm.s32 $0x9;
	_ =	strace $0x80000048  }
0xb3: {  	_ =	swait.ge [sflag:s29], $0x1  }
0xb4: {  	[sflag:s29] =	ssyncadd.s32 $0xFFFFFFFF  }
0xb5: {  	_ =	strace $0x90000048  }
0xb6: {  	_ =	sfence  }
0xb7: {  	s30 =	sld [smem:$0x0];
	_ =	sdelay $0x2  }
0xb8: {  	s31 =	sshll.u32 s1, $0xD;
	s1 =	sshrl.u32 s1, $0x2  }
0xb9: {  	s3 =	sand.u32 $0x4000, s31;
	s1 =	sadd.s32 s1, s30  }
0xba: {  	s0 =	sor.u32 s3, s0;
	s1 =	sshll.u32 s1, $0x11  }
0xbb: {  	s0 =	sor.u32 s1, s0  }
0xbc: {  	s0 =	sadd.s32 $0x8F2B, s0  }
0xbd: {  	[sflag:s0] =	ssyncadd.remote.s32 $0x1  }
0xbe: {  	_ =	sfence.sel $0xFFFF  }
0xbf: {  	[dreg:$0x0] =	wrdreg $0xFFFFFFFF;
	(pc) =	sbr.abs _section_cstart, $3  }
0xc0: {  	[dreg:$0x1] =	wrdreg $0xFFFFFFFF  }
0xc1: {  	_ =	task.clear_ibuf [dreg:s7], $0x2FFFF;
	_ =	strace $0x9FFFFFFF  }
0xc2: {  	(tm) =	ssettm $0x7FFFFFFF  }
0xc3: {  	_ =	shalt  }
tec
execute0_lowered:
.L_overlay_start_1:
0x0: {  	(tag) =	ssettag $0x1  }
0x1: {  	s0 =	srdreg.scid  }
0x2: {  	s3 =	sand.u32 $0x1, s0  }
0x3: {  	s4 =	rddreg [dreg:$0x0];
	s0 =	stileid.u32;
	s1 =	sshll.u32 s3, $0x4  }
0x4: {  	s6 =	rddreg [dreg:$0x1];
	s1 =	sor.u32 s0, s1  }
0x5: {  	s2 =	simm.s32 $0x0;
	s9 =	simm.s32 $0x2780;
	s5 =	sshrl.u32 s1, $0x3  }
0x6: {  	[smem:$0x7FF] =	sst s2;
	s7 =	sshll.u32 s0, $0x7;
	s8 =	smul.u32 $0x13C00, s5  }
0x7: {  	s3 =	ssub.s32 $0x2, s3;
	s7 =	sand.u32 $0x380, s7;
	s5 =	smul.u32 $0x14000, s5  }
0x8: {  	s29 =	sshrl.u32 s3, $0x1;
	s1 =	rddreg [dreg:$0x2];
	_ =	strace $0x80000047  }
0x9: {  	s30 =	ssub.s32 s3, s29;
	s8 =	sor.u32 s7, s8;
	s5 =	sor.u32 s7, s5  }
0xa: {  	s7 =	simm.s32 $0x400;
	s8 =	sshrl.u32 s8, $0x3;
	s31 =	sshrl.u32 s5, $0x3  }
0xb: {  	s5 =	smax.u32 s30, $0x1;
	s4 =	sadd.s32 s8, s4;
	s8 =	simm.s32 $0x1  }
0xc: {  	v0 =	vimm.f32 $0.0e+00;
	v1 =	vimm.f32 $1.000000000e+00;
	s3 =	sadd.s32 $0x1200, s4;
	s4 =	sadd.s32 s6, s31;
	s6 =	simm.s32 $0x80  }
.LBB2_1:
0xd: {  	s10 =	simm.s32 $0x40;
	s11 =	simm.s32 $0x0  }
.LBB2_2:
0xe: {  	p0 =	sne.s32 s10, $0x9FC0;
	[tilespmem:s11+$0x2780] =	vst v0;
	s11 =	smov.u32 s10;
	s10 =	sadd.s32 $0x40, s10  }
.Ltmp0:
0xf: {  	(pc) =	sbr.rel @p0 .LBB2_2-.Ltmp0, $2  }
0x10: {  	_ =	sdelay $0x2  }
0x11: {  	s11 =	sshra.s32 s11, $0x2  }
0x12: {  	[tilespmem:s11+$0x2780] =	vst v0;
	s10 =	simm.s32 $0x0  }
0x13: {  	[tilespmem:s10], [sflag:$0x1] =	stream.strided.gather [hbm4b:s3+s6], $0x2780, s7, s6, $0x38;
	[tilespmem:$0x4F80] =	vst v63  }
0x14: {  	_ =	swait.ge [sflag:s8], $0x2780  }
0x15: {  	[sflag:s8] =	ssyncset.done $0x0  }
0x16: {  	s11 =	simm.s32 $0x0;
	s10 =	simm.s32 $0x40;
	[sflag:s8] =	ssyncadd.s32 $0xFFFFD880  }
.LBB2_4:
0x17: {  	p0 =	sne.s32 s10, $0x9C00;
	v2 =	vld [tilespmem:s11+$0x0];
	_ =	sdelay $0x3  }
.Ltmp1:
0x18: {  	(pc) =	sbr.rel @p0 .LBB2_4-.Ltmp1, $2  }
0x19: {  	_ =	sdelay $0x2  }
0x1a: {  	s11 =	sshra.s32 s10, $0x2;
	s10 =	sadd.s32 $0x40, s10;
	[tilespmem:v2+s9+$0x0] =	vst.idx.add.f32.msk $0xffff, v1  }
0x1b: {  	v2 =	vld [tilespmem:s11+$0x0];
	_ =	sdelay $0x5  }
0x1c: {  	s2 =	sadd.s32 $0x1, s2  }
0x1d: {  	p0 =	sne.s32 s2, s5  }
.Ltmp2:
0x1e: {  	[tilespmem:v2+s9+$0x0] =	vst.idx.add.f32.msk $0xffff, v1;
	(pc) =	sbr.rel @p0 .LBB2_1-.Ltmp2, $4  }
0x1f: {  	[hbm4b:s4+s6] =	stream.strided.scatter [tilespmem:s9], [sflag:$0x1], $0x2800, s7, s6, $0x38;
	[tilespmem:$0x4F80] =	vst v63  }
0x20: {  	_ =	swait.ge [sflag:s8], $0x2800  }
0x21: {  	[sflag:s8] =	ssyncset.done $0x0  }
0x22: {  	[sflag:s8] =	ssyncadd.s32 $0xFFFFD800  }
0x23: {  	_ =	sfence.sel $0x180000  }
0x24: {  	[bflag:$0x0] =	sbarrier.arrive $0xFFFF  }
0x25: {  	p0 =	sne.s32 s0, $0x0;
	_ =	strace $0x90000047  }
0x26: {  	s0 =	sadd.s32 @!p0 $0x100000, s1;
	[bflag:$0x2] =	sbarrier.arrive $0xFFFF  }
0x27: {  	[sflag:s0] =	ssyncadd.tile.s32 @!p0 $0x1;
	_ =	shalt  }
.Lfunc_end2:
_tile_overlayer_lowered:
.L_overlay_start_2:
0x28: {  	(tag) =	ssettag $0x2  }
0x29: {  	s0 =	rddreg [dreg:$0x0];
	s2 =	stileid.u32  }
0x2a: {  	s1 =	rddreg [dreg:$0x1];
	p0 =	sne.s32 s2, $0x0  }
0x2b: {  	s3 =	rddreg [dreg:$0x2];
	[bflag:$0x3] =	sbarrier.arrive $0xFFFF;
	s2 =	simm.s32 @!p0 $0x1C01  }
0x2c: {  	[timem:s3], [sflag:s2] =	dma.local @!p0 [hbm:s0], s1  }
0x2d: {  	s0 =	simm.s32 @!p0 $0x1  }
0x2e: {  	_ =	swait.ge @!p0 [sflag:s0], s1  }
0x2f: {  	s1 =	ssub.s32 @!p0 $0x0, s1;
	[sflag:s0] =	ssyncset.done @!p0 $0x0  }
0x30: {  	[sflag:s0] =	ssyncadd.s32 @!p0 s1  }
0x31: {  	[bflag:$0x3] =	sbarrier.arrive $0xFFFF  }
0x32: {  	_ =	shalt  }

// kernel: kernel.9.cloned.1.call-start
scs
__scs_entry_jumppad:
0x0: {  	(pc) =	sbr.rel $0x88, $3  }
0x1: {  	(tag) =	ssettag $0x0;
	lr =	simm.s32 $0x1  }
0x2: {  	[smem:$0x3F9D] =	sst lr;
	_ =	strace $0xD0000000  }
0x3: {  	_ = 	snop  }
0x4: {  	_ = 	snop  }
0x5: {  	_ = 	snop  }
0x6: {  	_ = 	snop  }
0x7: {  	_ = 	snop  }
__scs_overlays_trampoline_lowered:
0x8: {  	[smem:$0x3FAC] =	sst s0  }
0x9: {  	[smem:$0x3FAD] =	sst s1  }
0xa: {  	[smem:$0x3FAE] =	sst s2  }
0xb: {  	[smem:$0x3FAF] =	sst s3  }
0xc: {  	[smem:$0x3FB0] =	sst s4  }
0xd: {  	[smem:$0x3FB1] =	sst s5  }
0xe: {  	[smem:$0x3FB2] =	sst s6  }
0xf: {  	[smem:$0x3FB3] =	sst s7  }
0x10: {  	[smem:$0x3FB4] =	sst s8  }
0x11: {  	[smem:$0x3FB5] =	sst s9;
	s0 =	simm.s32 @!p0 $0x0  }
0x12: {  	s1 =	sld [smem:$0x3F9B];
	s0 =	simm.s32 @p0 $0x1  }
0x13: {  	[smem:$0x3FB6] =	sst s0;
	s0 =	simm.s32 @!p1 $0x0  }
0x14: {  	s2 =	sld [smem:$0x3F9A];
	s0 =	simm.s32 @p1 $0x1  }
0x15: {  	[smem:$0x3FB7] =	sst s0;
	s0 =	simm.s32 @!p2 $0x0  }
0x16: {  	s3 =	sld [smem:$0x3FDB];
	s0 =	simm.s32 @p2 $0x1  }
0x17: {  	s4 =	simm.s32 $0x1BF5;
	[smem:$0x3FB9] =	sst s0  }
0x18: {  	s0 =	sld [smem:$0x3F9C];
	_ =	swait.ge [sflag:s4], $0x0  }
0x19: {  	s7 =	sld [smem:$0x3F9D]  }
0x1a: {  	s8 =	sadd.s32 $0xFFFFE003, lr  }
0x1b: {  	s9 =	sadd.s32 $0xFFFFFEF7, lr;
	s5 =	simm.s32 $0xFFFFFFFF;
	p2 =	slt.u32 s8, $0xFFFFF086  }
0x1c: {  	p1 =	slt.u32 s9, $0xF7A;
	s5 =	simm.s32 @!p2 $0x0  }
0x1d: {  	s5 =	simm.s32 @p1 $0x1;
	p0 =	seq.s32 s7, s2  }
0x1e: {  	s7 =	smul.u32 @!p0 $0xF7A, s2;
	p2 =	seq.s32 @!p0 s5, $0x0  }
0x1f: {  	s9 =	smul.u32 $0xF7A, s1;
	s8 =	simm.s32 @!p0 $0x1BF5;
	p2 =	por !p2, p0  }
0x20: {  	[sflag:s8] =	ssyncset.s32 @!p0 $0xFFFFF086;
	s6 =	sadd.s32 @!p0 s3, s7;
	s7 =	simm.s32 @!p0 $0x108  }
0x21: {  	s3 =	sadd.s32 s3, s9;
	s6 =	sadd.s32 @!p0 $0x88, s6;
	s7 =	simm.s32 @p2 $0x1082  }
0x22: {  	[simem:s7], [sflag:s8] =	dma.local @!p0 [hbm:s6], $0xF7A  }
0x23: {  	s9 =	sor.u32 $0xD0000000, s2;
	s6 =	simm.s32 $0x108;
	_ =	swait.ge @!p0 [sflag:s8], $0x0  }
0x24: {  	s3 =	sadd.s32 $0x88, s3;
	s6 =	simm.s32 @!p1 $0x1082;
	[sflag:s4] =	ssyncset.s32 $0xFFFFF086  }
0x25: {  	[simem:s6], [sflag:s4] =	dma.local [hbm:s3], $0xF7A  }
0x26: {  	[smem:$0x3F9D] =	sst s1;
	(tag) =	ssettag s2;
	_ =	strace s9  }
0x27: {  	s1 =	sld [smem:$0x3FAD]  }
0x28: {  	s2 =	sld [smem:$0x3FAE]  }
0x29: {  	s4 =	sld [smem:$0x3FB0]  }
0x2a: {  	p0 =	seq.s32 s5, $0x0;
	s5 =	sld [smem:$0x3FB1]  }
0x2b: {  	s6 =	sld [smem:$0x3FB2]  }
0x2c: {  	s7 =	sld [smem:$0x3FB3]  }
0x2d: {  	s3 =	simm.s32 $0x108;
	s8 =	sld [smem:$0x3FB4]  }
0x2e: {  	s3 =	simm.s32 @!p0 $0x1082;
	s9 =	sld [smem:$0x3FB5]  }
0x2f: {  	lr =	sadd.s32 s0, s3;
	s0 =	sld [smem:$0x3FAC]  }
0x30: {  	s3 =	sld [smem:$0x3FAF]  }
0x31: {  	[smem:$0x3FB8] =	sst s10  }
0x32: {  	s10 =	sld [smem:$0x3FB6];
	_ =	sdelay $0x3  }
0x33: {  	p0 =	seq.s32 s10, $0x1;
	s10 =	sld [smem:$0x3FB8];
	_ =	sdelay $0x3  }
0x34: {  	[smem:$0x3FB8] =	sst s10  }
0x35: {  	s10 =	sld [smem:$0x3FB7];
	_ =	sdelay $0x3  }
0x36: {  	p1 =	seq.s32 s10, $0x1;
	s10 =	sld [smem:$0x3FB8];
	_ =	sdelay $0x3  }
0x37: {  	[smem:$0x3FB8] =	sst s10  }
0x38: {  	s10 =	sld [smem:$0x3FB9]  }
0x39: {  	_ = 	snop;
	(pc) =	sbr.ind lr, $3  }
0x3a: {  	_ = 	snop  }
0x3b: {  	_ = 	snop  }
0x3c: {  	p2 =	seq.s32 s10, $0x1;
	s10 =	sld [smem:$0x3FB8]  }
0x3d: {  	_ =	shalt  }
0x3e: {  	_ =	shalt  }
0x3f: {  	_ =	shalt  }
0x40: {  	_ =	shalt  }
0x41: {  	_ =	shalt  }
0x42: {  	_ =	shalt  }
0x43: {  	_ =	shalt  }
0x44: {  	_ =	shalt  }
0x45: {  	_ =	shalt  }
0x46: {  	_ =	shalt  }
0x47: {  	_ =	shalt  }
0x48: {  	_ =	shalt  }
0x49: {  	_ =	shalt  }
0x4a: {  	_ =	shalt  }
0x4b: {  	_ =	shalt  }
0x4c: {  	_ =	shalt  }
0x4d: {  	_ =	shalt  }
0x4e: {  	_ =	shalt  }
0x4f: {  	_ =	shalt  }
0x50: {  	_ =	shalt  }
0x51: {  	_ =	shalt  }
0x52: {  	_ =	shalt  }
0x53: {  	_ =	shalt  }
0x54: {  	_ =	shalt  }
0x55: {  	_ =	shalt  }
0x56: {  	_ =	shalt  }
0x57: {  	_ =	shalt  }
0x58: {  	_ =	shalt  }
0x59: {  	_ =	shalt  }
0x5a: {  	_ =	shalt  }
0x5b: {  	_ =	shalt  }
0x5c: {  	_ =	shalt  }
0x5d: {  	_ =	shalt  }
0x5e: {  	_ =	shalt  }
0x5f: {  	_ =	shalt  }
0x60: {  	_ =	shalt  }
0x61: {  	_ =	shalt  }
0x62: {  	_ =	shalt  }
0x63: {  	_ =	shalt  }
0x64: {  	_ =	shalt  }
0x65: {  	_ =	shalt  }
0x66: {  	_ =	shalt  }
0x67: {  	_ =	shalt  }
0x68: {  	_ =	shalt  }
0x69: {  	_ =	shalt  }
0x6a: {  	_ =	shalt  }
0x6b: {  	_ =	shalt  }
0x6c: {  	_ =	shalt  }
0x6d: {  	_ =	shalt  }
0x6e: {  	_ =	shalt  }
0x6f: {  	_ =	shalt  }
0x70: {  	_ =	shalt  }
0x71: {  	_ =	shalt  }
0x72: {  	_ =	shalt  }
0x73: {  	_ =	shalt  }
0x74: {  	_ =	shalt  }
0x75: {  	_ =	shalt  }
0x76: {  	_ =	shalt  }
0x77: {  	_ =	shalt  }
0x78: {  	_ =	shalt  }
0x79: {  	_ =	shalt  }
0x7a: {  	_ =	shalt  }
0x7b: {  	_ =	shalt  }
0x7c: {  	_ =	shalt  }
0x7d: {  	_ =	shalt  }
0x7e: {  	_ =	shalt  }
0x7f: {  	_ =	shalt  }
0x80: {  	_ =	shalt  }
0x81: {  	_ =	shalt  }
0x82: {  	_ =	shalt  }
0x83: {  	_ =	shalt  }
0x84: {  	_ =	shalt  }
0x85: {  	_ =	shalt  }
0x86: {  	_ =	shalt  }
0x87: {  	_ =	shalt  }
.Lfunc_end0:
.L_simem_size_0:
called_computation.1_lowered:
.L_overlay_start_0:
0x88: {  	s2 =	sld [smem:$0x3FD9]  }
0x89: {  	s3 =	sld [smem:$0x3FFE];
	_ =	sdelay $0x1  }
0x8a: {  	s1 =	srdreg.scid  }
0x8b: {  	s0 =	sand.u32 $0x1, s1  }
0x8c: {  	s17 =	sshll.u32 s0, $0xA;
	s2 =	sadd.s32 s3, s2  }
0x8d: {  	s2 =	sadd.s32 s2, s17  }
0x8e: {  	[smem:$0x3FC4] =	sst s2  }
0x8f: {  	_ = 	snop  }
0x90: {  	s2 =	sld [smem:$0x3FD0];
	(tm) =	ssettm $0x1  }
0x91: {  	s18 =	sld [smem:$0x3FFB];
	_ =	sdelay $0x3  }
0x92: {  	_ =	strace s18  }
0x93: {  	s3 =	sld [smem:$0x3FFC];
	_ =	sdelay $0x3  }
0x94: {  	_ =	strace s3  }
0x95: {  	s3 =	sld [smem:$0x3FFD];
	_ =	sdelay $0x3  }
0x96: {  	_ =	strace s3  }
0x97: {  	_ =	strace $0x8FFFFFFF  }
0x98: {  	s19 =	sld [smem:$0x3FDB];
	_ =	sdelay $0x1  }
0x99: {  	s4 =	simm.s32 $_scs_section_size  }
0x9a: {  	s5 =	simm.s32 $_size__tile_overlayer_lowered;
	s6 =	simm.s32 $_tile_overlayer_lowered  }
0x9b: {  	s22 =	simm.s32 $0x1BFF;
	s21 =	sshll.u32 s6, $0x1;
	s3 =	sadd.s32 s4, s19  }
0x9c: {  	s7 =	simm.s32 $0x0;
	s20 =	sshll.u32 s5, $0x1;
	s5 =	sadd.s32 s21, s3  }
0x9d: {  	[timem:s7], [sflag:s22] =	dma.local [hbm:s5], s20  }
0x9e: {  	_ =	swait.ge [sflag:s22], s20  }
0x9f: {  	s4 =	ssub.s32 $0x0, s20;
	[sflag:s22] =	ssyncset.done $0x0  }
0xa0: {  	[sflag:s22] =	ssyncadd.s32 s4;
	_ =	sdelay $0x1  }
0xa1: {  	s23 =	simm.s32 $0x1B8B  }
0xa2: {  	_ =	swait.ge [sflag:s23], $0x1  }
0xa3: {  	[sflag:s23] =	ssyncset.done $0x0  }
0xa4: {  	s25 =	simm.s32 $0x1B8E;
	s24 =	sld [smem:$0x3FFE];
	[sflag:s23] =	ssyncadd.s32 $0xFFFFFFFF  }
0xa5: {  	s26 =	simm.s32 $execute0_lowered;
	[smem:$0x3FD2] =	sst s25  }
0xa6: {  	s5 =	sshll.u32 s26, $0x1;
	_ =	strace $0x80000049;
	[dreg:$0x1] =	wrdreg $0xFFFFFFFF  }
0xa7: {  	s28 =	simm.s32 $_size_execute0_lowered;
	s3 =	sadd.s32 s3, s5;
	[dreg:$0x0] =	wrdreg $0x0  }
0xa8: {  	s5 =	sshll.u32 s28, $0x1;
	[dreg:$0x2] =	wrdreg s3  }
0xa9: {  	[dreg:$0x3] =	wrdreg s5  }
0xaa: {  	[dreg:$0x4] =	wrdreg $0xC0  }
0xab: {  	_ =	task [dreg:s7], $0x5FFFF  }
0xac: {  	[dreg:$0x1] =	wrdreg $0xFFFFFFFF  }
0xad: {  	[dreg:$0x0] =	wrdreg $0x60  }
0xae: {  	[dreg:$0x2] =	wrdreg s2  }
0xaf: {  	[dreg:$0x3] =	wrdreg s24  }
0xb0: {  	[dreg:$0x4] =	wrdreg $0x98000  }
0xb1: {  	[dreg:$0x5] =	wrdreg $0x9  }
0xb2: {  	_ =	task.clear_ibuf [dreg:s7], $0x6FFFF;
	_ =	strace $0x90000049  }
0xb3: {  	s29 =	simm.s32 $0x9;
	_ =	strace $0x8000004B  }
0xb4: {  	_ =	swait.ge [sflag:s29], $0x1  }
0xb5: {  	[sflag:s29] =	ssyncadd.s32 $0xFFFFFFFF  }
0xb6: {  	_ =	strace $0x9000004B  }
0xb7: {  	_ =	sfence  }
0xb8: {  	s30 =	sld [smem:$0x0];
	_ =	sdelay $0x2  }
0xb9: {  	s31 =	sshll.u32 s1, $0xD;
	s1 =	sshrl.u32 s1, $0x2  }
0xba: {  	s3 =	sand.u32 $0x4000, s31;
	s1 =	sadd.s32 s1, s30  }
0xbb: {  	s0 =	sor.u32 s3, s0;
	s1 =	sshll.u32 s1, $0x11  }
0xbc: {  	s0 =	sor.u32 s1, s0  }
0xbd: {  	s0 =	sadd.s32 $0x8F2B, s0  }
0xbe: {  	[sflag:s0] =	ssyncadd.remote.s32 $0x1  }
0xbf: {  	_ =	sfence.sel $0xFFFF  }
0xc0: {  	[dreg:$0x0] =	wrdreg $0xFFFFFFFF;
	(pc) =	sbr.abs _section_cstart, $3  }
0xc1: {  	[dreg:$0x1] =	wrdreg $0xFFFFFFFF  }
0xc2: {  	_ =	task.clear_ibuf [dreg:s7], $0x2FFFF;
	_ =	strace $0x9FFFFFFF  }
0xc3: {  	(tm) =	ssettm $0x7FFFFFFF  }
tec
execute0_lowered:
.L_overlay_start_1:
0x0: {  	(tag) =	ssettag $0x1  }
0x1: {  	s2 =	rddreg [dreg:$0x0]  }
0x2: {  	s0 =	rddreg [dreg:$0x1]  }
0x3: {  	s3 =	rddreg [dreg:$0x2]  }
0x4: {  	s1 =	srdreg.scid;
	s11 =	stileid.u32;
	s31 =	simm.s32 $0x0  }
0x5: {  	s7 =	sand.u32 $0x1, s1;
	s30 =	smul.u32 $0x50000, s11;
	[smem:$0x7FF] =	sst s31  }
0x6: {  	s4 =	smul.u32 $0x2800, s11;
	s6 =	sadd.s32 $0x17000, s0;
	s8 =	sadd.s32 $0x25800, s2  }
0x7: {  	s9 =	sadd.s32 $0xB000, s0;
	s5 =	sshll.u32 s7, $0x4;
	[dreg:$0x15] =	wrdreg s7  }
0x8: {  	s5 =	sor.u32 s11, s5;
	s1 =	sshrl.u32 s30, $0x2;
	_ =	strace $0x8000004A  }
0x9: {  	s4 =	sadd.s32 s2, s4;
	[dreg:$0x6] =	wrdreg s8;
	s5 =	smul.u32 $0x3000, s5  }
0xa: {  	s0 =	sadd.s32 $0x23000, s0;
	s1 =	sadd.s32 s1, s3;
	[dreg:$0x5] =	wrdreg s4  }
0xb: {  	p0 =	seq.s32 s11, $0xF;
	[dreg:$0x4] =	wrdreg s1;
	s5 =	sshrl.u32 s5, $0x3  }
0xc: {  	s7 =	smul.u32 $0x138800, s7;
	s1 =	rddreg [dreg:$0x6];
	s10 =	sadd.s32 s6, s5  }
0xd: {  	s12 =	sadd.s32 s9, s5;
	s8 =	sor.u32 $0x180, s5;
	[dreg:$0x7] =	wrdreg s10  }
0xe: {  	s23 =	sshrl.u32 s7, $0x3;
	[dreg:$0x8] =	wrdreg s12;
	s13 =	sadd.s32 s6, s8  }
0xf: {  	s15 =	sadd.s32 $0x300, s5;
	s14 =	sadd.s32 s9, s8;
	[dreg:$0x9] =	wrdreg s13  }
0x10: {  	s5 =	sadd.s32 $0x480, s5;
	s16 =	sadd.s32 s6, s15;
	[dreg:$0xa] =	wrdreg s14  }
0x11: {  	s10 =	smul.u32 $0x14000, s11;
	s17 =	sadd.s32 s9, s15;
	[dreg:$0xb] =	wrdreg s16  }
0x12: {  	s18 =	sadd.s32 s6, s5;
	s20 =	sadd.s32 s9, s5;
	[dreg:$0xc] =	wrdreg s17  }
0x13: {  	s5 =	sadd.s32 $0x12C000, s3;
	[dreg:$0xd] =	wrdreg s18;
	s19 =	sadd.s32 s10, s7  }
0x14: {  	[dreg:$0xe] =	wrdreg s20;
	s5 =	sshrl.u32 @p0 s5, $0x3;
	s21 =	sshrl.u32 s19, $0x3  }
0x15: {  	[dreg:$0x11] =	wrdreg s5;
	s22 =	sadd.s32 s0, s21;
	s0 =	sadd.s32 s0, s23  }
0x16: {  	[dreg:$0xf] =	wrdreg s22;
	s0 =	sadd.s32 $0x25800, s0  }
0x17: {  	s4 =	simm.s32 @p0 $0x5;
	[dreg:$0x10] =	wrdreg s0;
	s0 =	simm.s32 @p0 $0x1FC5  }
0x18: {  	[spmem:s5], [sflag:s0] =	dma.local @p0 [hbm:s1], $0x1900  }
0x19: {  	_ =	swait.ge @p0 [sflag:s4], $0x1900  }
0x1a: {  	s5 =	sshll.u32 @!p0 s11, $0x6;
	s0 =	rddreg [dreg:$0x4]  }
0x1b: {  	s5 =	sor.u32 @!p0 $0x1C05, s5;
	[sflag:s4] =	ssyncset.done @p0 $0x0;
	s1 =	rddreg [dreg:$0x5]  }
0x1c: {  	[dreg:$0x12] =	wrdreg s5;
	[sflag:s4] =	ssyncadd.s32 @p0 $0xFFFFE700;
	s4 =	sshrl.u32 @!p0 s0, $0x3  }
0x1d: {  	s0 =	simm.s32 @!p0 $0x5;
	[dreg:$0x14] =	wrdreg s4  }
0x1e: {  	[spmem:s4], [sflag:s5] =	dma.local @!p0 [hbm:s1], $0x2800  }
0x1f: {  	_ =	swait.ge @!p0 [sflag:s0], $0x2800  }
0x20: {  	[sflag:s0] =	ssyncset.done @!p0 $0x0  }
0x21: {  	[sflag:s0] =	ssyncadd.s32 @!p0 $0xFFFFD800  }
0x22: {  	[bflag:$0x0] =	sbarrier.arrive $0xFFFF  }
0x23: {  	s10 =	simm.s32 $0x5;
	s24 =	rddreg [dreg:$0x7]  }
0x24: {  	[tilespmem:s31], [sflag:$0x5] =	stream.linear.gather [hbm4b:s24+s31], $0xA00, $0x38;
	[tilespmem:$0x1D800] =	vst v63  }
0x25: {  	_ =	swait.ge [sflag:s10], $0xA00  }
0x26: {  	[sflag:s10] =	ssyncset.done $0x0  }
0x27: {  	s26 =	simm.s32 $0xC00;
	s25 =	rddreg [dreg:$0x8];
	[sflag:s10] =	ssyncadd.s32 $0xFFFFF600  }
0x28: {  	[tilespmem:s26], [sflag:$0x5] =	stream.linear.gather [hbm4b:s25+s31], $0xA00, $0x38;
	[tilespmem:$0x1D800] =	vst v63  }
0x29: {  	_ =	swait.ge [sflag:s10], $0xA00  }
0x2a: {  	s12 =	simm.s32 $0x7D;
	[sflag:s10] =	ssyncset.done $0x0  }
0x2b: {  	s13 =	simm.s32 $0x1800;
	s14 =	simm.s32 $0x1;
	[sflag:s10] =	ssyncadd.s32 $0xFFFFF600  }
0x2c: {  	[tilespmem:s13], [sflag:$0x1] =	stream.indirect.gather [hbm4b:s2+s12], $0x80, s31, s12, $0xb8;
	[tilespmem:$0x1D800] =	vst v63  }
0x2d: {  	_ =	swait.ge [sflag:s14], $0x3E80  }
0x2e: {  	[sflag:s14] =	ssyncset.done $0x0  }
0x2f: {  	[sflag:s14] =	ssyncadd.s32 $0xFFFFC180  }
0x30: {  	[spmem:s3] =	stream.indirect.scatter.add.f32 [tilespmem:s13], [sflag:$0x3], $0x80, s26, s12, $0xb8;
	[tilespmem:$0x1D800] =	vst v63  }
0x31: {  	s28 =	simm.s32 $0x80;
	s16 =	simm.s32 $0x5800;
	s17 =	simm.s32 $0x2  }
0x32: {  	[tilespmem:s16], [sflag:$0x2] =	stream.indirect.gather [hbm4b:s2+s12], $0x80, s28, s12, $0xb8;
	[tilespmem:$0x1D800] =	vst v63  }
0x33: {  	_ =	swait.ge [sflag:s17], $0x3E80  }
0x34: {  	[sflag:s17] =	ssyncset.done $0x0  }
0x35: {  	s29 =	simm.s32 $0xC80;
	s19 =	simm.s32 $0x3;
	[sflag:s17] =	ssyncadd.s32 $0xFFFFC180  }
0x36: {  	[spmem:s3] =	stream.indirect.scatter.add.f32 [tilespmem:s16], [sflag:$0x4], $0x80, s29, s12, $0xb8;
	[tilespmem:$0x1D800] =	vst v63  }
0x37: {  	_ =	swait.ge [sflag:s19], $0x3E80  }
0x38: {  	[sflag:s19] =	ssyncset.done $0x0  }
0x39: {  	s30 =	simm.s32 $0x100;
	[sflag:s19] =	ssyncadd.s32 $0xFFFFC180  }
0x3a: {  	[tilespmem:s13], [sflag:$0x1] =	stream.indirect.gather [hbm4b:s2+s12], $0x80, s30, s12, $0xb8;
	[tilespmem:$0x1D800] =	vst v63  }
0x3b: {  	_ =	swait.ge [sflag:s14], $0x3E80  }
0x3c: {  	[sflag:s14] =	ssyncset.done $0x0  }
0x3d: {  	s22 =	simm.s32 $0x4;
	s1 =	simm.s32 $0xD00;
	[sflag:s14] =	ssyncadd.s32 $0xFFFFC180  }
0x3e: {  	[spmem:s3] =	stream.indirect.scatter.add.f32 [tilespmem:s13], [sflag:$0x3], $0x80, s1, s12, $0xb8;
	[tilespmem:$0x1D800] =	vst v63  }
0x3f: {  	_ =	swait.ge [sflag:s22], $0x3E80  }
0x40: {  	[sflag:s22] =	ssyncset.done $0x0  }
0x41: {  	s4 =	simm.s32 $0x180;
	[sflag:s22] =	ssyncadd.s32 $0xFFFFC180  }
0x42: {  	[tilespmem:s16], [sflag:$0x2] =	stream.indirect.gather [hbm4b:s2+s12], $0x80, s4, s12, $0xb8;
	[tilespmem:$0x1D800] =	vst v63  }
0x43: {  	_ =	swait.ge [sflag:s17], $0x3E80  }
0x44: {  	[sflag:s17] =	ssyncset.done $0x0  }
0x45: {  	s5 =	simm.s32 $0xD80;
	[sflag:s17] =	ssyncadd.s32 $0xFFFFC180  }
0x46: {  	[spmem:s3] =	stream.indirect.scatter.add.f32 [tilespmem:s16], [sflag:$0x4], $0x80, s5, s12, $0xb8;
	[tilespmem:$0x1D800] =	vst v63  }
0x47: {  	_ =	swait.ge [sflag:s19], $0x3E80  }
0x48: {  	[sflag:s19] =	ssyncset.done $0x0  }
0x49: {  	s6 =	simm.s32 $0x200;
	[sflag:s19] =	ssyncadd.s32 $0xFFFFC180  }
0x4a: {  	[tilespmem:s13], [sflag:$0x1] =	stream.indirect.gather [hbm4b:s2+s12], $0x80, s6, s12, $0xb8;
	[tilespmem:$0x1D800] =	vst v63  }
0x4b: {  	_ =	swait.ge [sflag:s14], $0x3E80  }
0x4c: {  	[sflag:s14] =	ssyncset.done $0x0  }
0x4d: {  	s7 =	simm.s32 $0xE00;
	[sflag:s14] =	ssyncadd.s32 $0xFFFFC180  }
0x4e: {  	[spmem:s3] =	stream.indirect.scatter.add.f32 [tilespmem:s13], [sflag:$0x3], $0x80, s7, s12, $0xb8;
	[tilespmem:$0x1D800] =	vst v63  }
0x4f: {  	_ =	swait.ge [sflag:s22], $0x3E80  }
0x50: {  	[sflag:s22] =	ssyncset.done $0x0  }
0x51: {  	s8 =	simm.s32 $0x280;
	[sflag:s22] =	ssyncadd.s32 $0xFFFFC180  }
0x52: {  	[tilespmem:s16], [sflag:$0x2] =	stream.indirect.gather [hbm4b:s2+s12], $0x80, s8, s12, $0xb8;
	[tilespmem:$0x1D800] =	vst v63  }
0x53: {  	_ =	swait.ge [sflag:s17], $0x3E80  }
0x54: {  	[sflag:s17] =	ssyncset.done $0x0  }
0x55: {  	s9 =	simm.s32 $0xE80;
	[sflag:s17] =	ssyncadd.s32 $0xFFFFC180  }
0x56: {  	[spmem:s3] =	stream.indirect.scatter.add.f32 [tilespmem:s16], [sflag:$0x4], $0x80, s9, s12, $0xb8;
	[tilespmem:$0x1D800] =	vst v63  }
0x57: {  	_ =	swait.ge [sflag:s19], $0x3E80  }
0x58: {  	[sflag:s19] =	ssyncset.done $0x0  }
0x59: {  	s11 =	simm.s32 $0x300;
	[sflag:s19] =	ssyncadd.s32 $0xFFFFC180  }
0x5a: {  	[tilespmem:s13], [sflag:$0x1] =	stream.indirect.gather [hbm4b:s2+s12], $0x80, s11, s12, $0xb8;
	[tilespmem:$0x1D800] =	vst v63  }
0x5b: {  	_ =	swait.ge [sflag:s14], $0x3E80  }
0x5c: {  	[sflag:s14] =	ssyncset.done $0x0  }
0x5d: {  	s15 =	simm.s32 $0xF00;
	[sflag:s14] =	ssyncadd.s32 $0xFFFFC180  }
0x5e: {  	[spmem:s3] =	stream.indirect.scatter.add.f32 [tilespmem:s13], [sflag:$0x3], $0x80, s15, s12, $0xb8;
	[tilespmem:$0x1D800] =	vst v63  }
0x5f: {  	_ =	swait.ge [sflag:s22], $0x3E80  }
0x60: {  	[sflag:s22] =	ssyncset.done $0x0  }
0x61: {  	s18 =	simm.s32 $0x380;
	[sflag:s22] =	ssyncadd.s32 $0xFFFFC180  }
0x62: {  	[tilespmem:s16], [sflag:$0x2] =	stream.indirect.gather [hbm4b:s2+s12], $0x80, s18, s12, $0xb8;
	[tilespmem:$0x1D800] =	vst v63  }
0x63: {  	_ =	swait.ge [sflag:s17], $0x3E80  }
0x64: {  	[sflag:s17] =	ssyncset.done $0x0  }
0x65: {  	s20 =	simm.s32 $0xF80;
	[sflag:s17] =	ssyncadd.s32 $0xFFFFC180  }
0x66: {  	[spmem:s3] =	stream.indirect.scatter.add.f32 [tilespmem:s16], [sflag:$0x4], $0x80, s20, s12, $0xb8;
	[tilespmem:$0x1D800] =	vst v63  }
0x67: {  	_ =	swait.ge [sflag:s19], $0x3E80  }
0x68: {  	[sflag:s19] =	ssyncset.done $0x0  }
0x69: {  	s21 =	simm.s32 $0x400;
	[sflag:s19] =	ssyncadd.s32 $0xFFFFC180  }
0x6a: {  	[tilespmem:s13], [sflag:$0x1] =	stream.indirect.gather [hbm4b:s2+s12], $0x80, s21, s12, $0xb8;
	[tilespmem:$0x1D800] =	vst v63  }
0x6b: {  	_ =	swait.ge [sflag:s14], $0x3E80  }
0x6c: {  	[sflag:s14] =	ssyncset.done $0x0  }
0x6d: {  	s23 =	simm.s32 $0x1000;
	[sflag:s14] =	ssyncadd.s32 $0xFFFFC180  }
0x6e: {  	[spmem:s3] =	stream.indirect.scatter.add.f32 [tilespmem:s13], [sflag:$0x3], $0x80, s23, s12, $0xb8;
	[tilespmem:$0x1D800] =	vst v63  }
0x6f: {  	_ =	swait.ge [sflag:s22], $0x3E80  }
0x70: {  	[sflag:s22] =	ssyncset.done $0x0  }
0x71: {  	s24 =	simm.s32 $0x480;
	[sflag:s22] =	ssyncadd.s32 $0xFFFFC180  }
0x72: {  	[tilespmem:s16], [sflag:$0x2] =	stream.indirect.gather [hbm4b:s2+s12], $0x80, s24, s12, $0xb8;
	[tilespmem:$0x1D800] =	vst v63  }
0x73: {  	_ =	swait.ge [sflag:s17], $0x3E80  }
0x74: {  	[sflag:s17] =	ssyncset.done $0x0  }
0x75: {  	s25 =	simm.s32 $0x1080;
	[sflag:s17] =	ssyncadd.s32 $0xFFFFC180  }
0x76: {  	[spmem:s3] =	stream.indirect.scatter.add.f32 [tilespmem:s16], [sflag:$0x4], $0x80, s25, s12, $0xb8;
	[tilespmem:$0x1D800] =	vst v63  }
0x77: {  	_ =	swait.ge [sflag:s19], $0x3E80  }
0x78: {  	[sflag:s19] =	ssyncset.done $0x0  }
0x79: {  	s26 =	simm.s32 $0x500;
	[sflag:s19] =	ssyncadd.s32 $0xFFFFC180  }
0x7a: {  	[tilespmem:s13], [sflag:$0x1] =	stream.indirect.gather [hbm4b:s2+s12], $0x80, s26, s12, $0xb8;
	[tilespmem:$0x1D800] =	vst v63  }
0x7b: {  	_ =	swait.ge [sflag:s14], $0x3E80  }
0x7c: {  	[sflag:s14] =	ssyncset.done $0x0  }
0x7d: {  	s28 =	simm.s32 $0x1100;
	[sflag:s14] =	ssyncadd.s32 $0xFFFFC180  }
0x7e: {  	[spmem:s3] =	stream.indirect.scatter.add.f32 [tilespmem:s13], [sflag:$0x3], $0x80, s28, s12, $0xb8;
	[tilespmem:$0x1D800] =	vst v63  }
0x7f: {  	_ =	swait.ge [sflag:s22], $0x3E80  }
0x80: {  	[sflag:s22] =	ssyncset.done $0x0  }
0x81: {  	s29 =	simm.s32 $0x580;
	[sflag:s22] =	ssyncadd.s32 $0xFFFFC180  }
0x82: {  	[tilespmem:s16], [sflag:$0x2] =	stream.indirect.gather [hbm4b:s2+s12], $0x80, s29, s12, $0xb8;
	[tilespmem:$0x1D800] =	vst v63  }
0x83: {  	_ =	swait.ge [sflag:s17], $0x3E80  }
0x84: {  	[sflag:s17] =	ssyncset.done $0x0  }
0x85: {  	s30 =	simm.s32 $0x1180;
	[sflag:s17] =	ssyncadd.s32 $0xFFFFC180  }
0x86: {  	[spmem:s3] =	stream.indirect.scatter.add.f32 [tilespmem:s16], [sflag:$0x4], $0x80, s30, s12, $0xb8;
	[tilespmem:$0x1D800] =	vst v63  }
0x87: {  	_ =	swait.ge [sflag:s19], $0x3E80  }
0x88: {  	[sflag:s19] =	ssyncset.done $0x0  }
0x89: {  	s1 =	simm.s32 $0x600;
	[sflag:s19] =	ssyncadd.s32 $0xFFFFC180  }
0x8a: {  	[tilespmem:s13], [sflag:$0x1] =	stream.indirect.gather [hbm4b:s2+s12], $0x80, s1, s12, $0xb8;
	[tilespmem:$0x1D800] =	vst v63  }
0x8b: {  	_ =	swait.ge [sflag:s14], $0x3E80  }
0x8c: {  	[sflag:s14] =	ssyncset.done $0x0  }
0x8d: {  	s4 =	simm.s32 $0x1200;
	[sflag:s14] =	ssyncadd.s32 $0xFFFFC180  }
0x8e: {  	[spmem:s3] =	stream.indirect.scatter.add.f32 [tilespmem:s13], [sflag:$0x3], $0x80, s4, s12, $0xb8;
	[tilespmem:$0x1D800] =	vst v63  }
0x8f: {  	_ =	swait.ge [sflag:s22], $0x3E80  }
0x90: {  	[sflag:s22] =	ssyncset.done $0x0  }
0x91: {  	s5 =	simm.s32 $0x680;
	[sflag:s22] =	ssyncadd.s32 $0xFFFFC180  }
0x92: {  	[tilespmem:s16], [sflag:$0x2] =	stream.indirect.gather [hbm4b:s2+s12], $0x80, s5, s12, $0xb8;
	[tilespmem:$0x1D800] =	vst v63  }
0x93: {  	_ =	swait.ge [sflag:s17], $0x3E80  }
0x94: {  	[sflag:s17] =	ssyncset.done $0x0  }
0x95: {  	s6 =	simm.s32 $0x1280;
	[sflag:s17] =	ssyncadd.s32 $0xFFFFC180  }
0x96: {  	[spmem:s3] =	stream.indirect.scatter.add.f32 [tilespmem:s16], [sflag:$0x4], $0x80, s6, s12, $0xb8;
	[tilespmem:$0x1D800] =	vst v63  }
0x97: {  	_ =	swait.ge [sflag:s19], $0x3E80  }
0x98: {  	[sflag:s19] =	ssyncset.done $0x0  }
0x99: {  	s7 =	simm.s32 $0x700;
	[sflag:s19] =	ssyncadd.s32 $0xFFFFC180  }
0x9a: {  	[tilespmem:s13], [sflag:$0x1] =	stream.indirect.gather [hbm4b:s2+s12], $0x80, s7, s12, $0xb8;
	[tilespmem:$0x1D800] =	vst v63  }
0x9b: {  	_ =	swait.ge [sflag:s14], $0x3E80  }
0x9c: {  	[sflag:s14] =	ssyncset.done $0x0  }
0x9d: {  	s8 =	simm.s32 $0x1300;
	[sflag:s14] =	ssyncadd.s32 $0xFFFFC180  }
0x9e: {  	[spmem:s3] =	stream.indirect.scatter.add.f32 [tilespmem:s13], [sflag:$0x3], $0x80, s8, s12, $0xb8;
	[tilespmem:$0x1D800] =	vst v63  }
0x9f: {  	_ =	swait.ge [sflag:s22], $0x3E80  }
0xa0: {  	[sflag:s22] =	ssyncset.done $0x0  }
0xa1: {  	s9 =	simm.s32 $0x780;
	[sflag:s22] =	ssyncadd.s32 $0xFFFFC180  }
0xa2: {  	[tilespmem:s16], [sflag:$0x2] =	stream.indirect.gather [hbm4b:s2+s12], $0x80, s9, s12, $0xb8;
	[tilespmem:$0x1D800] =	vst v63  }
0xa3: {  	_ =	swait.ge [sflag:s17], $0x3E80  }
0xa4: {  	[sflag:s17] =	ssyncset.done $0x0  }
0xa5: {  	s11 =	simm.s32 $0x1380;
	[sflag:s17] =	ssyncadd.s32 $0xFFFFC180  }
0xa6: {  	[spmem:s3] =	stream.indirect.scatter.add.f32 [tilespmem:s16], [sflag:$0x4], $0x80, s11, s12, $0xb8;
	[tilespmem:$0x1D800] =	vst v63  }
0xa7: {  	_ =	swait.ge [sflag:s19], $0x3E80  }
0xa8: {  	[sflag:s19] =	ssyncset.done $0x0  }
0xa9: {  	s15 =	simm.s32 $0x800;
	[sflag:s19] =	ssyncadd.s32 $0xFFFFC180  }
0xaa: {  	[tilespmem:s13], [sflag:$0x1] =	stream.indirect.gather [hbm4b:s2+s12], $0x80, s15, s12, $0xb8;
	[tilespmem:$0x1D800] =	vst v63  }
0xab: {  	_ =	swait.ge [sflag:s14], $0x3E80  }
0xac: {  	[sflag:s14] =	ssyncset.done $0x0  }
0xad: {  	s18 =	simm.s32 $0x1400;
	[sflag:s14] =	ssyncadd.s32 $0xFFFFC180  }
0xae: {  	[spmem:s3] =	stream.indirect.scatter.add.f32 [tilespmem:s13], [sflag:$0x3], $0x80, s18, s12, $0xb8;
	[tilespmem:$0x1D800] =	vst v63  }
0xaf: {  	_ =	swait.ge [sflag:s22], $0x3E80  }
0xb0: {  	[sflag:s22] =	ssyncset.done $0x0  }
0xb1: {  	s20 =	simm.s32 $0x880;
	[sflag:s22] =	ssyncadd.s32 $0xFFFFC180  }
0xb2: {  	[tilespmem:s16], [sflag:$0x2] =	stream.indirect.gather [hbm4b:s2+s12], $0x80, s20, s12, $0xb8;
	[tilespmem:$0x1D800] =	vst v63  }
0xb3: {  	_ =	swait.ge [sflag:s17], $0x3E80  }
0xb4: {  	[sflag:s17] =	ssyncset.done $0x0  }
0xb5: {  	s21 =	simm.s32 $0x1480;
	[sflag:s17] =	ssyncadd.s32 $0xFFFFC180  }
0xb6: {  	[spmem:s3] =	stream.indirect.scatter.add.f32 [tilespmem:s16], [sflag:$0x4], $0x80, s21, s12, $0xb8;
	[tilespmem:$0x1D800] =	vst v63  }
0xb7: {  	_ =	swait.ge [sflag:s19], $0x3E80  }
0xb8: {  	[sflag:s19] =	ssyncset.done $0x0  }
0xb9: {  	s23 =	simm.s32 $0x900;
	[sflag:s19] =	ssyncadd.s32 $0xFFFFC180  }
0xba: {  	[tilespmem:s13], [sflag:$0x1] =	stream.indirect.gather [hbm4b:s2+s12], $0x80, s23, s12, $0xb8;
	[tilespmem:$0x1D800] =	vst v63  }
0xbb: {  	_ =	swait.ge [sflag:s14], $0x3E80  }
0xbc: {  	[sflag:s14] =	ssyncset.done $0x0  }
0xbd: {  	s24 =	simm.s32 $0x1500;
	[sflag:s14] =	ssyncadd.s32 $0xFFFFC180  }
0xbe: {  	[spmem:s3] =	stream.indirect.scatter.add.f32 [tilespmem:s13], [sflag:$0x3], $0x80, s24, s12, $0xb8;
	[tilespmem:$0x1D800] =	vst v63  }
0xbf: {  	_ =	swait.ge [sflag:s22], $0x3E80  }
0xc0: {  	[sflag:s22] =	ssyncset.done $0x0  }
0xc1: {  	s25 =	simm.s32 $0x980;
	[sflag:s22] =	ssyncadd.s32 $0xFFFFC180  }
0xc2: {  	[tilespmem:s16], [sflag:$0x2] =	stream.indirect.gather [hbm4b:s2+s12], $0x80, s25, s12, $0xb8;
	[tilespmem:$0x1D800] =	vst v63  }
0xc3: {  	_ =	swait.ge [sflag:s17], $0x3E80  }
0xc4: {  	[sflag:s17] =	ssyncset.done $0x0  }
0xc5: {  	s26 =	simm.s32 $0x1580;
	[sflag:s17] =	ssyncadd.s32 $0xFFFFC180  }
0xc6: {  	[spmem:s3] =	stream.indirect.scatter.add.f32 [tilespmem:s16], [sflag:$0x4], $0x80, s26, s12, $0xb8;
	[tilespmem:$0x1D800] =	vst v63  }
0xc7: {  	_ =	swait.ge [sflag:s19], $0x3E80  }
0xc8: {  	[sflag:s19] =	ssyncset.done $0x0  }
0xc9: {  	[sflag:s19] =	ssyncadd.s32 $0xFFFFC180  }
0xca: {  	_ =	swait.ge [sflag:s22], $0x3E80  }
0xcb: {  	[sflag:s22] =	ssyncset.done $0x0  }
0xcc: {  	s23 =	rddreg [dreg:$0x9];
	[sflag:s22] =	ssyncadd.s32 $0xFFFFC180  }
0xcd: {  	[tilespmem:s31], [sflag:$0x5] =	stream.linear.gather [hbm4b:s23+s31], $0xA00, $0x38;
	[tilespmem:$0x1D800] =	vst v63  }
0xce: {  	_ =	swait.ge [sflag:s10], $0xA00  }
0xcf: {  	[sflag:s10] =	ssyncset.done $0x0  }
0xd0: {  	s29 =	simm.s32 $0xC00;
	s28 =	rddreg [dreg:$0xa];
	[sflag:s10] =	ssyncadd.s32 $0xFFFFF600  }
0xd1: {  	[tilespmem:s29], [sflag:$0x5] =	stream.linear.gather [hbm4b:s28+s31], $0xA00, $0x38;
	[tilespmem:$0x1D800] =	vst v63  }
0xd2: {  	_ =	swait.ge [sflag:s10], $0xA00  }
0xd3: {  	[sflag:s10] =	ssyncset.done $0x0  }
0xd4: {  	[sflag:s10] =	ssyncadd.s32 $0xFFFFF600  }
0xd5: {  	[tilespmem:s13], [sflag:$0x1] =	stream.indirect.gather [hbm4b:s2+s12], $0x80, s31, s12, $0xb8;
	[tilespmem:$0x1D800] =	vst v63  }
0xd6: {  	_ =	swait.ge [sflag:s14], $0x3E80  }
0xd7: {  	[sflag:s14] =	ssyncset.done $0x0  }
0xd8: {  	[sflag:s14] =	ssyncadd.s32 $0xFFFFC180  }
0xd9: {  	[spmem:s3] =	stream.indirect.scatter.add.f32 [tilespmem:s13], [sflag:$0x3], $0x80, s29, s12, $0xb8;
	[tilespmem:$0x1D800] =	vst v63  }
0xda: {  	s30 =	simm.s32 $0x80  }
0xdb: {  	[tilespmem:s16], [sflag:$0x2] =	stream.indirect.gather [hbm4b:s2+s12], $0x80, s30, s12, $0xb8;
	[tilespmem:$0x1D800] =	vst v63  }
0xdc: {  	_ =	swait.ge [sflag:s17], $0x3E80  }
0xdd: {  	[sflag:s17] =	ssyncset.done $0x0  }
0xde: {  	s1 =	simm.s32 $0xC80;
	[sflag:s17] =	ssyncadd.s32 $0xFFFFC180  }
0xdf: {  	[spmem:s3] =	stream.indirect.scatter.add.f32 [tilespmem:s16], [sflag:$0x4], $0x80, s1, s12, $0xb8;
	[tilespmem:$0x1D800] =	vst v63  }
0xe0: {  	_ =	swait.ge [sflag:s19], $0x3E80  }
0xe1: {  	[sflag:s19] =	ssyncset.done $0x0  }
0xe2: {  	s4 =	simm.s32 $0x100;
	[sflag:s19] =	ssyncadd.s32 $0xFFFFC180  }
0xe3: {  	[tilespmem:s13], [sflag:$0x1] =	stream.indirect.gather [hbm4b:s2+s12], $0x80, s4, s12, $0xb8;
	[tilespmem:$0x1D800] =	vst v63  }
0xe4: {  	_ =	swait.ge [sflag:s14], $0x3E80  }
0xe5: {  	[sflag:s14] =	ssyncset.done $0x0  }
0xe6: {  	s5 =	simm.s32 $0xD00;
	[sflag:s14] =	ssyncadd.s32 $0xFFFFC180  }
0xe7: {  	[spmem:s3] =	stream.indirect.scatter.add.f32 [tilespmem:s13], [sflag:$0x3], $0x80, s5, s12, $0xb8;
	[tilespmem:$0x1D800] =	vst v63  }
0xe8: {  	_ =	swait.ge [sflag:s22], $0x3E80  }
0xe9: {  	[sflag:s22] =	ssyncset.done $0x0  }
0xea: {  	s6 =	simm.s32 $0x180;
	[sflag:s22] =	ssyncadd.s32 $0xFFFFC180  }
0xeb: {  	[tilespmem:s16], [sflag:$0x2] =	stream.indirect.gather [hbm4b:s2+s12], $0x80, s6, s12, $0xb8;
	[tilespmem:$0x1D800] =	vst v63  }
0xec: {  	_ =	swait.ge [sflag:s17], $0x3E80  }
0xed: {  	[sflag:s17] =	ssyncset.done $0x0  }
0xee: {  	s7 =	simm.s32 $0xD80;
	[sflag:s17] =	ssyncadd.s32 $0xFFFFC180  }
0xef: {  	[spmem:s3] =	stream.indirect.scatter.add.f32 [tilespmem:s16], [sflag:$0x4], $0x80, s7, s12, $0xb8;
	[tilespmem:$0x1D800] =	vst v63  }
0xf0: {  	_ =	swait.ge [sflag:s19], $0x3E80  }
0xf1: {  	[sflag:s19] =	ssyncset.done $0x0  }
0xf2: {  	s8 =	simm.s32 $0x200;
	[sflag:s19] =	ssyncadd.s32 $0xFFFFC180  }
0xf3: {  	[tilespmem:s13], [sflag:$0x1] =	stream.indirect.gather [hbm4b:s2+s12], $0x80, s8, s12, $0xb8;
	[tilespmem:$0x1D800] =	vst v63  }
0xf4: {  	_ =	swait.ge [sflag:s14], $0x3E80  }
0xf5: {  	[sflag:s14] =	ssyncset.done $0x0  }
0xf6: {  	s9 =	simm.s32 $0xE00;
	[sflag:s14] =	ssyncadd.s32 $0xFFFFC180  }
0xf7: {  	[spmem:s3] =	stream.indirect.scatter.add.f32 [tilespmem:s13], [sflag:$0x3], $0x80, s9, s12, $0xb8;
	[tilespmem:$0x1D800] =	vst v63  }
0xf8: {  	_ =	swait.ge [sflag:s22], $0x3E80  }
0xf9: {  	[sflag:s22] =	ssyncset.done $0x0  }
0xfa: {  	s11 =	simm.s32 $0x280;
	[sflag:s22] =	ssyncadd.s32 $0xFFFFC180  }
0xfb: {  	[tilespmem:s16], [sflag:$0x2] =	stream.indirect.gather [hbm4b:s2+s12], $0x80, s11, s12, $0xb8;
	[tilespmem:$0x1D800] =	vst v63  }
0xfc: {  	_ =	swait.ge [sflag:s17], $0x3E80  }
0xfd: {  	[sflag:s17] =	ssyncset.done $0x0  }
0xfe: {  	s15 =	simm.s32 $0xE80;
	[sflag:s17] =	ssyncadd.s32 $0xFFFFC180  }
0xff: {  	[spmem:s3] =	stream.indirect.scatter.add.f32 [tilespmem:s16], [sflag:$0x4], $0x80, s15, s12, $0xb8;
	[tilespmem:$0x1D800] =	vst v63  }
0x100: {  	_ =	swait.ge [sflag:s19], $0x3E80  }
0x101: {  	[sflag:s19] =	ssyncset.done $0x0  }
0x102: {  	s18 =	simm.s32 $0x300;
	[sflag:s19] =	ssyncadd.s32 $0xFFFFC180  }
0x103: {  	[tilespmem:s13], [sflag:$0x1] =	stream.indirect.gather [hbm4b:s2+s12], $0x80, s18, s12, $0xb8;
	[tilespmem:$0x1D800] =	vst v63  }
0x104: {  	_ =	swait.ge [sflag:s14], $0x3E80  }
0x105: {  	[sflag:s14] =	ssyncset.done $0x0  }
0x106: {  	s20 =	simm.s32 $0xF00;
	[sflag:s14] =	ssyncadd.s32 $0xFFFFC180  }
0x107: {  	[spmem:s3] =	stream.indirect.scatter.add.f32 [tilespmem:s13], [sflag:$0x3], $0x80, s20, s12, $0xb8;
	[tilespmem:$0x1D800] =	vst v63  }
0x108: {  	_ =	swait.ge [sflag:s22], $0x3E80  }
0x109: {  	[sflag:s22] =	ssyncset.done $0x0  }
0x10a: {  	s21 =	simm.s32 $0x380;
	[sflag:s22] =	ssyncadd.s32 $0xFFFFC180  }
0x10b: {  	[tilespmem:s16], [sflag:$0x2] =	stream.indirect.gather [hbm4b:s2+s12], $0x80, s21, s12, $0xb8;
	[tilespmem:$0x1D800] =	vst v63  }
0x10c: {  	_ =	swait.ge [sflag:s17], $0x3E80  }
0x10d: {  	[sflag:s17] =	ssyncset.done $0x0  }
0x10e: {  	s24 =	simm.s32 $0xF80;
	[sflag:s17] =	ssyncadd.s32 $0xFFFFC180  }
0x10f: {  	[spmem:s3] =	stream.indirect.scatter.add.f32 [tilespmem:s16], [sflag:$0x4], $0x80, s24, s12, $0xb8;
	[tilespmem:$0x1D800] =	vst v63  }
0x110: {  	_ =	swait.ge [sflag:s19], $0x3E80  }
0x111: {  	[sflag:s19] =	ssyncset.done $0x0  }
0x112: {  	s25 =	simm.s32 $0x400;
	[sflag:s19] =	ssyncadd.s32 $0xFFFFC180  }
0x113: {  	[tilespmem:s13], [sflag:$0x1] =	stream.indirect.gather [hbm4b:s2+s12], $0x80, s25, s12, $0xb8;
	[tilespmem:$0x1D800] =	vst v63  }
0x114: {  	_ =	swait.ge [sflag:s14], $0x3E80  }
0x115: {  	[sflag:s14] =	ssyncset.done $0x0  }
0x116: {  	s26 =	simm.s32 $0x1000;
	[sflag:s14] =	ssyncadd.s32 $0xFFFFC180  }
0x117: {  	[spmem:s3] =	stream.indirect.scatter.add.f32 [tilespmem:s13], [sflag:$0x3], $0x80, s26, s12, $0xb8;
	[tilespmem:$0x1D800] =	vst v63  }
0x118: {  	_ =	swait.ge [sflag:s22], $0x3E80  }
0x119: {  	[sflag:s22] =	ssyncset.done $0x0  }
0x11a: {  	s28 =	simm.s32 $0x480;
	[sflag:s22] =	ssyncadd.s32 $0xFFFFC180  }
0x11b: {  	[tilespmem:s16], [sflag:$0x2] =	stream.indirect.gather [hbm4b:s2+s12], $0x80, s28, s12, $0xb8;
	[tilespmem:$0x1D800] =	vst v63  }
0x11c: {  	_ =	swait.ge [sflag:s17], $0x3E80  }
0x11d: {  	[sflag:s17] =	ssyncset.done $0x0  }
0x11e: {  	s29 =	simm.s32 $0x1080;
	[sflag:s17] =	ssyncadd.s32 $0xFFFFC180  }
0x11f: {  	[spmem:s3] =	stream.indirect.scatter.add.f32 [tilespmem:s16], [sflag:$0x4], $0x80, s29, s12, $0xb8;
	[tilespmem:$0x1D800] =	vst v63  }
0x120: {  	_ =	swait.ge [sflag:s19], $0x3E80  }
0x121: {  	[sflag:s19] =	ssyncset.done $0x0  }
0x122: {  	s30 =	simm.s32 $0x500;
	[sflag:s19] =	ssyncadd.s32 $0xFFFFC180  }
0x123: {  	[tilespmem:s13], [sflag:$0x1] =	stream.indirect.gather [hbm4b:s2+s12], $0x80, s30, s12, $0xb8;
	[tilespmem:$0x1D800] =	vst v63  }
0x124: {  	_ =	swait.ge [sflag:s14], $0x3E80  }
0x125: {  	[sflag:s14] =	ssyncset.done $0x0  }
0x126: {  	s0 =	simm.s32 $0x1100;
	[sflag:s14] =	ssyncadd.s32 $0xFFFFC180  }
0x127: {  	[spmem:s3] =	stream.indirect.scatter.add.f32 [tilespmem:s13], [sflag:$0x3], $0x80, s0, s12, $0xb8;
	[tilespmem:$0x1D800] =	vst v63  }
0x128: {  	_ =	swait.ge [sflag:s22], $0x3E80  }
0x129: {  	[sflag:s22] =	ssyncset.done $0x0  }
0x12a: {  	s0 =	simm.s32 $0x580;
	[sflag:s22] =	ssyncadd.s32 $0xFFFFC180  }
0x12b: {  	[tilespmem:s16], [sflag:$0x2] =	stream.indirect.gather [hbm4b:s2+s12], $0x80, s0, s12, $0xb8;
	[tilespmem:$0x1D800] =	vst v63  }
0x12c: {  	_ =	swait.ge [sflag:s17], $0x3E80  }
0x12d: {  	[sflag:s17] =	ssyncset.done $0x0  }
0x12e: {  	s0 =	simm.s32 $0x1180;
	[sflag:s17] =	ssyncadd.s32 $0xFFFFC180  }
0x12f: {  	[spmem:s3] =	stream.indirect.scatter.add.f32 [tilespmem:s16], [sflag:$0x4], $0x80, s0, s12, $0xb8;
	[tilespmem:$0x1D800] =	vst v63  }
0x130: {  	_ =	swait.ge [sflag:s19], $0x3E80  }
0x131: {  	[sflag:s19] =	ssyncset.done $0x0  }
0x132: {  	s0 =	simm.s32 $0x600;
	[sflag:s19] =	ssyncadd.s32 $0xFFFFC180  }
0x133: {  	[tilespmem:s13], [sflag:$0x1] =	stream.indirect.gather [hbm4b:s2+s12], $0x80, s0, s12, $0xb8;
	[tilespmem:$0x1D800] =	vst v63  }
0x134: {  	_ =	swait.ge [sflag:s14], $0x3E80  }
0x135: {  	[sflag:s14] =	ssyncset.done $0x0  }
0x136: {  	s0 =	simm.s32 $0x1200;
	[sflag:s14] =	ssyncadd.s32 $0xFFFFC180  }
0x137: {  	[spmem:s3] =	stream.indirect.scatter.add.f32 [tilespmem:s13], [sflag:$0x3], $0x80, s0, s12, $0xb8;
	[tilespmem:$0x1D800] =	vst v63  }
0x138: {  	_ =	swait.ge [sflag:s22], $0x3E80  }
0x139: {  	[sflag:s22] =	ssyncset.done $0x0  }
0x13a: {  	s0 =	simm.s32 $0x680;
	[sflag:s22] =	ssyncadd.s32 $0xFFFFC180  }
0x13b: {  	[tilespmem:s16], [sflag:$0x2] =	stream.indirect.gather [hbm4b:s2+s12], $0x80, s0, s12, $0xb8;
	[tilespmem:$0x1D800] =	vst v63  }
0x13c: {  	_ =	swait.ge [sflag:s17], $0x3E80  }
0x13d: {  	[sflag:s17] =	ssyncset.done $0x0  }
0x13e: {  	s0 =	simm.s32 $0x1280;
	[sflag:s17] =	ssyncadd.s32 $0xFFFFC180  }
0x13f: {  	[spmem:s3] =	stream.indirect.scatter.add.f32 [tilespmem:s16], [sflag:$0x4], $0x80, s0, s12, $0xb8;
	[tilespmem:$0x1D800] =	vst v63  }
0x140: {  	_ =	swait.ge [sflag:s19], $0x3E80  }
0x141: {  	[sflag:s19] =	ssyncset.done $0x0  }
0x142: {  	s0 =	simm.s32 $0x700;
	[sflag:s19] =	ssyncadd.s32 $0xFFFFC180  }
0x143: {  	[tilespmem:s13], [sflag:$0x1] =	stream.indirect.gather [hbm4b:s2+s12], $0x80, s0, s12, $0xb8;
	[tilespmem:$0x1D800] =	vst v63  }
0x144: {  	_ =	swait.ge [sflag:s14], $0x3E80  }
0x145: {  	[sflag:s14] =	ssyncset.done $0x0  }
0x146: {  	s0 =	simm.s32 $0x1300;
	[sflag:s14] =	ssyncadd.s32 $0xFFFFC180  }
0x147: {  	[spmem:s3] =	stream.indirect.scatter.add.f32 [tilespmem:s13], [sflag:$0x3], $0x80, s0, s12, $0xb8;
	[tilespmem:$0x1D800] =	vst v63  }
0x148: {  	_ =	swait.ge [sflag:s22], $0x3E80  }
0x149: {  	[sflag:s22] =	ssyncset.done $0x0  }
0x14a: {  	s0 =	simm.s32 $0x780;
	[sflag:s22] =	ssyncadd.s32 $0xFFFFC180  }
0x14b: {  	[tilespmem:s16], [sflag:$0x2] =	stream.indirect.gather [hbm4b:s2+s12], $0x80, s0, s12, $0xb8;
	[tilespmem:$0x1D800] =	vst v63  }
0x14c: {  	_ =	swait.ge [sflag:s17], $0x3E80  }
0x14d: {  	[sflag:s17] =	ssyncset.done $0x0  }
0x14e: {  	s0 =	simm.s32 $0x1380;
	[sflag:s17] =	ssyncadd.s32 $0xFFFFC180  }
0x14f: {  	[spmem:s3] =	stream.indirect.scatter.add.f32 [tilespmem:s16], [sflag:$0x4], $0x80, s0, s12, $0xb8;
	[tilespmem:$0x1D800] =	vst v63  }
0x150: {  	_ =	swait.ge [sflag:s19], $0x3E80  }
0x151: {  	[sflag:s19] =	ssyncset.done $0x0  }
0x152: {  	s0 =	simm.s32 $0x800;
	[sflag:s19] =	ssyncadd.s32 $0xFFFFC180  }
0x153: {  	[tilespmem:s13], [sflag:$0x1] =	stream.indirect.gather [hbm4b:s2+s12], $0x80, s0, s12, $0xb8;
	[tilespmem:$0x1D800] =	vst v63  }
0x154: {  	_ =	swait.ge [sflag:s14], $0x3E80  }
0x155: {  	[sflag:s14] =	ssyncset.done $0x0  }
0x156: {  	s0 =	simm.s32 $0x1400;
	[sflag:s14] =	ssyncadd.s32 $0xFFFFC180  }
0x157: {  	[spmem:s3] =	stream.indirect.scatter.add.f32 [tilespmem:s13], [sflag:$0x3], $0x80, s0, s12, $0xb8;
	[tilespmem:$0x1D800] =	vst v63  }
0x158: {  	_ =	swait.ge [sflag:s22], $0x3E80  }
0x159: {  	[sflag:s22] =	ssyncset.done $0x0  }
0x15a: {  	s0 =	simm.s32 $0x880;
	[sflag:s22] =	ssyncadd.s32 $0xFFFFC180  }
0x15b: {  	[tilespmem:s16], [sflag:$0x2] =	stream.indirect.gather [hbm4b:s2+s12], $0x80, s0, s12, $0xb8;
	[tilespmem:$0x1D800] =	vst v63  }
0x15c: {  	_ =	swait.ge [sflag:s17], $0x3E80  }
0x15d: {  	[sflag:s17] =	ssyncset.done $0x0  }
0x15e: {  	s0 =	simm.s32 $0x1480;
	[sflag:s17] =	ssyncadd.s32 $0xFFFFC180  }
0x15f: {  	[spmem:s3] =	stream.indirect.scatter.add.f32 [tilespmem:s16], [sflag:$0x4], $0x80, s0, s12, $0xb8;
	[tilespmem:$0x1D800] =	vst v63  }
0x160: {  	_ =	swait.ge [sflag:s19], $0x3E80  }
0x161: {  	[sflag:s19] =	ssyncset.done $0x0  }
0x162: {  	s0 =	simm.s32 $0x900;
	[sflag:s19] =	ssyncadd.s32 $0xFFFFC180  }
0x163: {  	[tilespmem:s13], [sflag:$0x1] =	stream.indirect.gather [hbm4b:s2+s12], $0x80, s0, s12, $0xb8;
	[tilespmem:$0x1D800] =	vst v63  }
0x164: {  	_ =	swait.ge [sflag:s14], $0x3E80  }
0x165: {  	[sflag:s14] =	ssyncset.done $0x0  }
0x166: {  	s0 =	simm.s32 $0x1500;
	[sflag:s14] =	ssyncadd.s32 $0xFFFFC180  }
0x167: {  	[spmem:s3] =	stream.indirect.scatter.add.f32 [tilespmem:s13], [sflag:$0x3], $0x80, s0, s12, $0xb8;
	[tilespmem:$0x1D800] =	vst v63  }
0x168: {  	_ =	swait.ge [sflag:s22], $0x3E80  }
0x169: {  	[sflag:s22] =	ssyncset.done $0x0  }
0x16a: {  	s0 =	simm.s32 $0x980;
	[sflag:s22] =	ssyncadd.s32 $0xFFFFC180  }
0x16b: {  	[tilespmem:s16], [sflag:$0x2] =	stream.indirect.gather [hbm4b:s2+s12], $0x80, s0, s12, $0xb8;
	[tilespmem:$0x1D800] =	vst v63  }
0x16c: {  	_ =	swait.ge [sflag:s17], $0x3E80  }
0x16d: {  	[sflag:s17] =	ssyncset.done $0x0  }
0x16e: {  	s0 =	simm.s32 $0x1580;
	[sflag:s17] =	ssyncadd.s32 $0xFFFFC180  }
0x16f: {  	[spmem:s3] =	stream.indirect.scatter.add.f32 [tilespmem:s16], [sflag:$0x4], $0x80, s0, s12, $0xb8;
	[tilespmem:$0x1D800] =	vst v63  }
0x170: {  	_ =	swait.ge [sflag:s19], $0x3E80  }
0x171: {  	[sflag:s19] =	ssyncset.done $0x0  }
0x172: {  	[sflag:s19] =	ssyncadd.s32 $0xFFFFC180  }
0x173: {  	_ =	swait.ge [sflag:s22], $0x3E80  }
0x174: {  	[sflag:s22] =	ssyncset.done $0x0  }
0x175: {  	s0 =	rddreg [dreg:$0xb];
	[sflag:s22] =	ssyncadd.s32 $0xFFFFC180  }
0x176: {  	[tilespmem:s31], [sflag:$0x5] =	stream.linear.gather [hbm4b:s0+s31], $0xA00, $0x38;
	[tilespmem:$0x1D800] =	vst v63  }
0x177: {  	_ =	swait.ge [sflag:s10], $0xA00  }
0x178: {  	[sflag:s10] =	ssyncset.done $0x0  }
0x179: {  	s0 =	simm.s32 $0xC00;
	s23 =	rddreg [dreg:$0xc];
	[sflag:s10] =	ssyncadd.s32 $0xFFFFF600  }
0x17a: {  	[tilespmem:s0], [sflag:$0x5] =	stream.linear.gather [hbm4b:s23+s31], $0xA00, $0x38;
	[tilespmem:$0x1D800] =	vst v63  }
0x17b: {  	_ =	swait.ge [sflag:s10], $0xA00  }
0x17c: {  	[sflag:s10] =	ssyncset.done $0x0  }
0x17d: {  	[sflag:s10] =	ssyncadd.s32 $0xFFFFF600  }
0x17e: {  	[tilespmem:s13], [sflag:$0x1] =	stream.indirect.gather [hbm4b:s2+s12], $0x80, s31, s12, $0xb8;
	[tilespmem:$0x1D800] =	vst v63  }
0x17f: {  	_ =	swait.ge [sflag:s14], $0x3E80  }
0x180: {  	[sflag:s14] =	ssyncset.done $0x0  }
0x181: {  	[sflag:s14] =	ssyncadd.s32 $0xFFFFC180  }
0x182: {  	[spmem:s3] =	stream.indirect.scatter.add.f32 [tilespmem:s13], [sflag:$0x3], $0x80, s0, s12, $0xb8;
	[tilespmem:$0x1D800] =	vst v63  }
0x183: {  	s23 =	simm.s32 $0x80  }
0x184: {  	[tilespmem:s16], [sflag:$0x2] =	stream.indirect.gather [hbm4b:s2+s12], $0x80, s23, s12, $0xb8;
	[tilespmem:$0x1D800] =	vst v63  }
0x185: {  	_ =	swait.ge [sflag:s17], $0x3E80  }
0x186: {  	[sflag:s17] =	ssyncset.done $0x0  }
0x187: {  	[sflag:s17] =	ssyncadd.s32 $0xFFFFC180  }
0x188: {  	[spmem:s3] =	stream.indirect.scatter.add.f32 [tilespmem:s16], [sflag:$0x4], $0x80, s1, s12, $0xb8;
	[tilespmem:$0x1D800] =	vst v63  }
0x189: {  	_ =	swait.ge [sflag:s19], $0x3E80  }
0x18a: {  	[sflag:s19] =	ssyncset.done $0x0  }
0x18b: {  	[sflag:s19] =	ssyncadd.s32 $0xFFFFC180  }
0x18c: {  	[tilespmem:s13], [sflag:$0x1] =	stream.indirect.gather [hbm4b:s2+s12], $0x80, s4, s12, $0xb8;
	[tilespmem:$0x1D800] =	vst v63  }
0x18d: {  	_ =	swait.ge [sflag:s14], $0x3E80  }
0x18e: {  	[sflag:s14] =	ssyncset.done $0x0  }
0x18f: {  	[sflag:s14] =	ssyncadd.s32 $0xFFFFC180  }
0x190: {  	[spmem:s3] =	stream.indirect.scatter.add.f32 [tilespmem:s13], [sflag:$0x3], $0x80, s5, s12, $0xb8;
	[tilespmem:$0x1D800] =	vst v63  }
0x191: {  	_ =	swait.ge [sflag:s22], $0x3E80  }
0x192: {  	[sflag:s22] =	ssyncset.done $0x0  }
0x193: {  	[sflag:s22] =	ssyncadd.s32 $0xFFFFC180  }
0x194: {  	[tilespmem:s16], [sflag:$0x2] =	stream.indirect.gather [hbm4b:s2+s12], $0x80, s6, s12, $0xb8;
	[tilespmem:$0x1D800] =	vst v63  }
0x195: {  	_ =	swait.ge [sflag:s17], $0x3E80  }
0x196: {  	[sflag:s17] =	ssyncset.done $0x0  }
0x197: {  	[sflag:s17] =	ssyncadd.s32 $0xFFFFC180  }
0x198: {  	[spmem:s3] =	stream.indirect.scatter.add.f32 [tilespmem:s16], [sflag:$0x4], $0x80, s7, s12, $0xb8;
	[tilespmem:$0x1D800] =	vst v63  }
0x199: {  	_ =	swait.ge [sflag:s19], $0x3E80  }
0x19a: {  	[sflag:s19] =	ssyncset.done $0x0  }
0x19b: {  	[sflag:s19] =	ssyncadd.s32 $0xFFFFC180  }
0x19c: {  	[tilespmem:s13], [sflag:$0x1] =	stream.indirect.gather [hbm4b:s2+s12], $0x80, s8, s12, $0xb8;
	[tilespmem:$0x1D800] =	vst v63  }
0x19d: {  	_ =	swait.ge [sflag:s14], $0x3E80  }
0x19e: {  	[sflag:s14] =	ssyncset.done $0x0  }
0x19f: {  	[sflag:s14] =	ssyncadd.s32 $0xFFFFC180  }
0x1a0: {  	[spmem:s3] =	stream.indirect.scatter.add.f32 [tilespmem:s13], [sflag:$0x3], $0x80, s9, s12, $0xb8;
	[tilespmem:$0x1D800] =	vst v63  }
0x1a1: {  	_ =	swait.ge [sflag:s22], $0x3E80  }
0x1a2: {  	[sflag:s22] =	ssyncset.done $0x0  }
0x1a3: {  	[sflag:s22] =	ssyncadd.s32 $0xFFFFC180  }
0x1a4: {  	[tilespmem:s16], [sflag:$0x2] =	stream.indirect.gather [hbm4b:s2+s12], $0x80, s11, s12, $0xb8;
	[tilespmem:$0x1D800] =	vst v63  }
0x1a5: {  	_ =	swait.ge [sflag:s17], $0x3E80  }
0x1a6: {  	[sflag:s17] =	ssyncset.done $0x0  }
0x1a7: {  	[sflag:s17] =	ssyncadd.s32 $0xFFFFC180  }
0x1a8: {  	[spmem:s3] =	stream.indirect.scatter.add.f32 [tilespmem:s16], [sflag:$0x4], $0x80, s15, s12, $0xb8;
	[tilespmem:$0x1D800] =	vst v63  }
0x1a9: {  	_ =	swait.ge [sflag:s19], $0x3E80  }
0x1aa: {  	[sflag:s19] =	ssyncset.done $0x0  }
0x1ab: {  	[sflag:s19] =	ssyncadd.s32 $0xFFFFC180  }
0x1ac: {  	[tilespmem:s13], [sflag:$0x1] =	stream.indirect.gather [hbm4b:s2+s12], $0x80, s18, s12, $0xb8;
	[tilespmem:$0x1D800] =	vst v63  }
0x1ad: {  	_ =	swait.ge [sflag:s14], $0x3E80  }
0x1ae: {  	[sflag:s14] =	ssyncset.done $0x0  }
0x1af: {  	[sflag:s14] =	ssyncadd.s32 $0xFFFFC180  }
0x1b0: {  	[spmem:s3] =	stream.indirect.scatter.add.f32 [tilespmem:s13], [sflag:$0x3], $0x80, s20, s12, $0xb8;
	[tilespmem:$0x1D800] =	vst v63  }
0x1b1: {  	_ =	swait.ge [sflag:s22], $0x3E80  }
0x1b2: {  	[sflag:s22] =	ssyncset.done $0x0  }
0x1b3: {  	[sflag:s22] =	ssyncadd.s32 $0xFFFFC180  }
0x1b4: {  	[tilespmem:s16], [sflag:$0x2] =	stream.indirect.gather [hbm4b:s2+s12], $0x80, s21, s12, $0xb8;
	[tilespmem:$0x1D800] =	vst v63  }
0x1b5: {  	_ =	swait.ge [sflag:s17], $0x3E80  }
0x1b6: {  	[sflag:s17] =	ssyncset.done $0x0  }
0x1b7: {  	[sflag:s17] =	ssyncadd.s32 $0xFFFFC180  }
0x1b8: {  	[spmem:s3] =	stream.indirect.scatter.add.f32 [tilespmem:s16], [sflag:$0x4], $0x80, s24, s12, $0xb8;
	[tilespmem:$0x1D800] =	vst v63  }
0x1b9: {  	_ =	swait.ge [sflag:s19], $0x3E80  }
0x1ba: {  	[sflag:s19] =	ssyncset.done $0x0  }
0x1bb: {  	[sflag:s19] =	ssyncadd.s32 $0xFFFFC180  }
0x1bc: {  	[tilespmem:s13], [sflag:$0x1] =	stream.indirect.gather [hbm4b:s2+s12], $0x80, s25, s12, $0xb8;
	[tilespmem:$0x1D800] =	vst v63  }
0x1bd: {  	_ =	swait.ge [sflag:s14], $0x3E80  }
0x1be: {  	[sflag:s14] =	ssyncset.done $0x0  }
0x1bf: {  	[sflag:s14] =	ssyncadd.s32 $0xFFFFC180  }
0x1c0: {  	[spmem:s3] =	stream.indirect.scatter.add.f32 [tilespmem:s13], [sflag:$0x3], $0x80, s26, s12, $0xb8;
	[tilespmem:$0x1D800] =	vst v63  }
0x1c1: {  	_ =	swait.ge [sflag:s22], $0x3E80  }
0x1c2: {  	[sflag:s22] =	ssyncset.done $0x0  }
0x1c3: {  	[sflag:s22] =	ssyncadd.s32 $0xFFFFC180  }
0x1c4: {  	[tilespmem:s16], [sflag:$0x2] =	stream.indirect.gather [hbm4b:s2+s12], $0x80, s28, s12, $0xb8;
	[tilespmem:$0x1D800] =	vst v63  }
0x1c5: {  	_ =	swait.ge [sflag:s17], $0x3E80  }
0x1c6: {  	[sflag:s17] =	ssyncset.done $0x0  }
0x1c7: {  	[sflag:s17] =	ssyncadd.s32 $0xFFFFC180  }
0x1c8: {  	[spmem:s3] =	stream.indirect.scatter.add.f32 [tilespmem:s16], [sflag:$0x4], $0x80, s29, s12, $0xb8;
	[tilespmem:$0x1D800] =	vst v63  }
0x1c9: {  	_ =	swait.ge [sflag:s19], $0x3E80  }
0x1ca: {  	[sflag:s19] =	ssyncset.done $0x0  }
0x1cb: {  	[sflag:s19] =	ssyncadd.s32 $0xFFFFC180  }
0x1cc: {  	[tilespmem:s13], [sflag:$0x1] =	stream.indirect.gather [hbm4b:s2+s12], $0x80, s30, s12, $0xb8;
	[tilespmem:$0x1D800] =	vst v63  }
0x1cd: {  	_ =	swait.ge [sflag:s14], $0x3E80  }
0x1ce: {  	[sflag:s14] =	ssyncset.done $0x0  }
0x1cf: {  	s23 =	simm.s32 $0x1100;
	[sflag:s14] =	ssyncadd.s32 $0xFFFFC180  }
0x1d0: {  	[spmem:s3] =	stream.indirect.scatter.add.f32 [tilespmem:s13], [sflag:$0x3], $0x80, s23, s12, $0xb8;
	[tilespmem:$0x1D800] =	vst v63  }
0x1d1: {  	_ =	swait.ge [sflag:s22], $0x3E80  }
0x1d2: {  	[sflag:s22] =	ssyncset.done $0x0  }
0x1d3: {  	s23 =	simm.s32 $0x580;
	[sflag:s22] =	ssyncadd.s32 $0xFFFFC180  }
0x1d4: {  	[tilespmem:s16], [sflag:$0x2] =	stream.indirect.gather [hbm4b:s2+s12], $0x80, s23, s12, $0xb8;
	[tilespmem:$0x1D800] =	vst v63  }
0x1d5: {  	_ =	swait.ge [sflag:s17], $0x3E80  }
0x1d6: {  	[sflag:s17] =	ssyncset.done $0x0  }
0x1d7: {  	s23 =	simm.s32 $0x1180;
	[sflag:s17] =	ssyncadd.s32 $0xFFFFC180  }
0x1d8: {  	[spmem:s3] =	stream.indirect.scatter.add.f32 [tilespmem:s16], [sflag:$0x4], $0x80, s23, s12, $0xb8;
	[tilespmem:$0x1D800] =	vst v63  }
0x1d9: {  	_ =	swait.ge [sflag:s19], $0x3E80  }
0x1da: {  	[sflag:s19] =	ssyncset.done $0x0  }
0x1db: {  	s23 =	simm.s32 $0x600;
	[sflag:s19] =	ssyncadd.s32 $0xFFFFC180  }
0x1dc: {  	[tilespmem:s13], [sflag:$0x1] =	stream.indirect.gather [hbm4b:s2+s12], $0x80, s23, s12, $0xb8;
	[tilespmem:$0x1D800] =	vst v63  }
0x1dd: {  	_ =	swait.ge [sflag:s14], $0x3E80  }
0x1de: {  	[sflag:s14] =	ssyncset.done $0x0  }
0x1df: {  	s23 =	simm.s32 $0x1200;
	[sflag:s14] =	ssyncadd.s32 $0xFFFFC180  }
0x1e0: {  	[spmem:s3] =	stream.indirect.scatter.add.f32 [tilespmem:s13], [sflag:$0x3], $0x80, s23, s12, $0xb8;
	[tilespmem:$0x1D800] =	vst v63  }
0x1e1: {  	_ =	swait.ge [sflag:s22], $0x3E80  }
0x1e2: {  	[sflag:s22] =	ssyncset.done $0x0  }
0x1e3: {  	s23 =	simm.s32 $0x680;
	[sflag:s22] =	ssyncadd.s32 $0xFFFFC180  }
0x1e4: {  	[tilespmem:s16], [sflag:$0x2] =	stream.indirect.gather [hbm4b:s2+s12], $0x80, s23, s12, $0xb8;
	[tilespmem:$0x1D800] =	vst v63  }
0x1e5: {  	_ =	swait.ge [sflag:s17], $0x3E80  }
0x1e6: {  	[sflag:s17] =	ssyncset.done $0x0  }
0x1e7: {  	s23 =	simm.s32 $0x1280;
	[sflag:s17] =	ssyncadd.s32 $0xFFFFC180  }
0x1e8: {  	[spmem:s3] =	stream.indirect.scatter.add.f32 [tilespmem:s16], [sflag:$0x4], $0x80, s23, s12, $0xb8;
	[tilespmem:$0x1D800] =	vst v63  }
0x1e9: {  	_ =	swait.ge [sflag:s19], $0x3E80  }
0x1ea: {  	[sflag:s19] =	ssyncset.done $0x0  }
0x1eb: {  	s23 =	simm.s32 $0x700;
	[sflag:s19] =	ssyncadd.s32 $0xFFFFC180  }
0x1ec: {  	[tilespmem:s13], [sflag:$0x1] =	stream.indirect.gather [hbm4b:s2+s12], $0x80, s23, s12, $0xb8;
	[tilespmem:$0x1D800] =	vst v63  }
0x1ed: {  	_ =	swait.ge [sflag:s14], $0x3E80  }
0x1ee: {  	[sflag:s14] =	ssyncset.done $0x0  }
0x1ef: {  	s23 =	simm.s32 $0x1300;
	[sflag:s14] =	ssyncadd.s32 $0xFFFFC180  }
0x1f0: {  	[spmem:s3] =	stream.indirect.scatter.add.f32 [tilespmem:s13], [sflag:$0x3], $0x80, s23, s12, $0xb8;
	[tilespmem:$0x1D800] =	vst v63  }
0x1f1: {  	_ =	swait.ge [sflag:s22], $0x3E80  }
0x1f2: {  	[sflag:s22] =	ssyncset.done $0x0  }
0x1f3: {  	s23 =	simm.s32 $0x780;
	[sflag:s22] =	ssyncadd.s32 $0xFFFFC180  }
0x1f4: {  	[tilespmem:s16], [sflag:$0x2] =	stream.indirect.gather [hbm4b:s2+s12], $0x80, s23, s12, $0xb8;
	[tilespmem:$0x1D800] =	vst v63  }
0x1f5: {  	_ =	swait.ge [sflag:s17], $0x3E80  }
0x1f6: {  	[sflag:s17] =	ssyncset.done $0x0  }
0x1f7: {  	s23 =	simm.s32 $0x1380;
	[sflag:s17] =	ssyncadd.s32 $0xFFFFC180  }
0x1f8: {  	[spmem:s3] =	stream.indirect.scatter.add.f32 [tilespmem:s16], [sflag:$0x4], $0x80, s23, s12, $0xb8;
	[tilespmem:$0x1D800] =	vst v63  }
0x1f9: {  	_ =	swait.ge [sflag:s19], $0x3E80  }
0x1fa: {  	[sflag:s19] =	ssyncset.done $0x0  }
0x1fb: {  	s23 =	simm.s32 $0x800;
	[sflag:s19] =	ssyncadd.s32 $0xFFFFC180  }
0x1fc: {  	[tilespmem:s13], [sflag:$0x1] =	stream.indirect.gather [hbm4b:s2+s12], $0x80, s23, s12, $0xb8;
	[tilespmem:$0x1D800] =	vst v63  }
0x1fd: {  	_ =	swait.ge [sflag:s14], $0x3E80  }
0x1fe: {  	[sflag:s14] =	ssyncset.done $0x0  }
0x1ff: {  	s23 =	simm.s32 $0x1400;
	[sflag:s14] =	ssyncadd.s32 $0xFFFFC180  }
0x200: {  	[spmem:s3] =	stream.indirect.scatter.add.f32 [tilespmem:s13], [sflag:$0x3], $0x80, s23, s12, $0xb8;
	[tilespmem:$0x1D800] =	vst v63  }
0x201: {  	_ =	swait.ge [sflag:s22], $0x3E80  }
0x202: {  	[sflag:s22] =	ssyncset.done $0x0  }
0x203: {  	s23 =	simm.s32 $0x880;
	[sflag:s22] =	ssyncadd.s32 $0xFFFFC180  }
0x204: {  	[tilespmem:s16], [sflag:$0x2] =	stream.indirect.gather [hbm4b:s2+s12], $0x80, s23, s12, $0xb8;
	[tilespmem:$0x1D800] =	vst v63  }
0x205: {  	_ =	swait.ge [sflag:s17], $0x3E80  }
0x206: {  	[sflag:s17] =	ssyncset.done $0x0  }
0x207: {  	s23 =	simm.s32 $0x1480;
	[sflag:s17] =	ssyncadd.s32 $0xFFFFC180  }
0x208: {  	[spmem:s3] =	stream.indirect.scatter.add.f32 [tilespmem:s16], [sflag:$0x4], $0x80, s23, s12, $0xb8;
	[tilespmem:$0x1D800] =	vst v63  }
0x209: {  	_ =	swait.ge [sflag:s19], $0x3E80  }
0x20a: {  	[sflag:s19] =	ssyncset.done $0x0  }
0x20b: {  	s23 =	simm.s32 $0x900;
	[sflag:s19] =	ssyncadd.s32 $0xFFFFC180  }
0x20c: {  	[tilespmem:s13], [sflag:$0x1] =	stream.indirect.gather [hbm4b:s2+s12], $0x80, s23, s12, $0xb8;
	[tilespmem:$0x1D800] =	vst v63  }
0x20d: {  	_ =	swait.ge [sflag:s14], $0x3E80  }
0x20e: {  	[sflag:s14] =	ssyncset.done $0x0  }
0x20f: {  	s23 =	simm.s32 $0x1500;
	[sflag:s14] =	ssyncadd.s32 $0xFFFFC180  }
0x210: {  	[spmem:s3] =	stream.indirect.scatter.add.f32 [tilespmem:s13], [sflag:$0x3], $0x80, s23, s12, $0xb8;
	[tilespmem:$0x1D800] =	vst v63  }
0x211: {  	_ =	swait.ge [sflag:s22], $0x3E80  }
0x212: {  	[sflag:s22] =	ssyncset.done $0x0  }
0x213: {  	s23 =	simm.s32 $0x980;
	[sflag:s22] =	ssyncadd.s32 $0xFFFFC180  }
0x214: {  	[tilespmem:s16], [sflag:$0x2] =	stream.indirect.gather [hbm4b:s2+s12], $0x80, s23, s12, $0xb8;
	[tilespmem:$0x1D800] =	vst v63  }
0x215: {  	_ =	swait.ge [sflag:s17], $0x3E80  }
0x216: {  	[sflag:s17] =	ssyncset.done $0x0  }
0x217: {  	s23 =	simm.s32 $0x1580;
	[sflag:s17] =	ssyncadd.s32 $0xFFFFC180  }
0x218: {  	[spmem:s3] =	stream.indirect.scatter.add.f32 [tilespmem:s16], [sflag:$0x4], $0x80, s23, s12, $0xb8;
	[tilespmem:$0x1D800] =	vst v63  }
0x219: {  	_ =	swait.ge [sflag:s19], $0x3E80  }
0x21a: {  	[sflag:s19] =	ssyncset.done $0x0  }
0x21b: {  	[sflag:s19] =	ssyncadd.s32 $0xFFFFC180  }
0x21c: {  	_ =	swait.ge [sflag:s22], $0x3E80  }
0x21d: {  	[sflag:s22] =	ssyncset.done $0x0  }
0x21e: {  	s23 =	rddreg [dreg:$0xd];
	[sflag:s22] =	ssyncadd.s32 $0xFFFFC180  }
0x21f: {  	[tilespmem:s31], [sflag:$0x5] =	stream.linear.gather [hbm4b:s23+s31], $0xA00, $0x38;
	[tilespmem:$0x1D800] =	vst v63  }
0x220: {  	_ =	swait.ge [sflag:s10], $0xA00  }
0x221: {  	[sflag:s10] =	ssyncset.done $0x0  }
0x222: {  	s0 =	simm.s32 $0xC00;
	s23 =	rddreg [dreg:$0xe];
	[sflag:s10] =	ssyncadd.s32 $0xFFFFF600  }
0x223: {  	[tilespmem:s0], [sflag:$0x5] =	stream.linear.gather [hbm4b:s23+s31], $0xA00, $0x38;
	[tilespmem:$0x1D800] =	vst v63  }
0x224: {  	_ =	swait.ge [sflag:s10], $0xA00  }
0x225: {  	[sflag:s10] =	ssyncset.done $0x0  }
0x226: {  	[sflag:s10] =	ssyncadd.s32 $0xFFFFF600  }
0x227: {  	[tilespmem:s13], [sflag:$0x1] =	stream.indirect.gather [hbm4b:s2+s12], $0x80, s31, s12, $0xb8;
	[tilespmem:$0x1D800] =	vst v63  }
0x228: {  	_ =	swait.ge [sflag:s14], $0x3E80  }
0x229: {  	[sflag:s14] =	ssyncset.done $0x0  }
0x22a: {  	[sflag:s14] =	ssyncadd.s32 $0xFFFFC180  }
0x22b: {  	[spmem:s3] =	stream.indirect.scatter.add.f32 [tilespmem:s13], [sflag:$0x3], $0x80, s0, s12, $0xb8;
	[tilespmem:$0x1D800] =	vst v63  }
0x22c: {  	s23 =	simm.s32 $0x80  }
0x22d: {  	[tilespmem:s16], [sflag:$0x2] =	stream.indirect.gather [hbm4b:s2+s12], $0x80, s23, s12, $0xb8;
	[tilespmem:$0x1D800] =	vst v63  }
0x22e: {  	_ =	swait.ge [sflag:s17], $0x3E80  }
0x22f: {  	[sflag:s17] =	ssyncset.done $0x0  }
0x230: {  	s1 =	simm.s32 $0xC80;
	[sflag:s17] =	ssyncadd.s32 $0xFFFFC180  }
0x231: {  	[spmem:s3] =	stream.indirect.scatter.add.f32 [tilespmem:s16], [sflag:$0x4], $0x80, s1, s12, $0xb8;
	[tilespmem:$0x1D800] =	vst v63  }
0x232: {  	_ =	swait.ge [sflag:s19], $0x3E80  }
0x233: {  	[sflag:s19] =	ssyncset.done $0x0  }
0x234: {  	s4 =	simm.s32 $0x100;
	[sflag:s19] =	ssyncadd.s32 $0xFFFFC180  }
0x235: {  	[tilespmem:s13], [sflag:$0x1] =	stream.indirect.gather [hbm4b:s2+s12], $0x80, s4, s12, $0xb8;
	[tilespmem:$0x1D800] =	vst v63  }
0x236: {  	_ =	swait.ge [sflag:s14], $0x3E80  }
0x237: {  	[sflag:s14] =	ssyncset.done $0x0  }
0x238: {  	s5 =	simm.s32 $0xD00;
	[sflag:s14] =	ssyncadd.s32 $0xFFFFC180  }
0x239: {  	[spmem:s3] =	stream.indirect.scatter.add.f32 [tilespmem:s13], [sflag:$0x3], $0x80, s5, s12, $0xb8;
	[tilespmem:$0x1D800] =	vst v63  }
0x23a: {  	_ =	swait.ge [sflag:s22], $0x3E80  }
0x23b: {  	[sflag:s22] =	ssyncset.done $0x0  }
0x23c: {  	s6 =	simm.s32 $0x180;
	[sflag:s22] =	ssyncadd.s32 $0xFFFFC180  }
0x23d: {  	[tilespmem:s16], [sflag:$0x2] =	stream.indirect.gather [hbm4b:s2+s12], $0x80, s6, s12, $0xb8;
	[tilespmem:$0x1D800] =	vst v63  }
0x23e: {  	_ =	swait.ge [sflag:s17], $0x3E80  }
0x23f: {  	[sflag:s17] =	ssyncset.done $0x0  }
0x240: {  	s7 =	simm.s32 $0xD80;
	[sflag:s17] =	ssyncadd.s32 $0xFFFFC180  }
0x241: {  	[spmem:s3] =	stream.indirect.scatter.add.f32 [tilespmem:s16], [sflag:$0x4], $0x80, s7, s12, $0xb8;
	[tilespmem:$0x1D800] =	vst v63  }
0x242: {  	_ =	swait.ge [sflag:s19], $0x3E80  }
0x243: {  	[sflag:s19] =	ssyncset.done $0x0  }
0x244: {  	s8 =	simm.s32 $0x200;
	[sflag:s19] =	ssyncadd.s32 $0xFFFFC180  }
0x245: {  	[tilespmem:s13], [sflag:$0x1] =	stream.indirect.gather [hbm4b:s2+s12], $0x80, s8, s12, $0xb8;
	[tilespmem:$0x1D800] =	vst v63  }
0x246: {  	_ =	swait.ge [sflag:s14], $0x3E80  }
0x247: {  	[sflag:s14] =	ssyncset.done $0x0  }
0x248: {  	s9 =	simm.s32 $0xE00;
	[sflag:s14] =	ssyncadd.s32 $0xFFFFC180  }
0x249: {  	[spmem:s3] =	stream.indirect.scatter.add.f32 [tilespmem:s13], [sflag:$0x3], $0x80, s9, s12, $0xb8;
	[tilespmem:$0x1D800] =	vst v63  }
0x24a: {  	_ =	swait.ge [sflag:s22], $0x3E80  }
0x24b: {  	[sflag:s22] =	ssyncset.done $0x0  }
0x24c: {  	s11 =	simm.s32 $0x280;
	[sflag:s22] =	ssyncadd.s32 $0xFFFFC180  }
0x24d: {  	[tilespmem:s16], [sflag:$0x2] =	stream.indirect.gather [hbm4b:s2+s12], $0x80, s11, s12, $0xb8;
	[tilespmem:$0x1D800] =	vst v63  }
0x24e: {  	_ =	swait.ge [sflag:s17], $0x3E80  }
0x24f: {  	[sflag:s17] =	ssyncset.done $0x0  }
0x250: {  	s15 =	simm.s32 $0xE80;
	[sflag:s17] =	ssyncadd.s32 $0xFFFFC180  }
0x251: {  	[spmem:s3] =	stream.indirect.scatter.add.f32 [tilespmem:s16], [sflag:$0x4], $0x80, s15, s12, $0xb8;
	[tilespmem:$0x1D800] =	vst v63  }
0x252: {  	_ =	swait.ge [sflag:s19], $0x3E80  }
0x253: {  	[sflag:s19] =	ssyncset.done $0x0  }
0x254: {  	s18 =	simm.s32 $0x300;
	[sflag:s19] =	ssyncadd.s32 $0xFFFFC180  }
0x255: {  	[tilespmem:s13], [sflag:$0x1] =	stream.indirect.gather [hbm4b:s2+s12], $0x80, s18, s12, $0xb8;
	[tilespmem:$0x1D800] =	vst v63  }
0x256: {  	_ =	swait.ge [sflag:s14], $0x3E80  }
0x257: {  	[sflag:s14] =	ssyncset.done $0x0  }
0x258: {  	s20 =	simm.s32 $0xF00;
	[sflag:s14] =	ssyncadd.s32 $0xFFFFC180  }
0x259: {  	[spmem:s3] =	stream.indirect.scatter.add.f32 [tilespmem:s13], [sflag:$0x3], $0x80, s20, s12, $0xb8;
	[tilespmem:$0x1D800] =	vst v63  }
0x25a: {  	_ =	swait.ge [sflag:s22], $0x3E80  }
0x25b: {  	[sflag:s22] =	ssyncset.done $0x0  }
0x25c: {  	s21 =	simm.s32 $0x380;
	[sflag:s22] =	ssyncadd.s32 $0xFFFFC180  }
0x25d: {  	[tilespmem:s16], [sflag:$0x2] =	stream.indirect.gather [hbm4b:s2+s12], $0x80, s21, s12, $0xb8;
	[tilespmem:$0x1D800] =	vst v63  }
0x25e: {  	_ =	swait.ge [sflag:s17], $0x3E80  }
0x25f: {  	[sflag:s17] =	ssyncset.done $0x0  }
0x260: {  	s24 =	simm.s32 $0xF80;
	[sflag:s17] =	ssyncadd.s32 $0xFFFFC180  }
0x261: {  	[spmem:s3] =	stream.indirect.scatter.add.f32 [tilespmem:s16], [sflag:$0x4], $0x80, s24, s12, $0xb8;
	[tilespmem:$0x1D800] =	vst v63  }
0x262: {  	_ =	swait.ge [sflag:s19], $0x3E80  }
0x263: {  	[sflag:s19] =	ssyncset.done $0x0  }
0x264: {  	s25 =	simm.s32 $0x400;
	[sflag:s19] =	ssyncadd.s32 $0xFFFFC180  }
0x265: {  	[tilespmem:s13], [sflag:$0x1] =	stream.indirect.gather [hbm4b:s2+s12], $0x80, s25, s12, $0xb8;
	[tilespmem:$0x1D800] =	vst v63  }
0x266: {  	_ =	swait.ge [sflag:s14], $0x3E80  }
0x267: {  	[sflag:s14] =	ssyncset.done $0x0  }
0x268: {  	s26 =	simm.s32 $0x1000;
	[sflag:s14] =	ssyncadd.s32 $0xFFFFC180  }
0x269: {  	[spmem:s3] =	stream.indirect.scatter.add.f32 [tilespmem:s13], [sflag:$0x3], $0x80, s26, s12, $0xb8;
	[tilespmem:$0x1D800] =	vst v63  }
0x26a: {  	_ =	swait.ge [sflag:s22], $0x3E80  }
0x26b: {  	[sflag:s22] =	ssyncset.done $0x0  }
0x26c: {  	s28 =	simm.s32 $0x480;
	[sflag:s22] =	ssyncadd.s32 $0xFFFFC180  }
0x26d: {  	[tilespmem:s16], [sflag:$0x2] =	stream.indirect.gather [hbm4b:s2+s12], $0x80, s28, s12, $0xb8;
	[tilespmem:$0x1D800] =	vst v63  }
0x26e: {  	_ =	swait.ge [sflag:s17], $0x3E80  }
0x26f: {  	[sflag:s17] =	ssyncset.done $0x0  }
0x270: {  	s29 =	simm.s32 $0x1080;
	[sflag:s17] =	ssyncadd.s32 $0xFFFFC180  }
0x271: {  	[spmem:s3] =	stream.indirect.scatter.add.f32 [tilespmem:s16], [sflag:$0x4], $0x80, s29, s12, $0xb8;
	[tilespmem:$0x1D800] =	vst v63  }
0x272: {  	_ =	swait.ge [sflag:s19], $0x3E80  }
0x273: {  	[sflag:s19] =	ssyncset.done $0x0  }
0x274: {  	s30 =	simm.s32 $0x500;
	[sflag:s19] =	ssyncadd.s32 $0xFFFFC180  }
0x275: {  	[tilespmem:s13], [sflag:$0x1] =	stream.indirect.gather [hbm4b:s2+s12], $0x80, s30, s12, $0xb8;
	[tilespmem:$0x1D800] =	vst v63  }
0x276: {  	_ =	swait.ge [sflag:s14], $0x3E80  }
0x277: {  	[sflag:s14] =	ssyncset.done $0x0  }
0x278: {  	s30 =	simm.s32 $0x1100;
	[sflag:s14] =	ssyncadd.s32 $0xFFFFC180  }
0x279: {  	[spmem:s3] =	stream.indirect.scatter.add.f32 [tilespmem:s13], [sflag:$0x3], $0x80, s30, s12, $0xb8;
	[tilespmem:$0x1D800] =	vst v63  }
0x27a: {  	_ =	swait.ge [sflag:s22], $0x3E80  }
0x27b: {  	[sflag:s22] =	ssyncset.done $0x0  }
0x27c: {  	s31 =	simm.s32 $0x580;
	[sflag:s22] =	ssyncadd.s32 $0xFFFFC180  }
0x27d: {  	[tilespmem:s16], [sflag:$0x2] =	stream.indirect.gather [hbm4b:s2+s12], $0x80, s31, s12, $0xb8;
	[tilespmem:$0x1D800] =	vst v63  }
0x27e: {  	_ =	swait.ge [sflag:s17], $0x3E80  }
0x27f: {  	[sflag:s17] =	ssyncset.done $0x0  }
0x280: {  	s4 =	simm.s32 $0x1180;
	[sflag:s17] =	ssyncadd.s32 $0xFFFFC180  }
0x281: {  	[spmem:s3] =	stream.indirect.scatter.add.f32 [tilespmem:s16], [sflag:$0x4], $0x80, s4, s12, $0xb8;
	[tilespmem:$0x1D800] =	vst v63  }
0x282: {  	_ =	swait.ge [sflag:s19], $0x3E80  }
0x283: {  	[sflag:s19] =	ssyncset.done $0x0  }
0x284: {  	s5 =	simm.s32 $0x600;
	[sflag:s19] =	ssyncadd.s32 $0xFFFFC180  }
0x285: {  	[tilespmem:s13], [sflag:$0x1] =	stream.indirect.gather [hbm4b:s2+s12], $0x80, s5, s12, $0xb8;
	[tilespmem:$0x1D800] =	vst v63  }
0x286: {  	_ =	swait.ge [sflag:s14], $0x3E80  }
0x287: {  	[sflag:s14] =	ssyncset.done $0x0  }
0x288: {  	s6 =	simm.s32 $0x1200;
	[sflag:s14] =	ssyncadd.s32 $0xFFFFC180  }
0x289: {  	[spmem:s3] =	stream.indirect.scatter.add.f32 [tilespmem:s13], [sflag:$0x3], $0x80, s6, s12, $0xb8;
	[tilespmem:$0x1D800] =	vst v63  }
0x28a: {  	_ =	swait.ge [sflag:s22], $0x3E80  }
0x28b: {  	[sflag:s22] =	ssyncset.done $0x0  }
0x28c: {  	s7 =	simm.s32 $0x680;
	[sflag:s22] =	ssyncadd.s32 $0xFFFFC180  }
0x28d: {  	[tilespmem:s16], [sflag:$0x2] =	stream.indirect.gather [hbm4b:s2+s12], $0x80, s7, s12, $0xb8;
	[tilespmem:$0x1D800] =	vst v63  }
0x28e: {  	_ =	swait.ge [sflag:s17], $0x3E80  }
0x28f: {  	[sflag:s17] =	ssyncset.done $0x0  }
0x290: {  	s8 =	simm.s32 $0x1280;
	[sflag:s17] =	ssyncadd.s32 $0xFFFFC180  }
0x291: {  	[spmem:s3] =	stream.indirect.scatter.add.f32 [tilespmem:s16], [sflag:$0x4], $0x80, s8, s12, $0xb8;
	[tilespmem:$0x1D800] =	vst v63  }
0x292: {  	_ =	swait.ge [sflag:s19], $0x3E80  }
0x293: {  	[sflag:s19] =	ssyncset.done $0x0  }
0x294: {  	s9 =	simm.s32 $0x700;
	[sflag:s19] =	ssyncadd.s32 $0xFFFFC180  }
0x295: {  	[tilespmem:s13], [sflag:$0x1] =	stream.indirect.gather [hbm4b:s2+s12], $0x80, s9, s12, $0xb8;
	[tilespmem:$0x1D800] =	vst v63  }
0x296: {  	_ =	swait.ge [sflag:s14], $0x3E80  }
0x297: {  	[sflag:s14] =	ssyncset.done $0x0  }
0x298: {  	s11 =	simm.s32 $0x1300;
	[sflag:s14] =	ssyncadd.s32 $0xFFFFC180  }
0x299: {  	[spmem:s3] =	stream.indirect.scatter.add.f32 [tilespmem:s13], [sflag:$0x3], $0x80, s11, s12, $0xb8;
	[tilespmem:$0x1D800] =	vst v63  }
0x29a: {  	_ =	swait.ge [sflag:s22], $0x3E80  }
0x29b: {  	[sflag:s22] =	ssyncset.done $0x0  }
0x29c: {  	s15 =	simm.s32 $0x780;
	[sflag:s22] =	ssyncadd.s32 $0xFFFFC180  }
0x29d: {  	[tilespmem:s16], [sflag:$0x2] =	stream.indirect.gather [hbm4b:s2+s12], $0x80, s15, s12, $0xb8;
	[tilespmem:$0x1D800] =	vst v63  }
0x29e: {  	_ =	swait.ge [sflag:s17], $0x3E80  }
0x29f: {  	[sflag:s17] =	ssyncset.done $0x0  }
0x2a0: {  	s18 =	simm.s32 $0x1380;
	[sflag:s17] =	ssyncadd.s32 $0xFFFFC180  }
0x2a1: {  	[spmem:s3] =	stream.indirect.scatter.add.f32 [tilespmem:s16], [sflag:$0x4], $0x80, s18, s12, $0xb8;
	[tilespmem:$0x1D800] =	vst v63  }
0x2a2: {  	_ =	swait.ge [sflag:s19], $0x3E80  }
0x2a3: {  	[sflag:s19] =	ssyncset.done $0x0  }
0x2a4: {  	s20 =	simm.s32 $0x800;
	[sflag:s19] =	ssyncadd.s32 $0xFFFFC180  }
0x2a5: {  	[tilespmem:s13], [sflag:$0x1] =	stream.indirect.gather [hbm4b:s2+s12], $0x80, s20, s12, $0xb8;
	[tilespmem:$0x1D800] =	vst v63  }
0x2a6: {  	_ =	swait.ge [sflag:s14], $0x3E80  }
0x2a7: {  	[sflag:s14] =	ssyncset.done $0x0  }
0x2a8: {  	s21 =	simm.s32 $0x1400;
	[sflag:s14] =	ssyncadd.s32 $0xFFFFC180  }
0x2a9: {  	[spmem:s3] =	stream.indirect.scatter.add.f32 [tilespmem:s13], [sflag:$0x3], $0x80, s21, s12, $0xb8;
	[tilespmem:$0x1D800] =	vst v63  }
0x2aa: {  	_ =	swait.ge [sflag:s22], $0x3E80  }
0x2ab: {  	[sflag:s22] =	ssyncset.done $0x0  }
0x2ac: {  	s23 =	simm.s32 $0x880;
	[sflag:s22] =	ssyncadd.s32 $0xFFFFC180  }
0x2ad: {  	[tilespmem:s16], [sflag:$0x2] =	stream.indirect.gather [hbm4b:s2+s12], $0x80, s23, s12, $0xb8;
	[tilespmem:$0x1D800] =	vst v63  }
0x2ae: {  	_ =	swait.ge [sflag:s17], $0x3E80  }
0x2af: {  	[sflag:s17] =	ssyncset.done $0x0  }
0x2b0: {  	s24 =	simm.s32 $0x1480;
	[sflag:s17] =	ssyncadd.s32 $0xFFFFC180  }
0x2b1: {  	[spmem:s3] =	stream.indirect.scatter.add.f32 [tilespmem:s16], [sflag:$0x4], $0x80, s24, s12, $0xb8;
	[tilespmem:$0x1D800] =	vst v63  }
0x2b2: {  	_ =	swait.ge [sflag:s19], $0x3E80  }
0x2b3: {  	[sflag:s19] =	ssyncset.done $0x0  }
0x2b4: {  	s25 =	simm.s32 $0x900;
	[sflag:s19] =	ssyncadd.s32 $0xFFFFC180  }
0x2b5: {  	[tilespmem:s13], [sflag:$0x1] =	stream.indirect.gather [hbm4b:s2+s12], $0x80, s25, s12, $0xb8;
	[tilespmem:$0x1D800] =	vst v63  }
0x2b6: {  	_ =	swait.ge [sflag:s14], $0x3E80  }
0x2b7: {  	[sflag:s14] =	ssyncset.done $0x0  }
0x2b8: {  	s26 =	simm.s32 $0x1500;
	[sflag:s14] =	ssyncadd.s32 $0xFFFFC180  }
0x2b9: {  	[spmem:s3] =	stream.indirect.scatter.add.f32 [tilespmem:s13], [sflag:$0x3], $0x80, s26, s12, $0xb8;
	[tilespmem:$0x1D800] =	vst v63  }
0x2ba: {  	_ =	swait.ge [sflag:s22], $0x3E80  }
0x2bb: {  	[sflag:s22] =	ssyncset.done $0x0  }
0x2bc: {  	s28 =	simm.s32 $0x980;
	[sflag:s22] =	ssyncadd.s32 $0xFFFFC180  }
0x2bd: {  	[tilespmem:s16], [sflag:$0x2] =	stream.indirect.gather [hbm4b:s2+s12], $0x80, s28, s12, $0xb8;
	[tilespmem:$0x1D800] =	vst v63  }
0x2be: {  	_ =	swait.ge [sflag:s17], $0x3E80  }
0x2bf: {  	[sflag:s17] =	ssyncset.done $0x0  }
0x2c0: {  	s29 =	simm.s32 $0x1580;
	[sflag:s17] =	ssyncadd.s32 $0xFFFFC180  }
0x2c1: {  	[spmem:s3] =	stream.indirect.scatter.add.f32 [tilespmem:s16], [sflag:$0x4], $0x80, s29, s12, $0xb8;
	[tilespmem:$0x1D800] =	vst v63  }
0x2c2: {  	_ =	swait.ge [sflag:s19], $0x3E80  }
0x2c3: {  	[sflag:s19] =	ssyncset.done $0x0  }
0x2c4: {  	[sflag:s19] =	ssyncadd.s32 $0xFFFFC180  }
0x2c5: {  	_ =	swait.ge [sflag:s22], $0x3E80  }
0x2c6: {  	[sflag:s22] =	ssyncset.done $0x0  }
0x2c7: {  	[sflag:s22] =	ssyncadd.s32 $0xFFFFC180  }
0x2c8: {  	[bflag:$0x0] =	sbarrier.arrive $0xFFFF  }
0x2c9: {  	s23 =	rddreg [dreg:$0x10]  }
0x2ca: {  	s1 =	simm.s32 @p0 $0x1FC5;
	s4 =	rddreg [dreg:$0x11]  }
0x2cb: {  	[hbm:s23], [sflag:s1] =	dma.local @p0 [spmem:s4], $0x1900  }
0x2cc: {  	s1 =	simm.s32 @p0 $0x5  }
0x2cd: {  	_ =	swait.ge @p0 [sflag:s1], $0x1900  }
0x2ce: {  	s23 =	rddreg [dreg:$0xf]  }
0x2cf: {  	[sflag:s1] =	ssyncset.done @p0 $0x0;
	s4 =	rddreg [dreg:$0x12]  }
0x2d0: {  	[sflag:s1] =	ssyncadd.s32 @p0 $0xFFFFE700;
	s1 =	rddreg [dreg:$0x14]  }
0x2d1: {  	[hbm:s23], [sflag:s4] =	dma.local @!p0 [spmem:s1], $0x2800  }
0x2d2: {  	s1 =	rddreg [dreg:$0x15]  }
0x2d3: {  	s30 =	ssub.s32 $0x2, s1  }
0x2d4: {  	s31 =	sshrl.u32 s30, $0x1  }
0x2d5: {  	s23 =	ssub.s32 s30, s31  }
0x2d6: {  	s23 =	smax.u32 s23, $0x1  }
0x2d7: {  	s23 =	sadd.s32 $0xFFFFFFFF, s23  }
0x2d8: {  	p1 =	sne.s32 s23, $0x0  }
.Ltmp0:
0x2d9: {  	_ = 	snop;
	(pc) =	sbr.rel @!p1 .LBB2_3-.Ltmp0, $3  }
0x2da: {  	_ =	sdelay $0x1  }
0x2db: {  	s0 =	simm.s32 @!p0 $0x5  }
0x2dc: {  	_ =	swait.ge @!p0 [sflag:s0], $0x2800  }
0x2dd: {  	s4 =	simm.s32 $0xC00  }
.LBB2_2:
0x2de: {  	s24 =	rddreg [dreg:$0x6];
	[sflag:s0] =	ssyncset.done @!p0 $0x0  }
0x2df: {  	s1 =	rddreg [dreg:$0x11];
	s5 =	simm.s32 @p0 $0x1FC5;
	[sflag:s0] =	ssyncadd.s32 @!p0 $0xFFFFD800  }
0x2e0: {  	[spmem:s1], [sflag:s5] =	dma.local @p0 [hbm:s24], $0x1900  }
0x2e1: {  	s1 =	simm.s32 @p0 $0x5  }
0x2e2: {  	_ =	swait.ge @p0 [sflag:s1], $0x1900  }
0x2e3: {  	s24 =	rddreg [dreg:$0x4]  }
0x2e4: {  	[sflag:s1] =	ssyncset.done @p0 $0x0;
	s25 =	rddreg [dreg:$0x5]  }
0x2e5: {  	s5 =	rddreg [dreg:$0x12];
	[sflag:s1] =	ssyncadd.s32 @p0 $0xFFFFE700;
	s1 =	sshrl.u32 @!p0 s24, $0x3  }
0x2e6: {  	[dreg:$0x13] =	wrdreg s1  }
0x2e7: {  	[spmem:s1], [sflag:s5] =	dma.local @!p0 [hbm:s25], $0x2800  }
0x2e8: {  	_ =	swait.ge @!p0 [sflag:s0], $0x2800  }
0x2e9: {  	[sflag:s0] =	ssyncset.done @!p0 $0x0  }
0x2ea: {  	[sflag:s0] =	ssyncadd.s32 @!p0 $0xFFFFD800  }
0x2eb: {  	[bflag:$0x0] =	sbarrier.arrive $0xFFFF  }
0x2ec: {  	s0 =	simm.s32 $0x0;
	s7 =	rddreg [dreg:$0x7]  }
0x2ed: {  	[tilespmem:s0], [sflag:$0x5] =	stream.linear.gather [hbm4b:s7+s0], $0xA00, $0x38;
	[tilespmem:$0x1D800] =	vst v63  }
0x2ee: {  	_ =	swait.ge [sflag:s10], $0xA00  }
0x2ef: {  	[sflag:s10] =	ssyncset.done $0x0  }
0x2f0: {  	s8 =	rddreg [dreg:$0x8];
	[sflag:s10] =	ssyncadd.s32 $0xFFFFF600  }
0x2f1: {  	[tilespmem:s4], [sflag:$0x5] =	stream.linear.gather [hbm4b:s8+s0], $0xA00, $0x38;
	[tilespmem:$0x1D800] =	vst v63  }
0x2f2: {  	_ =	swait.ge [sflag:s10], $0xA00  }
0x2f3: {  	[sflag:s10] =	ssyncset.done $0x0  }
0x2f4: {  	[sflag:s10] =	ssyncadd.s32 $0xFFFFF600  }
0x2f5: {  	[tilespmem:s13], [sflag:$0x1] =	stream.indirect.gather [hbm4b:s2+s12], $0x80, s0, s12, $0xb8;
	[tilespmem:$0x1D800] =	vst v63  }
0x2f6: {  	_ =	swait.ge [sflag:s14], $0x3E80  }
0x2f7: {  	[sflag:s14] =	ssyncset.done $0x0  }
0x2f8: {  	[sflag:s14] =	ssyncadd.s32 $0xFFFFC180  }
0x2f9: {  	[spmem:s3] =	stream.indirect.scatter.add.f32 [tilespmem:s13], [sflag:$0x3], $0x80, s4, s12, $0xb8;
	[tilespmem:$0x1D800] =	vst v63  }
0x2fa: {  	s9 =	simm.s32 $0x80  }
0x2fb: {  	[tilespmem:s16], [sflag:$0x2] =	stream.indirect.gather [hbm4b:s2+s12], $0x80, s9, s12, $0xb8;
	[tilespmem:$0x1D800] =	vst v63  }
0x2fc: {  	_ =	swait.ge [sflag:s17], $0x3E80  }
0x2fd: {  	[sflag:s17] =	ssyncset.done $0x0  }
0x2fe: {  	s11 =	simm.s32 $0xC80;
	[sflag:s17] =	ssyncadd.s32 $0xFFFFC180  }
0x2ff: {  	[spmem:s3] =	stream.indirect.scatter.add.f32 [tilespmem:s16], [sflag:$0x4], $0x80, s11, s12, $0xb8;
	[tilespmem:$0x1D800] =	vst v63  }
0x300: {  	_ =	swait.ge [sflag:s19], $0x3E80  }
0x301: {  	[sflag:s19] =	ssyncset.done $0x0  }
0x302: {  	s15 =	simm.s32 $0x100;
	[sflag:s19] =	ssyncadd.s32 $0xFFFFC180  }
0x303: {  	[tilespmem:s13], [sflag:$0x1] =	stream.indirect.gather [hbm4b:s2+s12], $0x80, s15, s12, $0xb8;
	[tilespmem:$0x1D800] =	vst v63  }
0x304: {  	_ =	swait.ge [sflag:s14], $0x3E80  }
0x305: {  	[sflag:s14] =	ssyncset.done $0x0  }
0x306: {  	s18 =	simm.s32 $0xD00;
	[sflag:s14] =	ssyncadd.s32 $0xFFFFC180  }
0x307: {  	[spmem:s3] =	stream.indirect.scatter.add.f32 [tilespmem:s13], [sflag:$0x3], $0x80, s18, s12, $0xb8;
	[tilespmem:$0x1D800] =	vst v63  }
0x308: {  	_ =	swait.ge [sflag:s22], $0x3E80  }
0x309: {  	[sflag:s22] =	ssyncset.done $0x0  }
0x30a: {  	s20 =	simm.s32 $0x180;
	[sflag:s22] =	ssyncadd.s32 $0xFFFFC180  }
0x30b: {  	[tilespmem:s16], [sflag:$0x2] =	stream.indirect.gather [hbm4b:s2+s12], $0x80, s20, s12, $0xb8;
	[tilespmem:$0x1D800] =	vst v63  }
0x30c: {  	_ =	swait.ge [sflag:s17], $0x3E80  }
0x30d: {  	[sflag:s17] =	ssyncset.done $0x0  }
0x30e: {  	s21 =	simm.s32 $0xD80;
	[sflag:s17] =	ssyncadd.s32 $0xFFFFC180  }
0x30f: {  	[spmem:s3] =	stream.indirect.scatter.add.f32 [tilespmem:s16], [sflag:$0x4], $0x80, s21, s12, $0xb8;
	[tilespmem:$0x1D800] =	vst v63  }
0x310: {  	_ =	swait.ge [sflag:s19], $0x3E80  }
0x311: {  	[sflag:s19] =	ssyncset.done $0x0  }
0x312: {  	s24 =	simm.s32 $0x200;
	[sflag:s19] =	ssyncadd.s32 $0xFFFFC180  }
0x313: {  	[tilespmem:s13], [sflag:$0x1] =	stream.indirect.gather [hbm4b:s2+s12], $0x80, s24, s12, $0xb8;
	[tilespmem:$0x1D800] =	vst v63  }
0x314: {  	_ =	swait.ge [sflag:s14], $0x3E80  }
0x315: {  	[sflag:s14] =	ssyncset.done $0x0  }
0x316: {  	s25 =	simm.s32 $0xE00;
	[sflag:s14] =	ssyncadd.s32 $0xFFFFC180  }
0x317: {  	[spmem:s3] =	stream.indirect.scatter.add.f32 [tilespmem:s13], [sflag:$0x3], $0x80, s25, s12, $0xb8;
	[tilespmem:$0x1D800] =	vst v63  }
0x318: {  	_ =	swait.ge [sflag:s22], $0x3E80  }
0x319: {  	[sflag:s22] =	ssyncset.done $0x0  }
0x31a: {  	s26 =	simm.s32 $0x280;
	[sflag:s22] =	ssyncadd.s32 $0xFFFFC180  }
0x31b: {  	[tilespmem:s16], [sflag:$0x2] =	stream.indirect.gather [hbm4b:s2+s12], $0x80, s26, s12, $0xb8;
	[tilespmem:$0x1D800] =	vst v63  }
0x31c: {  	_ =	swait.ge [sflag:s17], $0x3E80  }
0x31d: {  	[sflag:s17] =	ssyncset.done $0x0  }
0x31e: {  	s28 =	simm.s32 $0xE80;
	[sflag:s17] =	ssyncadd.s32 $0xFFFFC180  }
0x31f: {  	[spmem:s3] =	stream.indirect.scatter.add.f32 [tilespmem:s16], [sflag:$0x4], $0x80, s28, s12, $0xb8;
	[tilespmem:$0x1D800] =	vst v63  }
0x320: {  	_ =	swait.ge [sflag:s19], $0x3E80  }
0x321: {  	[sflag:s19] =	ssyncset.done $0x0  }
0x322: {  	s29 =	simm.s32 $0x300;
	[sflag:s19] =	ssyncadd.s32 $0xFFFFC180  }
0x323: {  	[tilespmem:s13], [sflag:$0x1] =	stream.indirect.gather [hbm4b:s2+s12], $0x80, s29, s12, $0xb8;
	[tilespmem:$0x1D800] =	vst v63  }
0x324: {  	_ =	swait.ge [sflag:s14], $0x3E80  }
0x325: {  	[sflag:s14] =	ssyncset.done $0x0  }
0x326: {  	s30 =	simm.s32 $0xF00;
	[sflag:s14] =	ssyncadd.s32 $0xFFFFC180  }
0x327: {  	[spmem:s3] =	stream.indirect.scatter.add.f32 [tilespmem:s13], [sflag:$0x3], $0x80, s30, s12, $0xb8;
	[tilespmem:$0x1D800] =	vst v63  }
0x328: {  	_ =	swait.ge [sflag:s22], $0x3E80  }
0x329: {  	[sflag:s22] =	ssyncset.done $0x0  }
0x32a: {  	s31 =	simm.s32 $0x380;
	[sflag:s22] =	ssyncadd.s32 $0xFFFFC180  }
0x32b: {  	[tilespmem:s16], [sflag:$0x2] =	stream.indirect.gather [hbm4b:s2+s12], $0x80, s31, s12, $0xb8;
	[tilespmem:$0x1D800] =	vst v63  }
0x32c: {  	_ =	swait.ge [sflag:s17], $0x3E80  }
0x32d: {  	[sflag:s17] =	ssyncset.done $0x0  }
0x32e: {  	s11 =	simm.s32 $0xF80;
	[sflag:s17] =	ssyncadd.s32 $0xFFFFC180  }
0x32f: {  	[spmem:s3] =	stream.indirect.scatter.add.f32 [tilespmem:s16], [sflag:$0x4], $0x80, s11, s12, $0xb8;
	[tilespmem:$0x1D800] =	vst v63  }
0x330: {  	_ =	swait.ge [sflag:s19], $0x3E80  }
0x331: {  	[sflag:s19] =	ssyncset.done $0x0  }
0x332: {  	s15 =	simm.s32 $0x400;
	[sflag:s19] =	ssyncadd.s32 $0xFFFFC180  }
0x333: {  	[tilespmem:s13], [sflag:$0x1] =	stream.indirect.gather [hbm4b:s2+s12], $0x80, s15, s12, $0xb8;
	[tilespmem:$0x1D800] =	vst v63  }
0x334: {  	_ =	swait.ge [sflag:s14], $0x3E80  }
0x335: {  	[sflag:s14] =	ssyncset.done $0x0  }
0x336: {  	s20 =	simm.s32 $0x1000;
	[sflag:s14] =	ssyncadd.s32 $0xFFFFC180  }
0x337: {  	[spmem:s3] =	stream.indirect.scatter.add.f32 [tilespmem:s13], [sflag:$0x3], $0x80, s20, s12, $0xb8;
	[tilespmem:$0x1D800] =	vst v63  }
0x338: {  	_ =	swait.ge [sflag:s22], $0x3E80  }
0x339: {  	[sflag:s22] =	ssyncset.done $0x0  }
0x33a: {  	s21 =	simm.s32 $0x480;
	[sflag:s22] =	ssyncadd.s32 $0xFFFFC180  }
0x33b: {  	[tilespmem:s16], [sflag:$0x2] =	stream.indirect.gather [hbm4b:s2+s12], $0x80, s21, s12, $0xb8;
	[tilespmem:$0x1D800] =	vst v63  }
0x33c: {  	_ =	swait.ge [sflag:s17], $0x3E80  }
0x33d: {  	[sflag:s17] =	ssyncset.done $0x0  }
0x33e: {  	s24 =	simm.s32 $0x1080;
	[sflag:s17] =	ssyncadd.s32 $0xFFFFC180  }
0x33f: {  	[spmem:s3] =	stream.indirect.scatter.add.f32 [tilespmem:s16], [sflag:$0x4], $0x80, s24, s12, $0xb8;
	[tilespmem:$0x1D800] =	vst v63  }
0x340: {  	_ =	swait.ge [sflag:s19], $0x3E80  }
0x341: {  	[sflag:s19] =	ssyncset.done $0x0  }
0x342: {  	s26 =	simm.s32 $0x500;
	[sflag:s19] =	ssyncadd.s32 $0xFFFFC180  }
0x343: {  	[tilespmem:s13], [sflag:$0x1] =	stream.indirect.gather [hbm4b:s2+s12], $0x80, s26, s12, $0xb8;
	[tilespmem:$0x1D800] =	vst v63  }
0x344: {  	_ =	swait.ge [sflag:s14], $0x3E80  }
0x345: {  	[sflag:s14] =	ssyncset.done $0x0  }
0x346: {  	s28 =	simm.s32 $0x1100;
	[sflag:s14] =	ssyncadd.s32 $0xFFFFC180  }
0x347: {  	[spmem:s3] =	stream.indirect.scatter.add.f32 [tilespmem:s13], [sflag:$0x3], $0x80, s28, s12, $0xb8;
	[tilespmem:$0x1D800] =	vst v63  }
0x348: {  	_ =	swait.ge [sflag:s22], $0x3E80  }
0x349: {  	[sflag:s22] =	ssyncset.done $0x0  }
0x34a: {  	s29 =	simm.s32 $0x580;
	[sflag:s22] =	ssyncadd.s32 $0xFFFFC180  }
0x34b: {  	[tilespmem:s16], [sflag:$0x2] =	stream.indirect.gather [hbm4b:s2+s12], $0x80, s29, s12, $0xb8;
	[tilespmem:$0x1D800] =	vst v63  }
0x34c: {  	_ =	swait.ge [sflag:s17], $0x3E80  }
0x34d: {  	[sflag:s17] =	ssyncset.done $0x0  }
0x34e: {  	s30 =	simm.s32 $0x1180;
	[sflag:s17] =	ssyncadd.s32 $0xFFFFC180  }
0x34f: {  	[spmem:s3] =	stream.indirect.scatter.add.f32 [tilespmem:s16], [sflag:$0x4], $0x80, s30, s12, $0xb8;
	[tilespmem:$0x1D800] =	vst v63  }
0x350: {  	_ =	swait.ge [sflag:s19], $0x3E80  }
0x351: {  	[sflag:s19] =	ssyncset.done $0x0  }
0x352: {  	s31 =	simm.s32 $0x600;
	[sflag:s19] =	ssyncadd.s32 $0xFFFFC180  }
0x353: {  	[tilespmem:s13], [sflag:$0x1] =	stream.indirect.gather [hbm4b:s2+s12], $0x80, s31, s12, $0xb8;
	[tilespmem:$0x1D800] =	vst v63  }
0x354: {  	_ =	swait.ge [sflag:s14], $0x3E80  }
0x355: {  	[sflag:s14] =	ssyncset.done $0x0  }
0x356: {  	s1 =	simm.s32 $0x1200;
	[sflag:s14] =	ssyncadd.s32 $0xFFFFC180  }
0x357: {  	[spmem:s3] =	stream.indirect.scatter.add.f32 [tilespmem:s13], [sflag:$0x3], $0x80, s1, s12, $0xb8;
	[tilespmem:$0x1D800] =	vst v63  }
0x358: {  	_ =	swait.ge [sflag:s22], $0x3E80  }
0x359: {  	[sflag:s22] =	ssyncset.done $0x0  }
0x35a: {  	s11 =	simm.s32 $0x680;
	[sflag:s22] =	ssyncadd.s32 $0xFFFFC180  }
0x35b: {  	[tilespmem:s16], [sflag:$0x2] =	stream.indirect.gather [hbm4b:s2+s12], $0x80, s11, s12, $0xb8;
	[tilespmem:$0x1D800] =	vst v63  }
0x35c: {  	_ =	swait.ge [sflag:s17], $0x3E80  }
0x35d: {  	[sflag:s17] =	ssyncset.done $0x0  }
0x35e: {  	s15 =	simm.s32 $0x1280;
	[sflag:s17] =	ssyncadd.s32 $0xFFFFC180  }
0x35f: {  	[spmem:s3] =	stream.indirect.scatter.add.f32 [tilespmem:s16], [sflag:$0x4], $0x80, s15, s12, $0xb8;
	[tilespmem:$0x1D800] =	vst v63  }
0x360: {  	_ =	swait.ge [sflag:s19], $0x3E80  }
0x361: {  	[sflag:s19] =	ssyncset.done $0x0  }
0x362: {  	s20 =	simm.s32 $0x700;
	[sflag:s19] =	ssyncadd.s32 $0xFFFFC180  }
0x363: {  	[tilespmem:s13], [sflag:$0x1] =	stream.indirect.gather [hbm4b:s2+s12], $0x80, s20, s12, $0xb8;
	[tilespmem:$0x1D800] =	vst v63  }
0x364: {  	_ =	swait.ge [sflag:s14], $0x3E80  }
0x365: {  	[sflag:s14] =	ssyncset.done $0x0  }
0x366: {  	s21 =	simm.s32 $0x1300;
	[sflag:s14] =	ssyncadd.s32 $0xFFFFC180  }
0x367: {  	[spmem:s3] =	stream.indirect.scatter.add.f32 [tilespmem:s13], [sflag:$0x3], $0x80, s21, s12, $0xb8;
	[tilespmem:$0x1D800] =	vst v63  }
0x368: {  	_ =	swait.ge [sflag:s22], $0x3E80  }
0x369: {  	[sflag:s22] =	ssyncset.done $0x0  }
0x36a: {  	s24 =	simm.s32 $0x780;
	[sflag:s22] =	ssyncadd.s32 $0xFFFFC180  }
0x36b: {  	[tilespmem:s16], [sflag:$0x2] =	stream.indirect.gather [hbm4b:s2+s12], $0x80, s24, s12, $0xb8;
	[tilespmem:$0x1D800] =	vst v63  }
0x36c: {  	_ =	swait.ge [sflag:s17], $0x3E80  }
0x36d: {  	[sflag:s17] =	ssyncset.done $0x0  }
0x36e: {  	s26 =	simm.s32 $0x1380;
	[sflag:s17] =	ssyncadd.s32 $0xFFFFC180  }
0x36f: {  	[spmem:s3] =	stream.indirect.scatter.add.f32 [tilespmem:s16], [sflag:$0x4], $0x80, s26, s12, $0xb8;
	[tilespmem:$0x1D800] =	vst v63  }
0x370: {  	_ =	swait.ge [sflag:s19], $0x3E80  }
0x371: {  	[sflag:s19] =	ssyncset.done $0x0  }
0x372: {  	s28 =	simm.s32 $0x800;
	[sflag:s19] =	ssyncadd.s32 $0xFFFFC180  }
0x373: {  	[tilespmem:s13], [sflag:$0x1] =	stream.indirect.gather [hbm4b:s2+s12], $0x80, s28, s12, $0xb8;
	[tilespmem:$0x1D800] =	vst v63  }
0x374: {  	_ =	swait.ge [sflag:s14], $0x3E80  }
0x375: {  	[sflag:s14] =	ssyncset.done $0x0  }
0x376: {  	s29 =	simm.s32 $0x1400;
	[sflag:s14] =	ssyncadd.s32 $0xFFFFC180  }
0x377: {  	[spmem:s3] =	stream.indirect.scatter.add.f32 [tilespmem:s13], [sflag:$0x3], $0x80, s29, s12, $0xb8;
	[tilespmem:$0x1D800] =	vst v63  }
0x378: {  	_ =	swait.ge [sflag:s22], $0x3E80  }
0x379: {  	[sflag:s22] =	ssyncset.done $0x0  }
0x37a: {  	s30 =	simm.s32 $0x880;
	[sflag:s22] =	ssyncadd.s32 $0xFFFFC180  }
0x37b: {  	[tilespmem:s16], [sflag:$0x2] =	stream.indirect.gather [hbm4b:s2+s12], $0x80, s30, s12, $0xb8;
	[tilespmem:$0x1D800] =	vst v63  }
0x37c: {  	_ =	swait.ge [sflag:s17], $0x3E80  }
0x37d: {  	[sflag:s17] =	ssyncset.done $0x0  }
0x37e: {  	s31 =	simm.s32 $0x1480;
	[sflag:s17] =	ssyncadd.s32 $0xFFFFC180  }
0x37f: {  	[spmem:s3] =	stream.indirect.scatter.add.f32 [tilespmem:s16], [sflag:$0x4], $0x80, s31, s12, $0xb8;
	[tilespmem:$0x1D800] =	vst v63  }
0x380: {  	_ =	swait.ge [sflag:s19], $0x3E80  }
0x381: {  	[sflag:s19] =	ssyncset.done $0x0  }
0x382: {  	s1 =	simm.s32 $0x900;
	[sflag:s19] =	ssyncadd.s32 $0xFFFFC180  }
0x383: {  	[tilespmem:s13], [sflag:$0x1] =	stream.indirect.gather [hbm4b:s2+s12], $0x80, s1, s12, $0xb8;
	[tilespmem:$0x1D800] =	vst v63  }
0x384: {  	_ =	swait.ge [sflag:s14], $0x3E80  }
0x385: {  	[sflag:s14] =	ssyncset.done $0x0  }
0x386: {  	s11 =	simm.s32 $0x1500;
	[sflag:s14] =	ssyncadd.s32 $0xFFFFC180  }
0x387: {  	[spmem:s3] =	stream.indirect.scatter.add.f32 [tilespmem:s13], [sflag:$0x3], $0x80, s11, s12, $0xb8;
	[tilespmem:$0x1D800] =	vst v63  }
0x388: {  	_ =	swait.ge [sflag:s22], $0x3E80  }
0x389: {  	[sflag:s22] =	ssyncset.done $0x0  }
0x38a: {  	s15 =	simm.s32 $0x980;
	[sflag:s22] =	ssyncadd.s32 $0xFFFFC180  }
0x38b: {  	[tilespmem:s16], [sflag:$0x2] =	stream.indirect.gather [hbm4b:s2+s12], $0x80, s15, s12, $0xb8;
	[tilespmem:$0x1D800] =	vst v63  }
0x38c: {  	_ =	swait.ge [sflag:s17], $0x3E80  }
0x38d: {  	[sflag:s17] =	ssyncset.done $0x0  }
0x38e: {  	s1 =	simm.s32 $0x1580;
	[sflag:s17] =	ssyncadd.s32 $0xFFFFC180  }
0x38f: {  	[spmem:s3] =	stream.indirect.scatter.add.f32 [tilespmem:s16], [sflag:$0x4], $0x80, s1, s12, $0xb8;
	[tilespmem:$0x1D800] =	vst v63  }
0x390: {  	_ =	swait.ge [sflag:s19], $0x3E80  }
0x391: {  	[sflag:s19] =	ssyncset.done $0x0  }
0x392: {  	[sflag:s19] =	ssyncadd.s32 $0xFFFFC180  }
0x393: {  	_ =	swait.ge [sflag:s22], $0x3E80  }
0x394: {  	[sflag:s22] =	ssyncset.done $0x0  }
0x395: {  	s11 =	rddreg [dreg:$0x9];
	[sflag:s22] =	ssyncadd.s32 $0xFFFFC180  }
0x396: {  	[tilespmem:s0], [sflag:$0x5] =	stream.linear.gather [hbm4b:s11+s0], $0xA00, $0x38;
	[tilespmem:$0x1D800] =	vst v63  }
0x397: {  	_ =	swait.ge [sflag:s10], $0xA00  }
0x398: {  	[sflag:s10] =	ssyncset.done $0x0  }
0x399: {  	s15 =	rddreg [dreg:$0xa];
	[sflag:s10] =	ssyncadd.s32 $0xFFFFF600  }
0x39a: {  	[tilespmem:s4], [sflag:$0x5] =	stream.linear.gather [hbm4b:s15+s0], $0xA00, $0x38;
	[tilespmem:$0x1D800] =	vst v63  }
0x39b: {  	_ =	swait.ge [sflag:s10], $0xA00  }
0x39c: {  	[sflag:s10] =	ssyncset.done $0x0  }
0x39d: {  	[sflag:s10] =	ssyncadd.s32 $0xFFFFF600  }
0x39e: {  	[tilespmem:s13], [sflag:$0x1] =	stream.indirect.gather [hbm4b:s2+s12], $0x80, s0, s12, $0xb8;
	[tilespmem:$0x1D800] =	vst v63  }
0x39f: {  	_ =	swait.ge [sflag:s14], $0x3E80  }
0x3a0: {  	[sflag:s14] =	ssyncset.done $0x0  }
0x3a1: {  	[sflag:s14] =	ssyncadd.s32 $0xFFFFC180  }
0x3a2: {  	[spmem:s3] =	stream.indirect.scatter.add.f32 [tilespmem:s13], [sflag:$0x3], $0x80, s4, s12, $0xb8;
	[tilespmem:$0x1D800] =	vst v63  }
0x3a3: {  	s6 =	simm.s32 $0x80  }
0x3a4: {  	[tilespmem:s16], [sflag:$0x2] =	stream.indirect.gather [hbm4b:s2+s12], $0x80, s6, s12, $0xb8;
	[tilespmem:$0x1D800] =	vst v63  }
0x3a5: {  	_ =	swait.ge [sflag:s17], $0x3E80  }
0x3a6: {  	[sflag:s17] =	ssyncset.done $0x0  }
0x3a7: {  	s9 =	simm.s32 $0xC80;
	[sflag:s17] =	ssyncadd.s32 $0xFFFFC180  }
0x3a8: {  	[spmem:s3] =	stream.indirect.scatter.add.f32 [tilespmem:s16], [sflag:$0x4], $0x80, s9, s12, $0xb8;
	[tilespmem:$0x1D800] =	vst v63  }
0x3a9: {  	_ =	swait.ge [sflag:s19], $0x3E80  }
0x3aa: {  	[sflag:s19] =	ssyncset.done $0x0  }
0x3ab: {  	s5 =	simm.s32 $0x100;
	[sflag:s19] =	ssyncadd.s32 $0xFFFFC180  }
0x3ac: {  	[tilespmem:s13], [sflag:$0x1] =	stream.indirect.gather [hbm4b:s2+s12], $0x80, s5, s12, $0xb8;
	[tilespmem:$0x1D800] =	vst v63  }
0x3ad: {  	_ =	swait.ge [sflag:s14], $0x3E80  }
0x3ae: {  	[sflag:s14] =	ssyncset.done $0x0  }
0x3af: {  	s1 =	simm.s32 $0xD00;
	[sflag:s14] =	ssyncadd.s32 $0xFFFFC180  }
0x3b0: {  	[spmem:s3] =	stream.indirect.scatter.add.f32 [tilespmem:s13], [sflag:$0x3], $0x80, s1, s12, $0xb8;
	[tilespmem:$0x1D800] =	vst v63  }
0x3b1: {  	_ =	swait.ge [sflag:s22], $0x3E80  }
0x3b2: {  	[sflag:s22] =	ssyncset.done $0x0  }
0x3b3: {  	s5 =	simm.s32 $0x180;
	[sflag:s22] =	ssyncadd.s32 $0xFFFFC180  }
0x3b4: {  	[tilespmem:s16], [sflag:$0x2] =	stream.indirect.gather [hbm4b:s2+s12], $0x80, s5, s12, $0xb8;
	[tilespmem:$0x1D800] =	vst v63  }
0x3b5: {  	_ =	swait.ge [sflag:s17], $0x3E80  }
0x3b6: {  	[sflag:s17] =	ssyncset.done $0x0  }
0x3b7: {  	s6 =	simm.s32 $0xD80;
	[sflag:s17] =	ssyncadd.s32 $0xFFFFC180  }
0x3b8: {  	[spmem:s3] =	stream.indirect.scatter.add.f32 [tilespmem:s16], [sflag:$0x4], $0x80, s6, s12, $0xb8;
	[tilespmem:$0x1D800] =	vst v63  }
0x3b9: {  	_ =	swait.ge [sflag:s19], $0x3E80  }
0x3ba: {  	[sflag:s19] =	ssyncset.done $0x0  }
0x3bb: {  	s7 =	simm.s32 $0x200;
	[sflag:s19] =	ssyncadd.s32 $0xFFFFC180  }
0x3bc: {  	[tilespmem:s13], [sflag:$0x1] =	stream.indirect.gather [hbm4b:s2+s12], $0x80, s7, s12, $0xb8;
	[tilespmem:$0x1D800] =	vst v63  }
0x3bd: {  	_ =	swait.ge [sflag:s14], $0x3E80  }
0x3be: {  	[sflag:s14] =	ssyncset.done $0x0  }
0x3bf: {  	s8 =	simm.s32 $0xE00;
	[sflag:s14] =	ssyncadd.s32 $0xFFFFC180  }
0x3c0: {  	[spmem:s3] =	stream.indirect.scatter.add.f32 [tilespmem:s13], [sflag:$0x3], $0x80, s8, s12, $0xb8;
	[tilespmem:$0x1D800] =	vst v63  }
0x3c1: {  	_ =	swait.ge [sflag:s22], $0x3E80  }
0x3c2: {  	[sflag:s22] =	ssyncset.done $0x0  }
0x3c3: {  	s9 =	simm.s32 $0x280;
	[sflag:s22] =	ssyncadd.s32 $0xFFFFC180  }
0x3c4: {  	[tilespmem:s16], [sflag:$0x2] =	stream.indirect.gather [hbm4b:s2+s12], $0x80, s9, s12, $0xb8;
	[tilespmem:$0x1D800] =	vst v63  }
0x3c5: {  	_ =	swait.ge [sflag:s17], $0x3E80  }
0x3c6: {  	[sflag:s17] =	ssyncset.done $0x0  }
0x3c7: {  	s11 =	simm.s32 $0xE80;
	[sflag:s17] =	ssyncadd.s32 $0xFFFFC180  }
0x3c8: {  	[spmem:s3] =	stream.indirect.scatter.add.f32 [tilespmem:s16], [sflag:$0x4], $0x80, s11, s12, $0xb8;
	[tilespmem:$0x1D800] =	vst v63  }
0x3c9: {  	_ =	swait.ge [sflag:s19], $0x3E80  }
0x3ca: {  	[sflag:s19] =	ssyncset.done $0x0  }
0x3cb: {  	s15 =	simm.s32 $0x300;
	[sflag:s19] =	ssyncadd.s32 $0xFFFFC180  }
0x3cc: {  	[tilespmem:s13], [sflag:$0x1] =	stream.indirect.gather [hbm4b:s2+s12], $0x80, s15, s12, $0xb8;
	[tilespmem:$0x1D800] =	vst v63  }
0x3cd: {  	_ =	swait.ge [sflag:s14], $0x3E80  }
0x3ce: {  	[sflag:s14] =	ssyncset.done $0x0  }
0x3cf: {  	s7 =	simm.s32 $0xF00;
	[sflag:s14] =	ssyncadd.s32 $0xFFFFC180  }
0x3d0: {  	[spmem:s3] =	stream.indirect.scatter.add.f32 [tilespmem:s13], [sflag:$0x3], $0x80, s7, s12, $0xb8;
	[tilespmem:$0x1D800] =	vst v63  }
0x3d1: {  	_ =	swait.ge [sflag:s22], $0x3E80  }
0x3d2: {  	[sflag:s22] =	ssyncset.done $0x0  }
0x3d3: {  	s18 =	simm.s32 $0x380;
	[sflag:s22] =	ssyncadd.s32 $0xFFFFC180  }
0x3d4: {  	[tilespmem:s16], [sflag:$0x2] =	stream.indirect.gather [hbm4b:s2+s12], $0x80, s18, s12, $0xb8;
	[tilespmem:$0x1D800] =	vst v63  }
0x3d5: {  	_ =	swait.ge [sflag:s17], $0x3E80  }
0x3d6: {  	[sflag:s17] =	ssyncset.done $0x0  }
0x3d7: {  	s8 =	simm.s32 $0xF80;
	[sflag:s17] =	ssyncadd.s32 $0xFFFFC180  }
0x3d8: {  	[spmem:s3] =	stream.indirect.scatter.add.f32 [tilespmem:s16], [sflag:$0x4], $0x80, s8, s12, $0xb8;
	[tilespmem:$0x1D800] =	vst v63  }
0x3d9: {  	_ =	swait.ge [sflag:s19], $0x3E80  }
0x3da: {  	[sflag:s19] =	ssyncset.done $0x0  }
0x3db: {  	s18 =	simm.s32 $0x400;
	[sflag:s19] =	ssyncadd.s32 $0xFFFFC180  }
0x3dc: {  	[tilespmem:s13], [sflag:$0x1] =	stream.indirect.gather [hbm4b:s2+s12], $0x80, s18, s12, $0xb8;
	[tilespmem:$0x1D800] =	vst v63  }
0x3dd: {  	_ =	swait.ge [sflag:s14], $0x3E80  }
0x3de: {  	[sflag:s14] =	ssyncset.done $0x0  }
0x3df: {  	s25 =	simm.s32 $0x1000;
	[sflag:s14] =	ssyncadd.s32 $0xFFFFC180  }
0x3e0: {  	[spmem:s3] =	stream.indirect.scatter.add.f32 [tilespmem:s13], [sflag:$0x3], $0x80, s25, s12, $0xb8;
	[tilespmem:$0x1D800] =	vst v63  }
0x3e1: {  	_ =	swait.ge [sflag:s22], $0x3E80  }
0x3e2: {  	[sflag:s22] =	ssyncset.done $0x0  }
0x3e3: {  	s25 =	simm.s32 $0x480;
	[sflag:s22] =	ssyncadd.s32 $0xFFFFC180  }
0x3e4: {  	[tilespmem:s16], [sflag:$0x2] =	stream.indirect.gather [hbm4b:s2+s12], $0x80, s25, s12, $0xb8;
	[tilespmem:$0x1D800] =	vst v63  }
0x3e5: {  	_ =	swait.ge [sflag:s17], $0x3E80  }
0x3e6: {  	[sflag:s17] =	ssyncset.done $0x0  }
0x3e7: {  	s25 =	simm.s32 $0x1080;
	[sflag:s17] =	ssyncadd.s32 $0xFFFFC180  }
0x3e8: {  	[spmem:s3] =	stream.indirect.scatter.add.f32 [tilespmem:s16], [sflag:$0x4], $0x80, s25, s12, $0xb8;
	[tilespmem:$0x1D800] =	vst v63  }
0x3e9: {  	_ =	swait.ge [sflag:s19], $0x3E80  }
0x3ea: {  	[sflag:s19] =	ssyncset.done $0x0  }
0x3eb: {  	s25 =	simm.s32 $0x500;
	[sflag:s19] =	ssyncadd.s32 $0xFFFFC180  }
0x3ec: {  	[tilespmem:s13], [sflag:$0x1] =	stream.indirect.gather [hbm4b:s2+s12], $0x80, s25, s12, $0xb8;
	[tilespmem:$0x1D800] =	vst v63  }
0x3ed: {  	_ =	swait.ge [sflag:s14], $0x3E80  }
0x3ee: {  	[sflag:s14] =	ssyncset.done $0x0  }
0x3ef: {  	s25 =	simm.s32 $0x1100;
	[sflag:s14] =	ssyncadd.s32 $0xFFFFC180  }
0x3f0: {  	[spmem:s3] =	stream.indirect.scatter.add.f32 [tilespmem:s13], [sflag:$0x3], $0x80, s25, s12, $0xb8;
	[tilespmem:$0x1D800] =	vst v63  }
0x3f1: {  	_ =	swait.ge [sflag:s22], $0x3E80  }
0x3f2: {  	[sflag:s22] =	ssyncset.done $0x0  }
0x3f3: {  	s25 =	simm.s32 $0x580;
	[sflag:s22] =	ssyncadd.s32 $0xFFFFC180  }
0x3f4: {  	[tilespmem:s16], [sflag:$0x2] =	stream.indirect.gather [hbm4b:s2+s12], $0x80, s25, s12, $0xb8;
	[tilespmem:$0x1D800] =	vst v63  }
0x3f5: {  	_ =	swait.ge [sflag:s17], $0x3E80  }
0x3f6: {  	[sflag:s17] =	ssyncset.done $0x0  }
0x3f7: {  	s25 =	simm.s32 $0x1180;
	[sflag:s17] =	ssyncadd.s32 $0xFFFFC180  }
0x3f8: {  	[spmem:s3] =	stream.indirect.scatter.add.f32 [tilespmem:s16], [sflag:$0x4], $0x80, s25, s12, $0xb8;
	[tilespmem:$0x1D800] =	vst v63  }
0x3f9: {  	_ =	swait.ge [sflag:s19], $0x3E80  }
0x3fa: {  	[sflag:s19] =	ssyncset.done $0x0  }
0x3fb: {  	s25 =	simm.s32 $0x600;
	[sflag:s19] =	ssyncadd.s32 $0xFFFFC180  }
0x3fc: {  	[tilespmem:s13], [sflag:$0x1] =	stream.indirect.gather [hbm4b:s2+s12], $0x80, s25, s12, $0xb8;
	[tilespmem:$0x1D800] =	vst v63  }
0x3fd: {  	_ =	swait.ge [sflag:s14], $0x3E80  }
0x3fe: {  	[sflag:s14] =	ssyncset.done $0x0  }
0x3ff: {  	s25 =	simm.s32 $0x1200;
	[sflag:s14] =	ssyncadd.s32 $0xFFFFC180  }
0x400: {  	[spmem:s3] =	stream.indirect.scatter.add.f32 [tilespmem:s13], [sflag:$0x3], $0x80, s25, s12, $0xb8;
	[tilespmem:$0x1D800] =	vst v63  }
0x401: {  	_ =	swait.ge [sflag:s22], $0x3E80  }
0x402: {  	[sflag:s22] =	ssyncset.done $0x0  }
0x403: {  	s25 =	simm.s32 $0x680;
	[sflag:s22] =	ssyncadd.s32 $0xFFFFC180  }
0x404: {  	[tilespmem:s16], [sflag:$0x2] =	stream.indirect.gather [hbm4b:s2+s12], $0x80, s25, s12, $0xb8;
	[tilespmem:$0x1D800] =	vst v63  }
0x405: {  	_ =	swait.ge [sflag:s17], $0x3E80  }
0x406: {  	[sflag:s17] =	ssyncset.done $0x0  }
0x407: {  	s25 =	simm.s32 $0x1280;
	[sflag:s17] =	ssyncadd.s32 $0xFFFFC180  }
0x408: {  	[spmem:s3] =	stream.indirect.scatter.add.f32 [tilespmem:s16], [sflag:$0x4], $0x80, s25, s12, $0xb8;
	[tilespmem:$0x1D800] =	vst v63  }
0x409: {  	_ =	swait.ge [sflag:s19], $0x3E80  }
0x40a: {  	[sflag:s19] =	ssyncset.done $0x0  }
0x40b: {  	s20 =	simm.s32 $0x700;
	[sflag:s19] =	ssyncadd.s32 $0xFFFFC180  }
0x40c: {  	[tilespmem:s13], [sflag:$0x1] =	stream.indirect.gather [hbm4b:s2+s12], $0x80, s20, s12, $0xb8;
	[tilespmem:$0x1D800] =	vst v63  }
0x40d: {  	_ =	swait.ge [sflag:s14], $0x3E80  }
0x40e: {  	[sflag:s14] =	ssyncset.done $0x0  }
0x40f: {  	s21 =	simm.s32 $0x1300;
	[sflag:s14] =	ssyncadd.s32 $0xFFFFC180  }
0x410: {  	[spmem:s3] =	stream.indirect.scatter.add.f32 [tilespmem:s13], [sflag:$0x3], $0x80, s21, s12, $0xb8;
	[tilespmem:$0x1D800] =	vst v63  }
0x411: {  	_ =	swait.ge [sflag:s22], $0x3E80  }
0x412: {  	[sflag:s22] =	ssyncset.done $0x0  }
0x413: {  	s24 =	simm.s32 $0x780;
	[sflag:s22] =	ssyncadd.s32 $0xFFFFC180  }
0x414: {  	[tilespmem:s16], [sflag:$0x2] =	stream.indirect.gather [hbm4b:s2+s12], $0x80, s24, s12, $0xb8;
	[tilespmem:$0x1D800] =	vst v63  }
0x415: {  	_ =	swait.ge [sflag:s17], $0x3E80  }
0x416: {  	[sflag:s17] =	ssyncset.done $0x0  }
0x417: {  	s26 =	simm.s32 $0x1380;
	[sflag:s17] =	ssyncadd.s32 $0xFFFFC180  }
0x418: {  	[spmem:s3] =	stream.indirect.scatter.add.f32 [tilespmem:s16], [sflag:$0x4], $0x80, s26, s12, $0xb8;
	[tilespmem:$0x1D800] =	vst v63  }
0x419: {  	_ =	swait.ge [sflag:s19], $0x3E80  }
0x41a: {  	[sflag:s19] =	ssyncset.done $0x0  }
0x41b: {  	s28 =	simm.s32 $0x800;
	[sflag:s19] =	ssyncadd.s32 $0xFFFFC180  }
0x41c: {  	[tilespmem:s13], [sflag:$0x1] =	stream.indirect.gather [hbm4b:s2+s12], $0x80, s28, s12, $0xb8;
	[tilespmem:$0x1D800] =	vst v63  }
0x41d: {  	_ =	swait.ge [sflag:s14], $0x3E80  }
0x41e: {  	[sflag:s14] =	ssyncset.done $0x0  }
0x41f: {  	s29 =	simm.s32 $0x1400;
	[sflag:s14] =	ssyncadd.s32 $0xFFFFC180  }
0x420: {  	[spmem:s3] =	stream.indirect.scatter.add.f32 [tilespmem:s13], [sflag:$0x3], $0x80, s29, s12, $0xb8;
	[tilespmem:$0x1D800] =	vst v63  }
0x421: {  	_ =	swait.ge [sflag:s22], $0x3E80  }
0x422: {  	[sflag:s22] =	ssyncset.done $0x0  }
0x423: {  	s30 =	simm.s32 $0x880;
	[sflag:s22] =	ssyncadd.s32 $0xFFFFC180  }
0x424: {  	[tilespmem:s16], [sflag:$0x2] =	stream.indirect.gather [hbm4b:s2+s12], $0x80, s30, s12, $0xb8;
	[tilespmem:$0x1D800] =	vst v63  }
0x425: {  	_ =	swait.ge [sflag:s17], $0x3E80  }
0x426: {  	[sflag:s17] =	ssyncset.done $0x0  }
0x427: {  	s31 =	simm.s32 $0x1480;
	[sflag:s17] =	ssyncadd.s32 $0xFFFFC180  }
0x428: {  	[spmem:s3] =	stream.indirect.scatter.add.f32 [tilespmem:s16], [sflag:$0x4], $0x80, s31, s12, $0xb8;
	[tilespmem:$0x1D800] =	vst v63  }
0x429: {  	_ =	swait.ge [sflag:s19], $0x3E80  }
0x42a: {  	[sflag:s19] =	ssyncset.done $0x0  }
0x42b: {  	s28 =	simm.s32 $0x900;
	[sflag:s19] =	ssyncadd.s32 $0xFFFFC180  }
0x42c: {  	[tilespmem:s13], [sflag:$0x1] =	stream.indirect.gather [hbm4b:s2+s12], $0x80, s28, s12, $0xb8;
	[tilespmem:$0x1D800] =	vst v63  }
0x42d: {  	_ =	swait.ge [sflag:s14], $0x3E80  }
0x42e: {  	[sflag:s14] =	ssyncset.done $0x0  }
0x42f: {  	s29 =	simm.s32 $0x1500;
	[sflag:s14] =	ssyncadd.s32 $0xFFFFC180  }
0x430: {  	[spmem:s3] =	stream.indirect.scatter.add.f32 [tilespmem:s13], [sflag:$0x3], $0x80, s29, s12, $0xb8;
	[tilespmem:$0x1D800] =	vst v63  }
0x431: {  	_ =	swait.ge [sflag:s22], $0x3E80  }
0x432: {  	[sflag:s22] =	ssyncset.done $0x0  }
0x433: {  	s30 =	simm.s32 $0x980;
	[sflag:s22] =	ssyncadd.s32 $0xFFFFC180  }
0x434: {  	[tilespmem:s16], [sflag:$0x2] =	stream.indirect.gather [hbm4b:s2+s12], $0x80, s30, s12, $0xb8;
	[tilespmem:$0x1D800] =	vst v63  }
0x435: {  	_ =	swait.ge [sflag:s17], $0x3E80  }
0x436: {  	[sflag:s17] =	ssyncset.done $0x0  }
0x437: {  	s31 =	simm.s32 $0x1580;
	[sflag:s17] =	ssyncadd.s32 $0xFFFFC180  }
0x438: {  	[spmem:s3] =	stream.indirect.scatter.add.f32 [tilespmem:s16], [sflag:$0x4], $0x80, s31, s12, $0xb8;
	[tilespmem:$0x1D800] =	vst v63  }
0x439: {  	_ =	swait.ge [sflag:s19], $0x3E80  }
0x43a: {  	[sflag:s19] =	ssyncset.done $0x0  }
0x43b: {  	[sflag:s19] =	ssyncadd.s32 $0xFFFFC180  }
0x43c: {  	_ =	swait.ge [sflag:s22], $0x3E80  }
0x43d: {  	[sflag:s22] =	ssyncset.done $0x0  }
0x43e: {  	s20 =	rddreg [dreg:$0xb];
	[sflag:s22] =	ssyncadd.s32 $0xFFFFC180  }
0x43f: {  	[tilespmem:s0], [sflag:$0x5] =	stream.linear.gather [hbm4b:s20+s0], $0xA00, $0x38;
	[tilespmem:$0x1D800] =	vst v63  }
0x440: {  	_ =	swait.ge [sflag:s10], $0xA00  }
0x441: {  	[sflag:s10] =	ssyncset.done $0x0  }
0x442: {  	s21 =	rddreg [dreg:$0xc];
	[sflag:s10] =	ssyncadd.s32 $0xFFFFF600  }
0x443: {  	[tilespmem:s4], [sflag:$0x5] =	stream.linear.gather [hbm4b:s21+s0], $0xA00, $0x38;
	[tilespmem:$0x1D800] =	vst v63  }
0x444: {  	_ =	swait.ge [sflag:s10], $0xA00  }
0x445: {  	[sflag:s10] =	ssyncset.done $0x0  }
0x446: {  	[sflag:s10] =	ssyncadd.s32 $0xFFFFF600  }
0x447: {  	[tilespmem:s13], [sflag:$0x1] =	stream.indirect.gather [hbm4b:s2+s12], $0x80, s0, s12, $0xb8;
	[tilespmem:$0x1D800] =	vst v63  }
0x448: {  	_ =	swait.ge [sflag:s14], $0x3E80  }
0x449: {  	[sflag:s14] =	ssyncset.done $0x0  }
0x44a: {  	[sflag:s14] =	ssyncadd.s32 $0xFFFFC180  }
0x44b: {  	[spmem:s3] =	stream.indirect.scatter.add.f32 [tilespmem:s13], [sflag:$0x3], $0x80, s4, s12, $0xb8;
	[tilespmem:$0x1D800] =	vst v63  }
0x44c: {  	s24 =	simm.s32 $0x80  }
0x44d: {  	[tilespmem:s16], [sflag:$0x2] =	stream.indirect.gather [hbm4b:s2+s12], $0x80, s24, s12, $0xb8;
	[tilespmem:$0x1D800] =	vst v63  }
0x44e: {  	_ =	swait.ge [sflag:s17], $0x3E80  }
0x44f: {  	[sflag:s17] =	ssyncset.done $0x0  }
0x450: {  	s25 =	simm.s32 $0xC80;
	[sflag:s17] =	ssyncadd.s32 $0xFFFFC180  }
0x451: {  	[spmem:s3] =	stream.indirect.scatter.add.f32 [tilespmem:s16], [sflag:$0x4], $0x80, s25, s12, $0xb8;
	[tilespmem:$0x1D800] =	vst v63  }
0x452: {  	_ =	swait.ge [sflag:s19], $0x3E80  }
0x453: {  	[sflag:s19] =	ssyncset.done $0x0  }
0x454: {  	s26 =	simm.s32 $0x100;
	[sflag:s19] =	ssyncadd.s32 $0xFFFFC180  }
0x455: {  	[tilespmem:s13], [sflag:$0x1] =	stream.indirect.gather [hbm4b:s2+s12], $0x80, s26, s12, $0xb8;
	[tilespmem:$0x1D800] =	vst v63  }
0x456: {  	_ =	swait.ge [sflag:s14], $0x3E80  }
0x457: {  	[sflag:s14] =	ssyncset.done $0x0  }
0x458: {  	[sflag:s14] =	ssyncadd.s32 $0xFFFFC180  }
0x459: {  	[spmem:s3] =	stream.indirect.scatter.add.f32 [tilespmem:s13], [sflag:$0x3], $0x80, s1, s12, $0xb8;
	[tilespmem:$0x1D800] =	vst v63  }
0x45a: {  	_ =	swait.ge [sflag:s22], $0x3E80  }
0x45b: {  	[sflag:s22] =	ssyncset.done $0x0  }
0x45c: {  	[sflag:s22] =	ssyncadd.s32 $0xFFFFC180  }
0x45d: {  	[tilespmem:s16], [sflag:$0x2] =	stream.indirect.gather [hbm4b:s2+s12], $0x80, s5, s12, $0xb8;
	[tilespmem:$0x1D800] =	vst v63  }
0x45e: {  	_ =	swait.ge [sflag:s17], $0x3E80  }
0x45f: {  	[sflag:s17] =	ssyncset.done $0x0  }
0x460: {  	[sflag:s17] =	ssyncadd.s32 $0xFFFFC180  }
0x461: {  	[spmem:s3] =	stream.indirect.scatter.add.f32 [tilespmem:s16], [sflag:$0x4], $0x80, s6, s12, $0xb8;
	[tilespmem:$0x1D800] =	vst v63  }
0x462: {  	_ =	swait.ge [sflag:s19], $0x3E80  }
0x463: {  	[sflag:s19] =	ssyncset.done $0x0  }
0x464: {  	s28 =	simm.s32 $0x200;
	[sflag:s19] =	ssyncadd.s32 $0xFFFFC180  }
0x465: {  	[tilespmem:s13], [sflag:$0x1] =	stream.indirect.gather [hbm4b:s2+s12], $0x80, s28, s12, $0xb8;
	[tilespmem:$0x1D800] =	vst v63  }
0x466: {  	_ =	swait.ge [sflag:s14], $0x3E80  }
0x467: {  	[sflag:s14] =	ssyncset.done $0x0  }
0x468: {  	s29 =	simm.s32 $0xE00;
	[sflag:s14] =	ssyncadd.s32 $0xFFFFC180  }
0x469: {  	[spmem:s3] =	stream.indirect.scatter.add.f32 [tilespmem:s13], [sflag:$0x3], $0x80, s29, s12, $0xb8;
	[tilespmem:$0x1D800] =	vst v63  }
0x46a: {  	_ =	swait.ge [sflag:s22], $0x3E80  }
0x46b: {  	[sflag:s22] =	ssyncset.done $0x0  }
0x46c: {  	[sflag:s22] =	ssyncadd.s32 $0xFFFFC180  }
0x46d: {  	[tilespmem:s16], [sflag:$0x2] =	stream.indirect.gather [hbm4b:s2+s12], $0x80, s9, s12, $0xb8;
	[tilespmem:$0x1D800] =	vst v63  }
0x46e: {  	_ =	swait.ge [sflag:s17], $0x3E80  }
0x46f: {  	[sflag:s17] =	ssyncset.done $0x0  }
0x470: {  	[sflag:s17] =	ssyncadd.s32 $0xFFFFC180  }
0x471: {  	[spmem:s3] =	stream.indirect.scatter.add.f32 [tilespmem:s16], [sflag:$0x4], $0x80, s11, s12, $0xb8;
	[tilespmem:$0x1D800] =	vst v63  }
0x472: {  	_ =	swait.ge [sflag:s19], $0x3E80  }
0x473: {  	[sflag:s19] =	ssyncset.done $0x0  }
0x474: {  	[sflag:s19] =	ssyncadd.s32 $0xFFFFC180  }
0x475: {  	[tilespmem:s13], [sflag:$0x1] =	stream.indirect.gather [hbm4b:s2+s12], $0x80, s15, s12, $0xb8;
	[tilespmem:$0x1D800] =	vst v63  }
0x476: {  	_ =	swait.ge [sflag:s14], $0x3E80  }
0x477: {  	[sflag:s14] =	ssyncset.done $0x0  }
0x478: {  	[sflag:s14] =	ssyncadd.s32 $0xFFFFC180  }
0x479: {  	[spmem:s3] =	stream.indirect.scatter.add.f32 [tilespmem:s13], [sflag:$0x3], $0x80, s7, s12, $0xb8;
	[tilespmem:$0x1D800] =	vst v63  }
0x47a: {  	_ =	swait.ge [sflag:s22], $0x3E80  }
0x47b: {  	[sflag:s22] =	ssyncset.done $0x0  }
0x47c: {  	s30 =	simm.s32 $0x380;
	[sflag:s22] =	ssyncadd.s32 $0xFFFFC180  }
0x47d: {  	[tilespmem:s16], [sflag:$0x2] =	stream.indirect.gather [hbm4b:s2+s12], $0x80, s30, s12, $0xb8;
	[tilespmem:$0x1D800] =	vst v63  }
0x47e: {  	_ =	swait.ge [sflag:s17], $0x3E80  }
0x47f: {  	[sflag:s17] =	ssyncset.done $0x0  }
0x480: {  	[sflag:s17] =	ssyncadd.s32 $0xFFFFC180  }
0x481: {  	[spmem:s3] =	stream.indirect.scatter.add.f32 [tilespmem:s16], [sflag:$0x4], $0x80, s8, s12, $0xb8;
	[tilespmem:$0x1D800] =	vst v63  }
0x482: {  	_ =	swait.ge [sflag:s19], $0x3E80  }
0x483: {  	[sflag:s19] =	ssyncset.done $0x0  }
0x484: {  	[sflag:s19] =	ssyncadd.s32 $0xFFFFC180  }
0x485: {  	[tilespmem:s13], [sflag:$0x1] =	stream.indirect.gather [hbm4b:s2+s12], $0x80, s18, s12, $0xb8;
	[tilespmem:$0x1D800] =	vst v63  }
0x486: {  	_ =	swait.ge [sflag:s14], $0x3E80  }
0x487: {  	[sflag:s14] =	ssyncset.done $0x0  }
0x488: {  	s31 =	simm.s32 $0x1000;
	[sflag:s14] =	ssyncadd.s32 $0xFFFFC180  }
0x489: {  	[spmem:s3] =	stream.indirect.scatter.add.f32 [tilespmem:s13], [sflag:$0x3], $0x80, s31, s12, $0xb8;
	[tilespmem:$0x1D800] =	vst v63  }
0x48a: {  	_ =	swait.ge [sflag:s22], $0x3E80  }
0x48b: {  	[sflag:s22] =	ssyncset.done $0x0  }
0x48c: {  	s21 =	simm.s32 $0x480;
	[sflag:s22] =	ssyncadd.s32 $0xFFFFC180  }
0x48d: {  	[tilespmem:s16], [sflag:$0x2] =	stream.indirect.gather [hbm4b:s2+s12], $0x80, s21, s12, $0xb8;
	[tilespmem:$0x1D800] =	vst v63  }
0x48e: {  	_ =	swait.ge [sflag:s17], $0x3E80  }
0x48f: {  	[sflag:s17] =	ssyncset.done $0x0  }
0x490: {  	s24 =	simm.s32 $0x1080;
	[sflag:s17] =	ssyncadd.s32 $0xFFFFC180  }
0x491: {  	[spmem:s3] =	stream.indirect.scatter.add.f32 [tilespmem:s16], [sflag:$0x4], $0x80, s24, s12, $0xb8;
	[tilespmem:$0x1D800] =	vst v63  }
0x492: {  	_ =	swait.ge [sflag:s19], $0x3E80  }
0x493: {  	[sflag:s19] =	ssyncset.done $0x0  }
0x494: {  	s25 =	simm.s32 $0x500;
	[sflag:s19] =	ssyncadd.s32 $0xFFFFC180  }
0x495: {  	[tilespmem:s13], [sflag:$0x1] =	stream.indirect.gather [hbm4b:s2+s12], $0x80, s25, s12, $0xb8;
	[tilespmem:$0x1D800] =	vst v63  }
0x496: {  	_ =	swait.ge [sflag:s14], $0x3E80  }
0x497: {  	[sflag:s14] =	ssyncset.done $0x0  }
0x498: {  	s26 =	simm.s32 $0x1100;
	[sflag:s14] =	ssyncadd.s32 $0xFFFFC180  }
0x499: {  	[spmem:s3] =	stream.indirect.scatter.add.f32 [tilespmem:s13], [sflag:$0x3], $0x80, s26, s12, $0xb8;
	[tilespmem:$0x1D800] =	vst v63  }
0x49a: {  	_ =	swait.ge [sflag:s22], $0x3E80  }
0x49b: {  	[sflag:s22] =	ssyncset.done $0x0  }
0x49c: {  	s28 =	simm.s32 $0x580;
	[sflag:s22] =	ssyncadd.s32 $0xFFFFC180  }
0x49d: {  	[tilespmem:s16], [sflag:$0x2] =	stream.indirect.gather [hbm4b:s2+s12], $0x80, s28, s12, $0xb8;
	[tilespmem:$0x1D800] =	vst v63  }
0x49e: {  	_ =	swait.ge [sflag:s17], $0x3E80  }
0x49f: {  	[sflag:s17] =	ssyncset.done $0x0  }
0x4a0: {  	s29 =	simm.s32 $0x1180;
	[sflag:s17] =	ssyncadd.s32 $0xFFFFC180  }
0x4a1: {  	[spmem:s3] =	stream.indirect.scatter.add.f32 [tilespmem:s16], [sflag:$0x4], $0x80, s29, s12, $0xb8;
	[tilespmem:$0x1D800] =	vst v63  }
0x4a2: {  	_ =	swait.ge [sflag:s19], $0x3E80  }
0x4a3: {  	[sflag:s19] =	ssyncset.done $0x0  }
0x4a4: {  	s30 =	simm.s32 $0x600;
	[sflag:s19] =	ssyncadd.s32 $0xFFFFC180  }
0x4a5: {  	[tilespmem:s13], [sflag:$0x1] =	stream.indirect.gather [hbm4b:s2+s12], $0x80, s30, s12, $0xb8;
	[tilespmem:$0x1D800] =	vst v63  }
0x4a6: {  	_ =	swait.ge [sflag:s14], $0x3E80  }
0x4a7: {  	[sflag:s14] =	ssyncset.done $0x0  }
0x4a8: {  	s31 =	simm.s32 $0x1200;
	[sflag:s14] =	ssyncadd.s32 $0xFFFFC180  }
0x4a9: {  	[spmem:s3] =	stream.indirect.scatter.add.f32 [tilespmem:s13], [sflag:$0x3], $0x80, s31, s12, $0xb8;
	[tilespmem:$0x1D800] =	vst v63  }
0x4aa: {  	_ =	swait.ge [sflag:s22], $0x3E80  }
0x4ab: {  	[sflag:s22] =	ssyncset.done $0x0  }
0x4ac: {  	s25 =	simm.s32 $0x680;
	[sflag:s22] =	ssyncadd.s32 $0xFFFFC180  }
0x4ad: {  	[tilespmem:s16], [sflag:$0x2] =	stream.indirect.gather [hbm4b:s2+s12], $0x80, s25, s12, $0xb8;
	[tilespmem:$0x1D800] =	vst v63  }
0x4ae: {  	_ =	swait.ge [sflag:s17], $0x3E80  }
0x4af: {  	[sflag:s17] =	ssyncset.done $0x0  }
0x4b0: {  	s25 =	simm.s32 $0x1280;
	[sflag:s17] =	ssyncadd.s32 $0xFFFFC180  }
0x4b1: {  	[spmem:s3] =	stream.indirect.scatter.add.f32 [tilespmem:s16], [sflag:$0x4], $0x80, s25, s12, $0xb8;
	[tilespmem:$0x1D800] =	vst v63  }
0x4b2: {  	_ =	swait.ge [sflag:s19], $0x3E80  }
0x4b3: {  	[sflag:s19] =	ssyncset.done $0x0  }
0x4b4: {  	s25 =	simm.s32 $0x700;
	[sflag:s19] =	ssyncadd.s32 $0xFFFFC180  }
0x4b5: {  	[tilespmem:s13], [sflag:$0x1] =	stream.indirect.gather [hbm4b:s2+s12], $0x80, s25, s12, $0xb8;
	[tilespmem:$0x1D800] =	vst v63  }
0x4b6: {  	_ =	swait.ge [sflag:s14], $0x3E80  }
0x4b7: {  	[sflag:s14] =	ssyncset.done $0x0  }
0x4b8: {  	s25 =	simm.s32 $0x1300;
	[sflag:s14] =	ssyncadd.s32 $0xFFFFC180  }
0x4b9: {  	[spmem:s3] =	stream.indirect.scatter.add.f32 [tilespmem:s13], [sflag:$0x3], $0x80, s25, s12, $0xb8;
	[tilespmem:$0x1D800] =	vst v63  }
0x4ba: {  	_ =	swait.ge [sflag:s22], $0x3E80  }
0x4bb: {  	[sflag:s22] =	ssyncset.done $0x0  }
0x4bc: {  	s25 =	simm.s32 $0x780;
	[sflag:s22] =	ssyncadd.s32 $0xFFFFC180  }
0x4bd: {  	[tilespmem:s16], [sflag:$0x2] =	stream.indirect.gather [hbm4b:s2+s12], $0x80, s25, s12, $0xb8;
	[tilespmem:$0x1D800] =	vst v63  }
0x4be: {  	_ =	swait.ge [sflag:s17], $0x3E80  }
0x4bf: {  	[sflag:s17] =	ssyncset.done $0x0  }
0x4c0: {  	s25 =	simm.s32 $0x1380;
	[sflag:s17] =	ssyncadd.s32 $0xFFFFC180  }
0x4c1: {  	[spmem:s3] =	stream.indirect.scatter.add.f32 [tilespmem:s16], [sflag:$0x4], $0x80, s25, s12, $0xb8;
	[tilespmem:$0x1D800] =	vst v63  }
0x4c2: {  	_ =	swait.ge [sflag:s19], $0x3E80  }
0x4c3: {  	[sflag:s19] =	ssyncset.done $0x0  }
0x4c4: {  	s25 =	simm.s32 $0x800;
	[sflag:s19] =	ssyncadd.s32 $0xFFFFC180  }
0x4c5: {  	[tilespmem:s13], [sflag:$0x1] =	stream.indirect.gather [hbm4b:s2+s12], $0x80, s25, s12, $0xb8;
	[tilespmem:$0x1D800] =	vst v63  }
0x4c6: {  	_ =	swait.ge [sflag:s14], $0x3E80  }
0x4c7: {  	[sflag:s14] =	ssyncset.done $0x0  }
0x4c8: {  	s25 =	simm.s32 $0x1400;
	[sflag:s14] =	ssyncadd.s32 $0xFFFFC180  }
0x4c9: {  	[spmem:s3] =	stream.indirect.scatter.add.f32 [tilespmem:s13], [sflag:$0x3], $0x80, s25, s12, $0xb8;
	[tilespmem:$0x1D800] =	vst v63  }
0x4ca: {  	_ =	swait.ge [sflag:s22], $0x3E80  }
0x4cb: {  	[sflag:s22] =	ssyncset.done $0x0  }
0x4cc: {  	s25 =	simm.s32 $0x880;
	[sflag:s22] =	ssyncadd.s32 $0xFFFFC180  }
0x4cd: {  	[tilespmem:s16], [sflag:$0x2] =	stream.indirect.gather [hbm4b:s2+s12], $0x80, s25, s12, $0xb8;
	[tilespmem:$0x1D800] =	vst v63  }
0x4ce: {  	_ =	swait.ge [sflag:s17], $0x3E80  }
0x4cf: {  	[sflag:s17] =	ssyncset.done $0x0  }
0x4d0: {  	s25 =	simm.s32 $0x1480;
	[sflag:s17] =	ssyncadd.s32 $0xFFFFC180  }
0x4d1: {  	[spmem:s3] =	stream.indirect.scatter.add.f32 [tilespmem:s16], [sflag:$0x4], $0x80, s25, s12, $0xb8;
	[tilespmem:$0x1D800] =	vst v63  }
0x4d2: {  	_ =	swait.ge [sflag:s19], $0x3E80  }
0x4d3: {  	[sflag:s19] =	ssyncset.done $0x0  }
0x4d4: {  	s25 =	simm.s32 $0x900;
	[sflag:s19] =	ssyncadd.s32 $0xFFFFC180  }
0x4d5: {  	[tilespmem:s13], [sflag:$0x1] =	stream.indirect.gather [hbm4b:s2+s12], $0x80, s25, s12, $0xb8;
	[tilespmem:$0x1D800] =	vst v63  }
0x4d6: {  	_ =	swait.ge [sflag:s14], $0x3E80  }
0x4d7: {  	[sflag:s14] =	ssyncset.done $0x0  }
0x4d8: {  	s25 =	simm.s32 $0x1500;
	[sflag:s14] =	ssyncadd.s32 $0xFFFFC180  }
0x4d9: {  	[spmem:s3] =	stream.indirect.scatter.add.f32 [tilespmem:s13], [sflag:$0x3], $0x80, s25, s12, $0xb8;
	[tilespmem:$0x1D800] =	vst v63  }
0x4da: {  	_ =	swait.ge [sflag:s22], $0x3E80  }
0x4db: {  	[sflag:s22] =	ssyncset.done $0x0  }
0x4dc: {  	s25 =	simm.s32 $0x980;
	[sflag:s22] =	ssyncadd.s32 $0xFFFFC180  }
0x4dd: {  	[tilespmem:s16], [sflag:$0x2] =	stream.indirect.gather [hbm4b:s2+s12], $0x80, s25, s12, $0xb8;
	[tilespmem:$0x1D800] =	vst v63  }
0x4de: {  	_ =	swait.ge [sflag:s17], $0x3E80  }
0x4df: {  	[sflag:s17] =	ssyncset.done $0x0  }
0x4e0: {  	s25 =	simm.s32 $0x1580;
	[sflag:s17] =	ssyncadd.s32 $0xFFFFC180  }
0x4e1: {  	[spmem:s3] =	stream.indirect.scatter.add.f32 [tilespmem:s16], [sflag:$0x4], $0x80, s25, s12, $0xb8;
	[tilespmem:$0x1D800] =	vst v63  }
0x4e2: {  	_ =	swait.ge [sflag:s19], $0x3E80  }
0x4e3: {  	[sflag:s19] =	ssyncset.done $0x0  }
0x4e4: {  	[sflag:s19] =	ssyncadd.s32 $0xFFFFC180  }
0x4e5: {  	_ =	swait.ge [sflag:s22], $0x3E80  }
0x4e6: {  	[sflag:s22] =	ssyncset.done $0x0  }
0x4e7: {  	s25 =	rddreg [dreg:$0xd];
	[sflag:s22] =	ssyncadd.s32 $0xFFFFC180  }
0x4e8: {  	[tilespmem:s0], [sflag:$0x5] =	stream.linear.gather [hbm4b:s25+s0], $0xA00, $0x38;
	[tilespmem:$0x1D800] =	vst v63  }
0x4e9: {  	_ =	swait.ge [sflag:s10], $0xA00  }
0x4ea: {  	[sflag:s10] =	ssyncset.done $0x0  }
0x4eb: {  	s25 =	rddreg [dreg:$0xe];
	[sflag:s10] =	ssyncadd.s32 $0xFFFFF600  }
0x4ec: {  	[tilespmem:s4], [sflag:$0x5] =	stream.linear.gather [hbm4b:s25+s0], $0xA00, $0x38;
	[tilespmem:$0x1D800] =	vst v63  }
0x4ed: {  	_ =	swait.ge [sflag:s10], $0xA00  }
0x4ee: {  	[sflag:s10] =	ssyncset.done $0x0  }
0x4ef: {  	[sflag:s10] =	ssyncadd.s32 $0xFFFFF600  }
0x4f0: {  	[tilespmem:s13], [sflag:$0x1] =	stream.indirect.gather [hbm4b:s2+s12], $0x80, s0, s12, $0xb8;
	[tilespmem:$0x1D800] =	vst v63  }
0x4f1: {  	_ =	swait.ge [sflag:s14], $0x3E80  }
0x4f2: {  	[sflag:s14] =	ssyncset.done $0x0  }
0x4f3: {  	[sflag:s14] =	ssyncadd.s32 $0xFFFFC180  }
0x4f4: {  	[spmem:s3] =	stream.indirect.scatter.add.f32 [tilespmem:s13], [sflag:$0x3], $0x80, s4, s12, $0xb8;
	[tilespmem:$0x1D800] =	vst v63  }
0x4f5: {  	s25 =	simm.s32 $0x80  }
0x4f6: {  	[tilespmem:s16], [sflag:$0x2] =	stream.indirect.gather [hbm4b:s2+s12], $0x80, s25, s12, $0xb8;
	[tilespmem:$0x1D800] =	vst v63  }
0x4f7: {  	_ =	swait.ge [sflag:s17], $0x3E80  }
0x4f8: {  	[sflag:s17] =	ssyncset.done $0x0  }
0x4f9: {  	s25 =	simm.s32 $0xC80;
	[sflag:s17] =	ssyncadd.s32 $0xFFFFC180  }
0x4fa: {  	[spmem:s3] =	stream.indirect.scatter.add.f32 [tilespmem:s16], [sflag:$0x4], $0x80, s25, s12, $0xb8;
	[tilespmem:$0x1D800] =	vst v63  }
0x4fb: {  	_ =	swait.ge [sflag:s19], $0x3E80  }
0x4fc: {  	[sflag:s19] =	ssyncset.done $0x0  }
0x4fd: {  	s25 =	simm.s32 $0x100;
	[sflag:s19] =	ssyncadd.s32 $0xFFFFC180  }
0x4fe: {  	[tilespmem:s13], [sflag:$0x1] =	stream.indirect.gather [hbm4b:s2+s12], $0x80, s25, s12, $0xb8;
	[tilespmem:$0x1D800] =	vst v63  }
0x4ff: {  	_ =	swait.ge [sflag:s14], $0x3E80  }
0x500: {  	[sflag:s14] =	ssyncset.done $0x0  }
0x501: {  	s1 =	simm.s32 $0xD00;
	[sflag:s14] =	ssyncadd.s32 $0xFFFFC180  }
0x502: {  	[spmem:s3] =	stream.indirect.scatter.add.f32 [tilespmem:s13], [sflag:$0x3], $0x80, s1, s12, $0xb8;
	[tilespmem:$0x1D800] =	vst v63  }
0x503: {  	_ =	swait.ge [sflag:s22], $0x3E80  }
0x504: {  	[sflag:s22] =	ssyncset.done $0x0  }
0x505: {  	s5 =	simm.s32 $0x180;
	[sflag:s22] =	ssyncadd.s32 $0xFFFFC180  }
0x506: {  	[tilespmem:s16], [sflag:$0x2] =	stream.indirect.gather [hbm4b:s2+s12], $0x80, s5, s12, $0xb8;
	[tilespmem:$0x1D800] =	vst v63  }
0x507: {  	_ =	swait.ge [sflag:s17], $0x3E80  }
0x508: {  	[sflag:s17] =	ssyncset.done $0x0  }
0x509: {  	s6 =	simm.s32 $0xD80;
	[sflag:s17] =	ssyncadd.s32 $0xFFFFC180  }
0x50a: {  	[spmem:s3] =	stream.indirect.scatter.add.f32 [tilespmem:s16], [sflag:$0x4], $0x80, s6, s12, $0xb8;
	[tilespmem:$0x1D800] =	vst v63  }
0x50b: {  	_ =	swait.ge [sflag:s19], $0x3E80  }
0x50c: {  	[sflag:s19] =	ssyncset.done $0x0  }
0x50d: {  	s25 =	simm.s32 $0x200;
	[sflag:s19] =	ssyncadd.s32 $0xFFFFC180  }
0x50e: {  	[tilespmem:s13], [sflag:$0x1] =	stream.indirect.gather [hbm4b:s2+s12], $0x80, s25, s12, $0xb8;
	[tilespmem:$0x1D800] =	vst v63  }
0x50f: {  	_ =	swait.ge [sflag:s14], $0x3E80  }
0x510: {  	[sflag:s14] =	ssyncset.done $0x0  }
0x511: {  	s5 =	simm.s32 $0xE00;
	[sflag:s14] =	ssyncadd.s32 $0xFFFFC180  }
0x512: {  	[spmem:s3] =	stream.indirect.scatter.add.f32 [tilespmem:s13], [sflag:$0x3], $0x80, s5, s12, $0xb8;
	[tilespmem:$0x1D800] =	vst v63  }
0x513: {  	_ =	swait.ge [sflag:s22], $0x3E80  }
0x514: {  	[sflag:s22] =	ssyncset.done $0x0  }
0x515: {  	s9 =	simm.s32 $0x280;
	[sflag:s22] =	ssyncadd.s32 $0xFFFFC180  }
0x516: {  	[tilespmem:s16], [sflag:$0x2] =	stream.indirect.gather [hbm4b:s2+s12], $0x80, s9, s12, $0xb8;
	[tilespmem:$0x1D800] =	vst v63  }
0x517: {  	_ =	swait.ge [sflag:s17], $0x3E80  }
0x518: {  	[sflag:s17] =	ssyncset.done $0x0  }
0x519: {  	s11 =	simm.s32 $0xE80;
	[sflag:s17] =	ssyncadd.s32 $0xFFFFC180  }
0x51a: {  	[spmem:s3] =	stream.indirect.scatter.add.f32 [tilespmem:s16], [sflag:$0x4], $0x80, s11, s12, $0xb8;
	[tilespmem:$0x1D800] =	vst v63  }
0x51b: {  	_ =	swait.ge [sflag:s19], $0x3E80  }
0x51c: {  	[sflag:s19] =	ssyncset.done $0x0  }
0x51d: {  	s15 =	simm.s32 $0x300;
	[sflag:s19] =	ssyncadd.s32 $0xFFFFC180  }
0x51e: {  	[tilespmem:s13], [sflag:$0x1] =	stream.indirect.gather [hbm4b:s2+s12], $0x80, s15, s12, $0xb8;
	[tilespmem:$0x1D800] =	vst v63  }
0x51f: {  	_ =	swait.ge [sflag:s14], $0x3E80  }
0x520: {  	[sflag:s14] =	ssyncset.done $0x0  }
0x521: {  	s7 =	simm.s32 $0xF00;
	[sflag:s14] =	ssyncadd.s32 $0xFFFFC180  }
0x522: {  	[spmem:s3] =	stream.indirect.scatter.add.f32 [tilespmem:s13], [sflag:$0x3], $0x80, s7, s12, $0xb8;
	[tilespmem:$0x1D800] =	vst v63  }
0x523: {  	_ =	swait.ge [sflag:s22], $0x3E80  }
0x524: {  	[sflag:s22] =	ssyncset.done $0x0  }
0x525: {  	s6 =	simm.s32 $0x380;
	[sflag:s22] =	ssyncadd.s32 $0xFFFFC180  }
0x526: {  	[tilespmem:s16], [sflag:$0x2] =	stream.indirect.gather [hbm4b:s2+s12], $0x80, s6, s12, $0xb8;
	[tilespmem:$0x1D800] =	vst v63  }
0x527: {  	_ =	swait.ge [sflag:s17], $0x3E80  }
0x528: {  	[sflag:s17] =	ssyncset.done $0x0  }
0x529: {  	s8 =	simm.s32 $0xF80;
	[sflag:s17] =	ssyncadd.s32 $0xFFFFC180  }
0x52a: {  	[spmem:s3] =	stream.indirect.scatter.add.f32 [tilespmem:s16], [sflag:$0x4], $0x80, s8, s12, $0xb8;
	[tilespmem:$0x1D800] =	vst v63  }
0x52b: {  	_ =	swait.ge [sflag:s19], $0x3E80  }
0x52c: {  	[sflag:s19] =	ssyncset.done $0x0  }
0x52d: {  	s18 =	simm.s32 $0x400;
	[sflag:s19] =	ssyncadd.s32 $0xFFFFC180  }
0x52e: {  	[tilespmem:s13], [sflag:$0x1] =	stream.indirect.gather [hbm4b:s2+s12], $0x80, s18, s12, $0xb8;
	[tilespmem:$0x1D800] =	vst v63  }
0x52f: {  	_ =	swait.ge [sflag:s14], $0x3E80  }
0x530: {  	[sflag:s14] =	ssyncset.done $0x0  }
0x531: {  	s7 =	simm.s32 $0x1000;
	[sflag:s14] =	ssyncadd.s32 $0xFFFFC180  }
0x532: {  	[spmem:s3] =	stream.indirect.scatter.add.f32 [tilespmem:s13], [sflag:$0x3], $0x80, s7, s12, $0xb8;
	[tilespmem:$0x1D800] =	vst v63  }
0x533: {  	_ =	swait.ge [sflag:s22], $0x3E80  }
0x534: {  	[sflag:s22] =	ssyncset.done $0x0  }
0x535: {  	s20 =	simm.s32 $0x480;
	[sflag:s22] =	ssyncadd.s32 $0xFFFFC180  }
0x536: {  	[tilespmem:s16], [sflag:$0x2] =	stream.indirect.gather [hbm4b:s2+s12], $0x80, s20, s12, $0xb8;
	[tilespmem:$0x1D800] =	vst v63  }
0x537: {  	_ =	swait.ge [sflag:s17], $0x3E80  }
0x538: {  	[sflag:s17] =	ssyncset.done $0x0  }
0x539: {  	s21 =	simm.s32 $0x1080;
	[sflag:s17] =	ssyncadd.s32 $0xFFFFC180  }
0x53a: {  	[spmem:s3] =	stream.indirect.scatter.add.f32 [tilespmem:s16], [sflag:$0x4], $0x80, s21, s12, $0xb8;
	[tilespmem:$0x1D800] =	vst v63  }
0x53b: {  	_ =	swait.ge [sflag:s19], $0x3E80  }
0x53c: {  	[sflag:s19] =	ssyncset.done $0x0  }
0x53d: {  	s24 =	simm.s32 $0x500;
	[sflag:s19] =	ssyncadd.s32 $0xFFFFC180  }
0x53e: {  	[tilespmem:s13], [sflag:$0x1] =	stream.indirect.gather [hbm4b:s2+s12], $0x80, s24, s12, $0xb8;
	[tilespmem:$0x1D800] =	vst v63  }
0x53f: {  	_ =	swait.ge [sflag:s14], $0x3E80  }
0x540: {  	[sflag:s14] =	ssyncset.done $0x0  }
0x541: {  	s26 =	simm.s32 $0x1100;
	[sflag:s14] =	ssyncadd.s32 $0xFFFFC180  }
0x542: {  	[spmem:s3] =	stream.indirect.scatter.add.f32 [tilespmem:s13], [sflag:$0x3], $0x80, s26, s12, $0xb8;
	[tilespmem:$0x1D800] =	vst v63  }
0x543: {  	_ =	swait.ge [sflag:s22], $0x3E80  }
0x544: {  	[sflag:s22] =	ssyncset.done $0x0  }
0x545: {  	s28 =	simm.s32 $0x580;
	[sflag:s22] =	ssyncadd.s32 $0xFFFFC180  }
0x546: {  	[tilespmem:s16], [sflag:$0x2] =	stream.indirect.gather [hbm4b:s2+s12], $0x80, s28, s12, $0xb8;
	[tilespmem:$0x1D800] =	vst v63  }
0x547: {  	_ =	swait.ge [sflag:s17], $0x3E80  }
0x548: {  	[sflag:s17] =	ssyncset.done $0x0  }
0x549: {  	s29 =	simm.s32 $0x1180;
	[sflag:s17] =	ssyncadd.s32 $0xFFFFC180  }
0x54a: {  	[spmem:s3] =	stream.indirect.scatter.add.f32 [tilespmem:s16], [sflag:$0x4], $0x80, s29, s12, $0xb8;
	[tilespmem:$0x1D800] =	vst v63  }
0x54b: {  	_ =	swait.ge [sflag:s19], $0x3E80  }
0x54c: {  	[sflag:s19] =	ssyncset.done $0x0  }
0x54d: {  	s30 =	simm.s32 $0x600;
	[sflag:s19] =	ssyncadd.s32 $0xFFFFC180  }
0x54e: {  	[tilespmem:s13], [sflag:$0x1] =	stream.indirect.gather [hbm4b:s2+s12], $0x80, s30, s12, $0xb8;
	[tilespmem:$0x1D800] =	vst v63  }
0x54f: {  	_ =	swait.ge [sflag:s14], $0x3E80  }
0x550: {  	[sflag:s14] =	ssyncset.done $0x0  }
0x551: {  	s31 =	simm.s32 $0x1200;
	[sflag:s14] =	ssyncadd.s32 $0xFFFFC180  }
0x552: {  	[spmem:s3] =	stream.indirect.scatter.add.f32 [tilespmem:s13], [sflag:$0x3], $0x80, s31, s12, $0xb8;
	[tilespmem:$0x1D800] =	vst v63  }
0x553: {  	_ =	swait.ge [sflag:s22], $0x3E80  }
0x554: {  	[sflag:s22] =	ssyncset.done $0x0  }
0x555: {  	s8 =	simm.s32 $0x680;
	[sflag:s22] =	ssyncadd.s32 $0xFFFFC180  }
0x556: {  	[tilespmem:s16], [sflag:$0x2] =	stream.indirect.gather [hbm4b:s2+s12], $0x80, s8, s12, $0xb8;
	[tilespmem:$0x1D800] =	vst v63  }
0x557: {  	_ =	swait.ge [sflag:s17], $0x3E80  }
0x558: {  	[sflag:s17] =	ssyncset.done $0x0  }
0x559: {  	s9 =	simm.s32 $0x1280;
	[sflag:s17] =	ssyncadd.s32 $0xFFFFC180  }
0x55a: {  	[spmem:s3] =	stream.indirect.scatter.add.f32 [tilespmem:s16], [sflag:$0x4], $0x80, s9, s12, $0xb8;
	[tilespmem:$0x1D800] =	vst v63  }
0x55b: {  	_ =	swait.ge [sflag:s19], $0x3E80  }
0x55c: {  	[sflag:s19] =	ssyncset.done $0x0  }
0x55d: {  	s11 =	simm.s32 $0x700;
	[sflag:s19] =	ssyncadd.s32 $0xFFFFC180  }
0x55e: {  	[tilespmem:s13], [sflag:$0x1] =	stream.indirect.gather [hbm4b:s2+s12], $0x80, s11, s12, $0xb8;
	[tilespmem:$0x1D800] =	vst v63  }
0x55f: {  	_ =	swait.ge [sflag:s14], $0x3E80  }
0x560: {  	[sflag:s14] =	ssyncset.done $0x0  }
0x561: {  	s15 =	simm.s32 $0x1300;
	[sflag:s14] =	ssyncadd.s32 $0xFFFFC180  }
0x562: {  	[spmem:s3] =	stream.indirect.scatter.add.f32 [tilespmem:s13], [sflag:$0x3], $0x80, s15, s12, $0xb8;
	[tilespmem:$0x1D800] =	vst v63  }
0x563: {  	_ =	swait.ge [sflag:s22], $0x3E80  }
0x564: {  	[sflag:s22] =	ssyncset.done $0x0  }
0x565: {  	s18 =	simm.s32 $0x780;
	[sflag:s22] =	ssyncadd.s32 $0xFFFFC180  }
0x566: {  	[tilespmem:s16], [sflag:$0x2] =	stream.indirect.gather [hbm4b:s2+s12], $0x80, s18, s12, $0xb8;
	[tilespmem:$0x1D800] =	vst v63  }
0x567: {  	_ =	swait.ge [sflag:s17], $0x3E80  }
0x568: {  	[sflag:s17] =	ssyncset.done $0x0  }
0x569: {  	s20 =	simm.s32 $0x1380;
	[sflag:s17] =	ssyncadd.s32 $0xFFFFC180  }
0x56a: {  	[spmem:s3] =	stream.indirect.scatter.add.f32 [tilespmem:s16], [sflag:$0x4], $0x80, s20, s12, $0xb8;
	[tilespmem:$0x1D800] =	vst v63  }
0x56b: {  	_ =	swait.ge [sflag:s19], $0x3E80  }
0x56c: {  	[sflag:s19] =	ssyncset.done $0x0  }
0x56d: {  	s21 =	simm.s32 $0x800;
	[sflag:s19] =	ssyncadd.s32 $0xFFFFC180  }
0x56e: {  	[tilespmem:s13], [sflag:$0x1] =	stream.indirect.gather [hbm4b:s2+s12], $0x80, s21, s12, $0xb8;
	[tilespmem:$0x1D800] =	vst v63  }
0x56f: {  	_ =	swait.ge [sflag:s14], $0x3E80  }
0x570: {  	[sflag:s14] =	ssyncset.done $0x0  }
0x571: {  	s24 =	simm.s32 $0x1400;
	[sflag:s14] =	ssyncadd.s32 $0xFFFFC180  }
0x572: {  	[spmem:s3] =	stream.indirect.scatter.add.f32 [tilespmem:s13], [sflag:$0x3], $0x80, s24, s12, $0xb8;
	[tilespmem:$0x1D800] =	vst v63  }
0x573: {  	_ =	swait.ge [sflag:s22], $0x3E80  }
0x574: {  	[sflag:s22] =	ssyncset.done $0x0  }
0x575: {  	s25 =	simm.s32 $0x880;
	[sflag:s22] =	ssyncadd.s32 $0xFFFFC180  }
0x576: {  	[tilespmem:s16], [sflag:$0x2] =	stream.indirect.gather [hbm4b:s2+s12], $0x80, s25, s12, $0xb8;
	[tilespmem:$0x1D800] =	vst v63  }
0x577: {  	_ =	swait.ge [sflag:s17], $0x3E80  }
0x578: {  	[sflag:s17] =	ssyncset.done $0x0  }
0x579: {  	s26 =	simm.s32 $0x1480;
	[sflag:s17] =	ssyncadd.s32 $0xFFFFC180  }
0x57a: {  	[spmem:s3] =	stream.indirect.scatter.add.f32 [tilespmem:s16], [sflag:$0x4], $0x80, s26, s12, $0xb8;
	[tilespmem:$0x1D800] =	vst v63  }
0x57b: {  	_ =	swait.ge [sflag:s19], $0x3E80  }
0x57c: {  	[sflag:s19] =	ssyncset.done $0x0  }
0x57d: {  	s28 =	simm.s32 $0x900;
	[sflag:s19] =	ssyncadd.s32 $0xFFFFC180  }
0x57e: {  	[tilespmem:s13], [sflag:$0x1] =	stream.indirect.gather [hbm4b:s2+s12], $0x80, s28, s12, $0xb8;
	[tilespmem:$0x1D800] =	vst v63  }
0x57f: {  	_ =	swait.ge [sflag:s14], $0x3E80  }
0x580: {  	[sflag:s14] =	ssyncset.done $0x0  }
0x581: {  	s29 =	simm.s32 $0x1500;
	[sflag:s14] =	ssyncadd.s32 $0xFFFFC180  }
0x582: {  	[spmem:s3] =	stream.indirect.scatter.add.f32 [tilespmem:s13], [sflag:$0x3], $0x80, s29, s12, $0xb8;
	[tilespmem:$0x1D800] =	vst v63  }
0x583: {  	_ =	swait.ge [sflag:s22], $0x3E80  }
0x584: {  	[sflag:s22] =	ssyncset.done $0x0  }
0x585: {  	s30 =	simm.s32 $0x980;
	[sflag:s22] =	ssyncadd.s32 $0xFFFFC180  }
0x586: {  	[tilespmem:s16], [sflag:$0x2] =	stream.indirect.gather [hbm4b:s2+s12], $0x80, s30, s12, $0xb8;
	[tilespmem:$0x1D800] =	vst v63  }
0x587: {  	_ =	swait.ge [sflag:s17], $0x3E80  }
0x588: {  	[sflag:s17] =	ssyncset.done $0x0  }
0x589: {  	s31 =	simm.s32 $0x1580;
	[sflag:s17] =	ssyncadd.s32 $0xFFFFC180  }
0x58a: {  	[spmem:s3] =	stream.indirect.scatter.add.f32 [tilespmem:s16], [sflag:$0x4], $0x80, s31, s12, $0xb8;
	[tilespmem:$0x1D800] =	vst v63  }
0x58b: {  	_ =	swait.ge [sflag:s19], $0x3E80  }
0x58c: {  	[sflag:s19] =	ssyncset.done $0x0  }
0x58d: {  	[sflag:s19] =	ssyncadd.s32 $0xFFFFC180  }
0x58e: {  	_ =	swait.ge [sflag:s22], $0x3E80  }
0x58f: {  	[sflag:s22] =	ssyncset.done $0x0  }
0x590: {  	[sflag:s22] =	ssyncadd.s32 $0xFFFFC180  }
0x591: {  	[bflag:$0x0] =	sbarrier.arrive $0xFFFF  }
0x592: {  	s25 =	rddreg [dreg:$0x10]  }
0x593: {  	s1 =	simm.s32 @p0 $0x1FC5;
	s5 =	rddreg [dreg:$0x11]  }
0x594: {  	[hbm:s25], [sflag:s1] =	dma.local @p0 [spmem:s5], $0x1900  }
0x595: {  	s23 =	sadd.s32 $0xFFFFFFFF, s23;
	s1 =	simm.s32 @p0 $0x5  }
0x596: {  	p1 =	sne.s32 s23, $0x0;
	_ =	swait.ge @p0 [sflag:s1], $0x1900  }
.Ltmp1:
0x597: {  	s25 =	rddreg [dreg:$0xf];
	(pc) =	sbr.rel @p1 .LBB2_2-.Ltmp1, $4  }
0x598: {  	[sflag:s1] =	ssyncset.done @p0 $0x0;
	s1 =	simm.s32 @p0 $0x5;
	s5 =	rddreg [dreg:$0x13]  }
0x599: {  	s0 =	simm.s32 @!p0 $0x5;
	[sflag:s1] =	ssyncadd.s32 @p0 $0xFFFFE700;
	s1 =	rddreg [dreg:$0x12]  }
0x59a: {  	[hbm:s25], [sflag:s1] =	dma.local @!p0 [spmem:s5], $0x2800  }
0x59b: {  	_ =	swait.ge @!p0 [sflag:s0], $0x2800  }
.LBB2_3:
0x59c: {  	[sflag:s0] =	ssyncset.done @!p0 $0x0  }
0x59d: {  	[sflag:s0] =	ssyncadd.s32 @!p0 $0xFFFFD800  }
0x59e: {  	_ =	sfence.sel $0x180000  }
0x59f: {  	[bflag:$0x0] =	sbarrier.arrive $0xFFFF  }
0x5a0: {  	_ =	strace $0x9000004A  }
0x5a1: {  	s31 =	stileid.u32;
	[bflag:$0x2] =	sbarrier.arrive $0xFFFF  }
0x5a2: {  	p0 =	sne.s32 s31, $0x0;
	s0 =	rddreg [dreg:$0x3]  }
0x5a3: {  	s0 =	sadd.s32 @!p0 $0x100000, s0  }
0x5a4: {  	[sflag:s0] =	ssyncadd.tile.s32 @!p0 $0x1;
	_ =	shalt  }
.Lfunc_end2:
_tile_overlayer_lowered:
.L_overlay_start_2:
0x5a5: {  	(tag) =	ssettag $0x2  }
0x5a6: {  	s0 =	rddreg [dreg:$0x0];
	s2 =	stileid.u32  }
0x5a7: {  	s1 =	rddreg [dreg:$0x1];
	p0 =	sne.s32 s2, $0x0  }
0x5a8: {  	s3 =	rddreg [dreg:$0x2];
	[bflag:$0x3] =	sbarrier.arrive $0xFFFF;
	s2 =	simm.s32 @!p0 $0x1C05  }
0x5a9: {  	[timem:s3], [sflag:s2] =	dma.local @!p0 [hbm:s0], s1  }
0x5aa: {  	s0 =	simm.s32 @!p0 $0x5  }
0x5ab: {  	_ =	swait.ge @!p0 [sflag:s0], s1  }
0x5ac: {  	s1 =	ssub.s32 @!p0 $0x0, s1;
	[sflag:s0] =	ssyncset.done @!p0 $0x0  }
0x5ad: {  	[sflag:s0] =	ssyncadd.s32 @!p0 s1  }
0x5ae: {  	[bflag:$0x3] =	sbarrier.arrive $0xFFFF  }
0x5af: {  	_ =	shalt  }

</sc_bundles>
